<compile_context>
chip_gen: v7x
topology: tpu7x:2x2x1
jax: 0.10.2.dev20260603
libtpu: 0.0.44.dev20260713+nightly
codegen_flags: <defaults>
</compile_context>

<pallas_src>
import functools

import jax
import jax.numpy as jnp
from jax import lax
from jax.experimental import pallas as pl
from jax.experimental.pallas import tpu as pltpu
from jax.experimental.pallas import tpu_sc as plsc


def _mm(x, w, bn):
    n, k = x.shape
    m = w.shape[1]
    nb = n // bn

    def body(x_ref, w_ref, o_ref):
        o_ref[...] = jnp.dot(x_ref[...], w_ref[...],
                             preferred_element_type=jnp.float32)

    return pl.pallas_call(
        body,
        grid=(nb,),
        in_specs=[pl.BlockSpec((bn, k), lambda i: (i, 0)),
                  pl.BlockSpec((k, m), lambda i: (0, 0))],
        out_specs=pl.BlockSpec((bn, m), lambda i: (i, 0)),
        out_shape=jax.ShapeDtypeStruct((n, m), jnp.float32),
    )(x, w)


def _make_gather_sum(np_, seq, c, ch, elu):
    info = plsc.get_sparse_core_info()
    nc, ns = info.num_cores, info.num_subcores
    nw = nc * ns
    npw = np_ // nw
    nch = npw // ch
    g = ch * seq
    nj = c // 16
    mesh = plsc.VectorSubcoreMesh(core_axis_name="c", subcore_axis_name="s")

    @functools.partial(
        pl.kernel, mesh=mesh,
        out_type=jax.ShapeDtypeStruct((np_, c), jnp.float32),
        scratch_types=[
            pltpu.VMEM((npw * seq,), jnp.int32),
            pltpu.VMEM((g, c), jnp.float32),
            pltpu.VMEM((g, c), jnp.float32),
            pltpu.VMEM((ch, c), jnp.float32),
            pltpu.VMEM((c,), jnp.float32),
            pltpu.SemaphoreType.DMA,
            pltpu.SemaphoreType.DMA,
        ],
        compiler_params=pltpu.CompilerParams(use_tc_tiling_on_sc=False),
    )
    def k(table_hbm, idx_hbm, b_hbm, out_hbm,
          idx_v, rows0, rows1, hv, b_v, sem0, sem1):
        wid = lax.axis_index("s") * nc + lax.axis_index("c")
        base_node = wid * npw
        pltpu.sync_copy(idx_hbm.at[pl.ds(base_node * seq, npw * seq)], idx_v)
        pltpu.sync_copy(b_hbm, b_v)
        bias = [b_v[pl.ds(16 * j, 16)] for j in range(nj)]

        def fire(cidx, rows_v, sem):
            pltpu.async_copy(
                table_hbm.at[idx_v.at[pl.ds(cidx * g, g)]], rows_v, sem)

        def drain(cidx, rows_v, sem):
            pltpu.make_async_copy(
                table_hbm.at[idx_v.at[pl.ds(cidx * g, g)]], rows_v, sem
            ).wait()

        def compute(cidx, rows_v):
            def node_body(i, carry2):
                r0 = i * seq
                for j in range(nj):
                    acc = rows_v[r0, pl.ds(16 * j, 16)]
                    for s in range(1, seq):
                        acc = acc + rows_v[r0 + s, pl.ds(16 * j, 16)]
                    acc = acc + bias[j]
                    if elu:
                        acc = jnp.where(
                            acc > 0.0,
                            acc,
                            jnp.exp(jnp.minimum(acc, 0.0)) - 1.0)
                    hv[i, pl.ds(16 * j, 16)] = acc
                return carry2

            lax.fori_loop(0, ch, node_body, 0)
            pltpu.sync_copy(hv, out_hbm.at[pl.ds(base_node + cidx * ch, ch)])

        fire(0, rows0, sem0)

        def pair_body(p, carry):
            c0 = 2 * p
            fire(c0 + 1, rows1, sem1)
            drain(c0, rows0, sem0)
            compute(c0, rows0)
            fire(jnp.minimum(c0 + 2, nch - 1), rows0, sem0)
            drain(c0 + 1, rows1, sem1)
            compute(c0 + 1, rows1)
            return carry

        lax.fori_loop(0, nch // 2, pair_body, 0)
        drain(nch - 1, rows0, sem0)

    return k


def kernel(x, spiral_indices, W1, b1, W2, b2):
    n = x.shape[0]
    seq = spiral_indices.shape[1]
    xs = jnp.squeeze(x, -1)
    d0 = xs.shape[1]
    d1 = W1.shape[1]
    d2 = W2.shape[1]

    np_ = ((n + 2047) // 2048) * 2048
    xp = jnp.pad(xs, ((0, np_ - n), (0, 0)))
    pad_idx = ((jnp.arange(np_ - n, dtype=jnp.int32)[:, None]
                + jnp.arange(seq, dtype=jnp.int32)[None, :]) * 97) % n
    idxp = jnp.concatenate([spiral_indices, pad_idx], axis=0)

    wc1 = W1.reshape(seq, d0, d1).transpose(1, 0, 2).reshape(d0, seq * d1)
    wc2 = W2.reshape(seq, d1, d2).transpose(1, 0, 2).reshape(d1, seq * d2)

    s_ar = jnp.arange(seq, dtype=jnp.int32)[None, :]
    idx2 = (idxp * seq + s_ar).reshape(-1)

    p1 = _mm(xp, wc1, 2048).reshape(np_ * seq, d1)
    h = _make_gather_sum(np_, seq, d1, 16, True)(p1, idx2, b1)
    p2 = _mm(h, wc2, 2048).reshape(np_ * seq, d2)
    o = _make_gather_sum(np_, seq, d2, 16, False)(p2, idx2, b2)
    return o[:n, :, None]

# --- scband reference (transcript-rebuilt; emitter-appended) ---
"""Pipeline reference for scband-spiral-net-11819749998924 (READ-ONLY COPY).

The authoritative reference and input builder live on the scoring server;
editing this copy changes nothing except your own understanding.
"""

import jax, jax.numpy as jnp
import numpy as np

N = 50000
SEQ = 16
DIMS = [64, 64, 32]


def _spiral_conv(x, indices, W, b):
    # x: [N, in_ch], indices: [N, SEQ]
    gathered = x[indices]                      # [N, SEQ, in_ch] gather
    flat = gathered.reshape(x.shape[0], -1)    # [N, SEQ*in_ch]
    return flat @ W + b                        # [N, out_ch]


def setup_inputs(seed: int = 0) -> dict:
    key = jax.random.key(seed)
    k1, k2, k3, k4 = jax.random.split(key, 4)
    x = jax.random.normal(k1, (N, DIMS[0], 1), dtype=jnp.float32)
    spiral_indices = jax.random.randint(k2, (N, SEQ), 0, N, dtype=jnp.int32)
    W1 = (jax.random.normal(k3, (DIMS[0] * SEQ, DIMS[1]), dtype=jnp.float32) * 0.02)
    b1 = jnp.zeros((DIMS[1],), dtype=jnp.float32)
    W2 = (jax.random.normal(k4, (DIMS[1] * SEQ, DIMS[2]), dtype=jnp.float32) * 0.02)
    b2 = jnp.zeros((DIMS[2],), dtype=jnp.float32)
    return {"x": x, "spiral_indices": spiral_indices, "W1": W1, "b1": b1, "W2": W2, "b2": b2}


def reference(x, spiral_indices, W1, b1, W2, b2):
    # SpiralNet.forward: x = data.x.squeeze(-1)
    h = jnp.squeeze(x, -1)                                   # [N, 64]
    # layer 0: SpiralConv(64 -> 64) + ELU
    h = _spiral_conv(h, spiral_indices, W1, b1)
    h = jax.nn.elu(h)
    # final layer: SpiralConv(64 -> 32), final_activation=False
    h = _spiral_conv(h, spiral_indices, W2, b2)
    return h[:, :, None]                                      # [N, 32, 1]

if __name__ == "__main__":
    import jax
    _d = setup_inputs()
    print(jax.jit(kernel)(*tuple(_d.values())))

</pallas_src>

<mosaic_0001>
#map = affine_map<(d0, d1) -> (0, 0)>
#map1 = affine_map<(d0, d1) -> (0)>
module attributes {stable_mosaic.version = 14 : i64} {
  func.func @k(%arg0: i32, %arg1: i32, %arg2: memref<819200x32xf32, #tpu.memory_space<hbm>>, %arg3: memref<819200xi32, #tpu.memory_space<hbm>>, %arg4: memref<32xf32, #tpu.memory_space<hbm>>, %arg5: memref<51200x32xf32, #tpu.memory_space<hbm>>, %arg6: memref<25600xi32, #tpu.memory_space<vmem>>, %arg7: memref<256x32xf32, #tpu.memory_space<vmem>>, %arg8: memref<256x32xf32, #tpu.memory_space<vmem>>, %arg9: memref<16x32xf32, #tpu.memory_space<vmem>>, %arg10: memref<32xf32, #tpu.memory_space<vmem>>, %arg11: memref<!tpu.dma_semaphore, #tpu.memory_space<semaphore_mem>>, %arg12: memref<!tpu.dma_semaphore, #tpu.memory_space<semaphore_mem>>) attributes {dimension_semantics = [#tpu.dimension_semantics<core_parallel>, #tpu.dimension_semantics<subcore_parallel>], iteration_bounds = array<i64: 2, 16>, scalar_prefetch = 0 : i64, scratch_operands = 7 : i64, tpu.core_type = #tpu.core_type<sc_vector_subcore>, window_params = [{transform_indices = #map}, {transform_indices = #map1}, {transform_indices = #map1}, {transform_indices = #map}]} {
    %mul3A = arith.constant 2 : i32
    %mul3A_0 = arith.muli %arg1, %mul3A : i32
    %add3A = arith.addi %mul3A_0, %arg0 : i32
    %mul3A_1 = arith.constant 1600 : i32
    %mul3A_2 = arith.muli %add3A, %mul3A_1 : i32
    %mul3A_3 = arith.constant 16 : i32
    %mul3A_4 = arith.muli %mul3A_2, %mul3A_3 : i32
    "tpu.region"() ({
      %run_scoped3A = tpu.sem_alloc : memref<!tpu.dma_semaphore, #tpu.memory_space<semaphore_mem>>
      %dma_start3A_23 = tpu.memref_slice %arg3[%mul3A_4] : memref<819200xi32, #tpu.memory_space<hbm>> -> memref<25600xi32, #tpu.memory_space<hbm>>
      %dma_start3A_24 = tpu.memref_slice %arg3[%mul3A_4] : memref<819200xi32, #tpu.memory_space<hbm>> -> memref<25600xi32, #tpu.memory_space<hbm>>
      tpu.enqueue_dma source(%dma_start3A_24 : memref<25600xi32, #tpu.memory_space<hbm>>) target(%arg6 : memref<25600xi32, #tpu.memory_space<vmem>>) target_semaphore(%run_scoped3A : memref<!tpu.dma_semaphore, #tpu.memory_space<semaphore_mem>>)
      %dma_wait3A_25 = tpu.memref_slice %arg3[%mul3A_4] : memref<819200xi32, #tpu.memory_space<hbm>> -> memref<25600xi32, #tpu.memory_space<hbm>>
      %dma_wait3A_26 = tpu.memref_slice %arg3[%mul3A_4] : memref<819200xi32, #tpu.memory_space<hbm>> -> memref<25600xi32, #tpu.memory_space<hbm>>
      tpu.wait_dma2 semaphore(%run_scoped3A : memref<!tpu.dma_semaphore, #tpu.memory_space<semaphore_mem>>) src(%dma_wait3A_26 : memref<25600xi32, #tpu.memory_space<hbm>>) dst(%arg6 : memref<25600xi32, #tpu.memory_space<vmem>>)
      tpu.yield
    }) : () -> ()
    "tpu.region"() ({
      %run_scoped3A = tpu.sem_alloc : memref<!tpu.dma_semaphore, #tpu.memory_space<semaphore_mem>>
      tpu.enqueue_dma source(%arg4 : memref<32xf32, #tpu.memory_space<hbm>>) target(%arg10 : memref<32xf32, #tpu.memory_space<vmem>>) target_semaphore(%run_scoped3A : memref<!tpu.dma_semaphore, #tpu.memory_space<semaphore_mem>>)
      tpu.wait_dma2 semaphore(%run_scoped3A : memref<!tpu.dma_semaphore, #tpu.memory_space<semaphore_mem>>) src(%arg4 : memref<32xf32, #tpu.memory_space<hbm>>) dst(%arg10 : memref<32xf32, #tpu.memory_space<vmem>>)
      tpu.yield
    }) : () -> ()
    %get3A = arith.constant 0 : index
    %get3A_5 = tpu.vector_load %arg10[%get3A] {strides = array<i32>} : memref<32xf32, #tpu.memory_space<vmem>>, vector<16xf32>,
    %get3A_6 = vector.shape_cast %get3A_5 : vector<16xf32> to vector<16xf32>
    %get3A_7 = arith.constant 16 : index
    %get3A_8 = tpu.vector_load %arg10[%get3A_7] {strides = array<i32>} : memref<32xf32, #tpu.memory_space<vmem>>, vector<16xf32>,
    %get3A_9 = vector.shape_cast %get3A_8 : vector<16xf32> to vector<16xf32>
    %dma_start3A = arith.constant 0 : i32
    %dma_start3A_10 = tpu.memref_slice %arg6[%dma_start3A] : memref<25600xi32, #tpu.memory_space<vmem>> -> memref<256xi32, #tpu.memory_space<vmem>>
    %dma_start3A_11 = arith.constant 0 : i32
    %dma_start3A_12 = arith.constant 0 : i32
    %dma_start3A_13 = tpu.memref_slice %arg2[%dma_start3A_11, %dma_start3A_12] : memref<819200x32xf32, #tpu.memory_space<hbm>> -> memref<819200x32xf32, #tpu.memory_space<hbm>>
    tpu.enqueue_indirect_dma source(%dma_start3A_13 : memref<819200x32xf32, #tpu.memory_space<hbm>>) target(%arg7 : memref<256x32xf32, #tpu.memory_space<vmem>>) offsets(%dma_start3A_10 : memref<256xi32, #tpu.memory_space<vmem>>) semaphore(%arg11 : memref<!tpu.dma_semaphore, #tpu.memory_space<semaphore_mem>>)
    %scan3A = arith.constant 0 : i32
    %scan3A_14 = arith.constant 0 : i32
    %scan3A_15 = arith.constant 50 : i32
    %scan3A_16 = arith.addi %scan3A_14, %scan3A_15 : i32
    %scan3A_17 = arith.constant 1 : i32
    scf.for %scan3A_23 = %scan3A_14 to %scan3A_16 step %scan3A_17  : i32 {
      %mul3A_24 = arith.constant 2 : i32
      %mul3A_25 = arith.muli %mul3A_24, %scan3A_23 : i32
      %add3A_26 = arith.constant 1 : i32
      %add3A_27 = arith.addi %mul3A_25, %add3A_26 : i32
      %mul3A_28 = arith.constant 256 : i32
      %mul3A_29 = arith.muli %add3A_27, %mul3A_28 : i32
      %dma_start3A_30 = tpu.memref_slice %arg6[%mul3A_29] : memref<25600xi32, #tpu.memory_space<vmem>> -> memref<256xi32, #tpu.memory_space<vmem>>
      %dma_start3A_31 = arith.constant 0 : i32
      %dma_start3A_32 = arith.constant 0 : i32
      %dma_start3A_33 = tpu.memref_slice %arg2[%dma_start3A_31, %dma_start3A_32] : memref<819200x32xf32, #tpu.memory_space<hbm>> -> memref<819200x32xf32, #tpu.memory_space<hbm>>
      tpu.enqueue_indirect_dma source(%dma_start3A_33 : memref<819200x32xf32, #tpu.memory_space<hbm>>) target(%arg8 : memref<256x32xf32, #tpu.memory_space<vmem>>) offsets(%dma_start3A_30 : memref<256xi32, #tpu.memory_space<vmem>>) semaphore(%arg12 : memref<!tpu.dma_semaphore, #tpu.memory_space<semaphore_mem>>)
      %mul3A_34 = arith.constant 256 : i32
      %mul3A_35 = arith.muli %mul3A_25, %mul3A_34 : i32
      %dma_wait3A_36 = tpu.memref_slice %arg6[%mul3A_35] : memref<25600xi32, #tpu.memory_space<vmem>> -> memref<256xi32, #tpu.memory_space<vmem>>
      %dma_wait3A_37 = arith.constant 0 : i32
      %dma_wait3A_38 = arith.constant 0 : i32
      %dma_wait3A_39 = tpu.memref_slice %arg2[%dma_wait3A_37, %dma_wait3A_38] : memref<819200x32xf32, #tpu.memory_space<hbm>> -> memref<819200x32xf32, #tpu.memory_space<hbm>>
      tpu.wait_indirect_dma semaphore(%arg11 : memref<!tpu.dma_semaphore, #tpu.memory_space<semaphore_mem>>) src(%dma_wait3A_39 : memref<819200x32xf32, #tpu.memory_space<hbm>>) dst(%arg7 : memref<256x32xf32, #tpu.memory_space<vmem>>)
      %scan3A_40 = arith.constant 0 : i32
      %scan3A_41 = arith.constant 0 : i32
      %scan3A_42 = arith.constant 16 : i32
      %scan3A_43 = arith.addi %scan3A_41, %scan3A_42 : i32
      %scan3A_44 = arith.constant 1 : i32
      scf.for %scan3A_77 = %scan3A_41 to %scan3A_43 step %scan3A_44  : i32 {
        %mul3A_78 = arith.constant 16 : i32
        %mul3A_79 = arith.muli %scan3A_77, %mul3A_78 : i32
        %get3A_80 = arith.index_cast %mul3A_79 : i32 to index
        %get3A_81 = arith.constant 0 : index
        %get3A_82 = tpu.vector_load %arg7[%get3A_80, %get3A_81] {strides = array<i32>} : memref<256x32xf32, #tpu.memory_space<vmem>>, vector<1x16xf32>,
        %get3A_83 = vector.shape_cast %get3A_82 : vector<1x16xf32> to vector<16xf32>
        %add3A_84 = arith.constant 1 : i32
        %add3A_85 = arith.addi %mul3A_79, %add3A_84 : i32
        %get3A_86 = arith.index_cast %add3A_85 : i32 to index
        %get3A_87 = arith.constant 0 : index
        %get3A_88 = tpu.vector_load %arg7[%get3A_86, %get3A_87] {strides = array<i32>} : memref<256x32xf32, #tpu.memory_space<vmem>>, vector<1x16xf32>,
        %get3A_89 = vector.shape_cast %get3A_88 : vector<1x16xf32> to vector<16xf32>
        %add3A_90 = arith.addf %get3A_83, %get3A_89 : vector<16xf32>
        %add3A_91 = arith.constant 2 : i32
        %add3A_92 = arith.addi %mul3A_79, %add3A_91 : i32
        %get3A_93 = arith.index_cast %add3A_92 : i32 to index
        %get3A_94 = arith.constant 0 : index
        %get3A_95 = tpu.vector_load %arg7[%get3A_93, %get3A_94] {strides = array<i32>} : memref<256x32xf32, #tpu.memory_space<vmem>>, vector<1x16xf32>,
        %get3A_96 = vector.shape_cast %get3A_95 : vector<1x16xf32> to vector<16xf32>
        %add3A_97 = arith.addf %add3A_90, %get3A_96 : vector<16xf32>
        %add3A_98 = arith.constant 3 : i32
        %add3A_99 = arith.addi %mul3A_79, %add3A_98 : i32
        %get3A_100 = arith.index_cast %add3A_99 : i32 to index
        %get3A_101 = arith.constant 0 : index
        %get3A_102 = tpu.vector_load %arg7[%get3A_100, %get3A_101] {strides = array<i32>} : memref<256x32xf32, #tpu.memory_space<vmem>>, vector<1x16xf32>,
        %get3A_103 = vector.shape_cast %get3A_102 : vector<1x16xf32> to vector<16xf32>
        %add3A_104 = arith.addf %add3A_97, %get3A_103 : vector<16xf32>
        %add3A_105 = arith.constant 4 : i32
        %add3A_106 = arith.addi %mul3A_79, %add3A_105 : i32
        %get3A_107 = arith.index_cast %add3A_106 : i32 to index
        %get3A_108 = arith.constant 0 : index
        %get3A_109 = tpu.vector_load %arg7[%get3A_107, %get3A_108] {strides = array<i32>} : memref<256x32xf32, #tpu.memory_space<vmem>>, vector<1x16xf32>,
        %get3A_110 = vector.shape_cast %get3A_109 : vector<1x16xf32> to vector<16xf32>
        %add3A_111 = arith.addf %add3A_104, %get3A_110 : vector<16xf32>
        %add3A_112 = arith.constant 5 : i32
        %add3A_113 = arith.addi %mul3A_79, %add3A_112 : i32
        %get3A_114 = arith.index_cast %add3A_113 : i32 to index
        %get3A_115 = arith.constant 0 : index
        %get3A_116 = tpu.vector_load %arg7[%get3A_114, %get3A_115] {strides = array<i32>} : memref<256x32xf32, #tpu.memory_space<vmem>>, vector<1x16xf32>,
        %get3A_117 = vector.shape_cast %get3A_116 : vector<1x16xf32> to vector<16xf32>
        %add3A_118 = arith.addf %add3A_111, %get3A_117 : vector<16xf32>
        %add3A_119 = arith.constant 6 : i32
        %add3A_120 = arith.addi %mul3A_79, %add3A_119 : i32
        %get3A_121 = arith.index_cast %add3A_120 : i32 to index
        %get3A_122 = arith.constant 0 : index
        %get3A_123 = tpu.vector_load %arg7[%get3A_121, %get3A_122] {strides = array<i32>} : memref<256x32xf32, #tpu.memory_space<vmem>>, vector<1x16xf32>,
        %get3A_124 = vector.shape_cast %get3A_123 : vector<1x16xf32> to vector<16xf32>
        %add3A_125 = arith.addf %add3A_118, %get3A_124 : vector<16xf32>
        %add3A_126 = arith.constant 7 : i32
        %add3A_127 = arith.addi %mul3A_79, %add3A_126 : i32
        %get3A_128 = arith.index_cast %add3A_127 : i32 to index
        %get3A_129 = arith.constant 0 : index
        %get3A_130 = tpu.vector_load %arg7[%get3A_128, %get3A_129] {strides = array<i32>} : memref<256x32xf32, #tpu.memory_space<vmem>>, vector<1x16xf32>,
        %get3A_131 = vector.shape_cast %get3A_130 : vector<1x16xf32> to vector<16xf32>
        %add3A_132 = arith.addf %add3A_125, %get3A_131 : vector<16xf32>
        %add3A_133 = arith.constant 8 : i32
        %add3A_134 = arith.addi %mul3A_79, %add3A_133 : i32
        %get3A_135 = arith.index_cast %add3A_134 : i32 to index
        %get3A_136 = arith.constant 0 : index
        %get3A_137 = tpu.vector_load %arg7[%get3A_135, %get3A_136] {strides = array<i32>} : memref<256x32xf32, #tpu.memory_space<vmem>>, vector<1x16xf32>,
        %get3A_138 = vector.shape_cast %get3A_137 : vector<1x16xf32> to vector<16xf32>
        %add3A_139 = arith.addf %add3A_132, %get3A_138 : vector<16xf32>
        %add3A_140 = arith.constant 9 : i32
        %add3A_141 = arith.addi %mul3A_79, %add3A_140 : i32
        %get3A_142 = arith.index_cast %add3A_141 : i32 to index
        %get3A_143 = arith.constant 0 : index
        %get3A_144 = tpu.vector_load %arg7[%get3A_142, %get3A_143] {strides = array<i32>} : memref<256x32xf32, #tpu.memory_space<vmem>>, vector<1x16xf32>,
        %get3A_145 = vector.shape_cast %get3A_144 : vector<1x16xf32> to vector<16xf32>
        %add3A_146 = arith.addf %add3A_139, %get3A_145 : vector<16xf32>
        %add3A_147 = arith.constant 10 : i32
        %add3A_148 = arith.addi %mul3A_79, %add3A_147 : i32
        %get3A_149 = arith.index_cast %add3A_148 : i32 to index
        %get3A_150 = arith.constant 0 : index
        %get3A_151 = tpu.vector_load %arg7[%get3A_149, %get3A_150] {strides = array<i32>} : memref<256x32xf32, #tpu.memory_space<vmem>>, vector<1x16xf32>,
        %get3A_152 = vector.shape_cast %get3A_151 : vector<1x16xf32> to vector<16xf32>
        %add3A_153 = arith.addf %add3A_146, %get3A_152 : vector<16xf32>
        %add3A_154 = arith.constant 11 : i32
        %add3A_155 = arith.addi %mul3A_79, %add3A_154 : i32
        %get3A_156 = arith.index_cast %add3A_155 : i32 to index
        %get3A_157 = arith.constant 0 : index
        %get3A_158 = tpu.vector_load %arg7[%get3A_156, %get3A_157] {strides = array<i32>} : memref<256x32xf32, #tpu.memory_space<vmem>>, vector<1x16xf32>,
        %get3A_159 = vector.shape_cast %get3A_158 : vector<1x16xf32> to vector<16xf32>
        %add3A_160 = arith.addf %add3A_153, %get3A_159 : vector<16xf32>
        %add3A_161 = arith.constant 12 : i32
        %add3A_162 = arith.addi %mul3A_79, %add3A_161 : i32
        %get3A_163 = arith.index_cast %add3A_162 : i32 to index
        %get3A_164 = arith.constant 0 : index
        %get3A_165 = tpu.vector_load %arg7[%get3A_163, %get3A_164] {strides = array<i32>} : memref<256x32xf32, #tpu.memory_space<vmem>>, vector<1x16xf32>,
        %get3A_166 = vector.shape_cast %get3A_165 : vector<1x16xf32> to vector<16xf32>
        %add3A_167 = arith.addf %add3A_160, %get3A_166 : vector<16xf32>
        %add3A_168 = arith.constant 13 : i32
        %add3A_169 = arith.addi %mul3A_79, %add3A_168 : i32
        %get3A_170 = arith.index_cast %add3A_169 : i32 to index
        %get3A_171 = arith.constant 0 : index
        %get3A_172 = tpu.vector_load %arg7[%get3A_170, %get3A_171] {strides = array<i32>} : memref<256x32xf32, #tpu.memory_space<vmem>>, vector<1x16xf32>,
        %get3A_173 = vector.shape_cast %get3A_172 : vector<1x16xf32> to vector<16xf32>
        %add3A_174 = arith.addf %add3A_167, %get3A_173 : vector<16xf32>
        %add3A_175 = arith.constant 14 : i32
        %add3A_176 = arith.addi %mul3A_79, %add3A_175 : i32
        %get3A_177 = arith.index_cast %add3A_176 : i32 to index
        %get3A_178 = arith.constant 0 : index
        %get3A_179 = tpu.vector_load %arg7[%get3A_177, %get3A_178] {strides = array<i32>} : memref<256x32xf32, #tpu.memory_space<vmem>>, vector<1x16xf32>,
        %get3A_180 = vector.shape_cast %get3A_179 : vector<1x16xf32> to vector<16xf32>
        %add3A_181 = arith.addf %add3A_174, %get3A_180 : vector<16xf32>
        %add3A_182 = arith.constant 15 : i32
        %add3A_183 = arith.addi %mul3A_79, %add3A_182 : i32
        %get3A_184 = arith.index_cast %add3A_183 : i32 to index
        %get3A_185 = arith.constant 0 : index
        %get3A_186 = tpu.vector_load %arg7[%get3A_184, %get3A_185] {strides = array<i32>} : memref<256x32xf32, #tpu.memory_space<vmem>>, vector<1x16xf32>,
        %get3A_187 = vector.shape_cast %get3A_186 : vector<1x16xf32> to vector<16xf32>
        %add3A_188 = arith.addf %add3A_181, %get3A_187 : vector<16xf32>
        %add3A_189 = arith.addf %add3A_188, %get3A_6 : vector<16xf32>
        %swap3A = arith.index_cast %scan3A_77 : i32 to index
        %swap3A_190 = arith.constant 0 : index
        %swap3A_191 = tpu.vector_load %arg9[%swap3A, %swap3A_190] {strides = array<i32>} : memref<16x32xf32, #tpu.memory_space<vmem>>, vector<1x16xf32>,
        %swap3A_192 = vector.shape_cast %swap3A_191 : vector<1x16xf32> to vector<16xf32>
        %swap3A_193 = vector.shape_cast %add3A_189 : vector<16xf32> to vector<1x16xf32>
        tpu.vector_store %arg9[%swap3A, %swap3A_190], %swap3A_193 {strides = array<i32>} : memref<16x32xf32, #tpu.memory_space<vmem>>, vector<1x16xf32>,
        %get3A_194 = arith.index_cast %mul3A_79 : i32 to index
        %get3A_195 = arith.constant 16 : index
        %get3A_196 = tpu.vector_load %arg7[%get3A_194, %get3A_195] {strides = array<i32>} : memref<256x32xf32, #tpu.memory_space<vmem>>, vector<1x16xf32>,
        %get3A_197 = vector.shape_cast %get3A_196 : vector<1x16xf32> to vector<16xf32>
        %add3A_198 = arith.constant 1 : i32
        %add3A_199 = arith.addi %mul3A_79, %add3A_198 : i32
        %get3A_200 = arith.index_cast %add3A_199 : i32 to index
        %get3A_201 = arith.constant 16 : index
        %get3A_202 = tpu.vector_load %arg7[%get3A_200, %get3A_201] {strides = array<i32>} : memref<256x32xf32, #tpu.memory_space<vmem>>, vector<1x16xf32>,
        %get3A_203 = vector.shape_cast %get3A_202 : vector<1x16xf32> to vector<16xf32>
        %add3A_204 = arith.addf %get3A_197, %get3A_203 : vector<16xf32>
        %add3A_205 = arith.constant 2 : i32
        %add3A_206 = arith.addi %mul3A_79, %add3A_205 : i32
        %get3A_207 = arith.index_cast %add3A_206 : i32 to index
        %get3A_208 = arith.constant 16 : index
        %get3A_209 = tpu.vector_load %arg7[%get3A_207, %get3A_208] {strides = array<i32>} : memref<256x32xf32, #tpu.memory_space<vmem>>, vector<1x16xf32>,
        %get3A_210 = vector.shape_cast %get3A_209 : vector<1x16xf32> to vector<16xf32>
        %add3A_211 = arith.addf %add3A_204, %get3A_210 : vector<16xf32>
        %add3A_212 = arith.constant 3 : i32
        %add3A_213 = arith.addi %mul3A_79, %add3A_212 : i32
        %get3A_214 = arith.index_cast %add3A_213 : i32 to index
        %get3A_215 = arith.constant 16 : index
        %get3A_216 = tpu.vector_load %arg7[%get3A_214, %get3A_215] {strides = array<i32>} : memref<256x32xf32, #tpu.memory_space<vmem>>, vector<1x16xf32>,
        %get3A_217 = vector.shape_cast %get3A_216 : vector<1x16xf32> to vector<16xf32>
        %add3A_218 = arith.addf %add3A_211, %get3A_217 : vector<16xf32>
        %add3A_219 = arith.constant 4 : i32
        %add3A_220 = arith.addi %mul3A_79, %add3A_219 : i32
        %get3A_221 = arith.index_cast %add3A_220 : i32 to index
        %get3A_222 = arith.constant 16 : index
        %get3A_223 = tpu.vector_load %arg7[%get3A_221, %get3A_222] {strides = array<i32>} : memref<256x32xf32, #tpu.memory_space<vmem>>, vector<1x16xf32>,
        %get3A_224 = vector.shape_cast %get3A_223 : vector<1x16xf32> to vector<16xf32>
        %add3A_225 = arith.addf %add3A_218, %get3A_224 : vector<16xf32>
        %add3A_226 = arith.constant 5 : i32
        %add3A_227 = arith.addi %mul3A_79, %add3A_226 : i32
        %get3A_228 = arith.index_cast %add3A_227 : i32 to index
        %get3A_229 = arith.constant 16 : index
        %get3A_230 = tpu.vector_load %arg7[%get3A_228, %get3A_229] {strides = array<i32>} : memref<256x32xf32, #tpu.memory_space<vmem>>, vector<1x16xf32>,
        %get3A_231 = vector.shape_cast %get3A_230 : vector<1x16xf32> to vector<16xf32>
        %add3A_232 = arith.addf %add3A_225, %get3A_231 : vector<16xf32>
        %add3A_233 = arith.constant 6 : i32
        %add3A_234 = arith.addi %mul3A_79, %add3A_233 : i32
        %get3A_235 = arith.index_cast %add3A_234 : i32 to index
        %get3A_236 = arith.constant 16 : index
        %get3A_237 = tpu.vector_load %arg7[%get3A_235, %get3A_236] {strides = array<i32>} : memref<256x32xf32, #tpu.memory_space<vmem>>, vector<1x16xf32>,
        %get3A_238 = vector.shape_cast %get3A_237 : vector<1x16xf32> to vector<16xf32>
        %add3A_239 = arith.addf %add3A_232, %get3A_238 : vector<16xf32>
        %add3A_240 = arith.constant 7 : i32
        %add3A_241 = arith.addi %mul3A_79, %add3A_240 : i32
        %get3A_242 = arith.index_cast %add3A_241 : i32 to index
        %get3A_243 = arith.constant 16 : index
        %get3A_244 = tpu.vector_load %arg7[%get3A_242, %get3A_243] {strides = array<i32>} : memref<256x32xf32, #tpu.memory_space<vmem>>, vector<1x16xf32>,
        %get3A_245 = vector.shape_cast %get3A_244 : vector<1x16xf32> to vector<16xf32>
        %add3A_246 = arith.addf %add3A_239, %get3A_245 : vector<16xf32>
        %add3A_247 = arith.constant 8 : i32
        %add3A_248 = arith.addi %mul3A_79, %add3A_247 : i32
        %get3A_249 = arith.index_cast %add3A_248 : i32 to index
        %get3A_250 = arith.constant 16 : index
        %get3A_251 = tpu.vector_load %arg7[%get3A_249, %get3A_250] {strides = array<i32>} : memref<256x32xf32, #tpu.memory_space<vmem>>, vector<1x16xf32>,
        %get3A_252 = vector.shape_cast %get3A_251 : vector<1x16xf32> to vector<16xf32>
        %add3A_253 = arith.addf %add3A_246, %get3A_252 : vector<16xf32>
        %add3A_254 = arith.constant 9 : i32
        %add3A_255 = arith.addi %mul3A_79, %add3A_254 : i32
        %get3A_256 = arith.index_cast %add3A_255 : i32 to index
        %get3A_257 = arith.constant 16 : index
        %get3A_258 = tpu.vector_load %arg7[%get3A_256, %get3A_257] {strides = array<i32>} : memref<256x32xf32, #tpu.memory_space<vmem>>, vector<1x16xf32>,
        %get3A_259 = vector.shape_cast %get3A_258 : vector<1x16xf32> to vector<16xf32>
        %add3A_260 = arith.addf %add3A_253, %get3A_259 : vector<16xf32>
        %add3A_261 = arith.constant 10 : i32
        %add3A_262 = arith.addi %mul3A_79, %add3A_261 : i32
        %get3A_263 = arith.index_cast %add3A_262 : i32 to index
        %get3A_264 = arith.constant 16 : index
        %get3A_265 = tpu.vector_load %arg7[%get3A_263, %get3A_264] {strides = array<i32>} : memref<256x32xf32, #tpu.memory_space<vmem>>, vector<1x16xf32>,
        %get3A_266 = vector.shape_cast %get3A_265 : vector<1x16xf32> to vector<16xf32>
        %add3A_267 = arith.addf %add3A_260, %get3A_266 : vector<16xf32>
        %add3A_268 = arith.constant 11 : i32
        %add3A_269 = arith.addi %mul3A_79, %add3A_268 : i32
        %get3A_270 = arith.index_cast %add3A_269 : i32 to index
        %get3A_271 = arith.constant 16 : index
        %get3A_272 = tpu.vector_load %arg7[%get3A_270, %get3A_271] {strides = array<i32>} : memref<256x32xf32, #tpu.memory_space<vmem>>, vector<1x16xf32>,
        %get3A_273 = vector.shape_cast %get3A_272 : vector<1x16xf32> to vector<16xf32>
        %add3A_274 = arith.addf %add3A_267, %get3A_273 : vector<16xf32>
        %add3A_275 = arith.constant 12 : i32
        %add3A_276 = arith.addi %mul3A_79, %add3A_275 : i32
        %get3A_277 = arith.index_cast %add3A_276 : i32 to index
        %get3A_278 = arith.constant 16 : index
        %get3A_279 = tpu.vector_load %arg7[%get3A_277, %get3A_278] {strides = array<i32>} : memref<256x32xf32, #tpu.memory_space<vmem>>, vector<1x16xf32>,
        %get3A_280 = vector.shape_cast %get3A_279 : vector<1x16xf32> to vector<16xf32>
        %add3A_281 = arith.addf %add3A_274, %get3A_280 : vector<16xf32>
        %add3A_282 = arith.constant 13 : i32
        %add3A_283 = arith.addi %mul3A_79, %add3A_282 : i32
        %get3A_284 = arith.index_cast %add3A_283 : i32 to index
        %get3A_285 = arith.constant 16 : index
        %get3A_286 = tpu.vector_load %arg7[%get3A_284, %get3A_285] {strides = array<i32>} : memref<256x32xf32, #tpu.memory_space<vmem>>, vector<1x16xf32>,
        %get3A_287 = vector.shape_cast %get3A_286 : vector<1x16xf32> to vector<16xf32>
        %add3A_288 = arith.addf %add3A_281, %get3A_287 : vector<16xf32>
        %add3A_289 = arith.constant 14 : i32
        %add3A_290 = arith.addi %mul3A_79, %add3A_289 : i32
        %get3A_291 = arith.index_cast %add3A_290 : i32 to index
        %get3A_292 = arith.constant 16 : index
        %get3A_293 = tpu.vector_load %arg7[%get3A_291, %get3A_292] {strides = array<i32>} : memref<256x32xf32, #tpu.memory_space<vmem>>, vector<1x16xf32>,
        %get3A_294 = vector.shape_cast %get3A_293 : vector<1x16xf32> to vector<16xf32>
        %add3A_295 = arith.addf %add3A_288, %get3A_294 : vector<16xf32>
        %add3A_296 = arith.constant 15 : i32
        %add3A_297 = arith.addi %mul3A_79, %add3A_296 : i32
        %get3A_298 = arith.index_cast %add3A_297 : i32 to index
        %get3A_299 = arith.constant 16 : index
        %get3A_300 = tpu.vector_load %arg7[%get3A_298, %get3A_299] {strides = array<i32>} : memref<256x32xf32, #tpu.memory_space<vmem>>, vector<1x16xf32>,
        %get3A_301 = vector.shape_cast %get3A_300 : vector<1x16xf32> to vector<16xf32>
        %add3A_302 = arith.addf %add3A_295, %get3A_301 : vector<16xf32>
        %add3A_303 = arith.addf %add3A_302, %get3A_9 : vector<16xf32>
        %swap3A_304 = arith.index_cast %scan3A_77 : i32 to index
        %swap3A_305 = arith.constant 16 : index
        %swap3A_306 = tpu.vector_load %arg9[%swap3A_304, %swap3A_305] {strides = array<i32>} : memref<16x32xf32, #tpu.memory_space<vmem>>, vector<1x16xf32>,
        %swap3A_307 = vector.shape_cast %swap3A_306 : vector<1x16xf32> to vector<16xf32>
        %swap3A_308 = vector.shape_cast %add3A_303 : vector<16xf32> to vector<1x16xf32>
        tpu.vector_store %arg9[%swap3A_304, %swap3A_305], %swap3A_308 {strides = array<i32>} : memref<16x32xf32, #tpu.memory_space<vmem>>, vector<1x16xf32>,
      }
      %scan3A_45 = arith.constant 16 : i32
      %mul3A_46 = arith.constant 16 : i32
      %mul3A_47 = arith.muli %mul3A_25, %mul3A_46 : i32
      %add3A_48 = arith.addi %mul3A_2, %mul3A_47 : i32
      "tpu.region"() ({
        %run_scoped3A = tpu.sem_alloc : memref<!tpu.dma_semaphore, #tpu.memory_space<semaphore_mem>>
        %dma_start3A_77 = arith.constant 0 : i32
        %dma_start3A_78 = tpu.memref_slice %arg5[%add3A_48, %dma_start3A_77] : memref<51200x32xf32, #tpu.memory_space<hbm>> -> memref<16x32xf32, #tpu.memory_space<hbm>>
        %dma_start3A_79 = arith.constant 0 : i32
        %dma_start3A_80 = tpu.memref_slice %arg5[%add3A_48, %dma_start3A_79] : memref<51200x32xf32, #tpu.memory_space<hbm>> -> memref<16x32xf32, #tpu.memory_space<hbm>>
        tpu.enqueue_dma source(%arg9 : memref<16x32xf32, #tpu.memory_space<vmem>>) target(%dma_start3A_80 : memref<16x32xf32, #tpu.memory_space<hbm>>) target_semaphore(%run_scoped3A : memref<!tpu.dma_semaphore, #tpu.memory_space<semaphore_mem>>)
        %dma_wait3A_81 = arith.constant 0 : i32
        %dma_wait3A_82 = tpu.memref_slice %arg5[%add3A_48, %dma_wait3A_81] : memref<51200x32xf32, #tpu.memory_space<hbm>> -> memref<16x32xf32, #tpu.memory_space<hbm>>
        %dma_wait3A_83 = arith.constant 0 : i32
        %dma_wait3A_84 = tpu.memref_slice %arg5[%add3A_48, %dma_wait3A_83] : memref<51200x32xf32, #tpu.memory_space<hbm>> -> memref<16x32xf32, #tpu.memory_space<hbm>>
        tpu.wait_dma2 semaphore(%run_scoped3A : memref<!tpu.dma_semaphore, #tpu.memory_space<semaphore_mem>>) src(%arg9 : memref<16x32xf32, #tpu.memory_space<vmem>>) dst(%dma_wait3A_84 : memref<16x32xf32, #tpu.memory_space<hbm>>)
        tpu.yield
      }) : () -> ()
      %add3A_49 = arith.constant 2 : i32
      %add3A_50 = arith.addi %mul3A_25, %add3A_49 : i32
      %min3A = arith.constant 99 : i32
      %min3A_51 = arith.minsi %add3A_50, %min3A : i32
      %mul3A_52 = arith.constant 256 : i32
      %mul3A_53 = arith.muli %min3A_51, %mul3A_52 : i32
      %dma_start3A_54 = tpu.memref_slice %arg6[%mul3A_53] : memref<25600xi32, #tpu.memory_space<vmem>> -> memref<256xi32, #tpu.memory_space<vmem>>
      %dma_start3A_55 = arith.constant 0 : i32
      %dma_start3A_56 = arith.constant 0 : i32
      %dma_start3A_57 = tpu.memref_slice %arg2[%dma_start3A_55, %dma_start3A_56] : memref<819200x32xf32, #tpu.memory_space<hbm>> -> memref<819200x32xf32, #tpu.memory_space<hbm>>
      tpu.enqueue_indirect_dma source(%dma_start3A_57 : memref<819200x32xf32, #tpu.memory_space<hbm>>) target(%arg7 : memref<256x32xf32, #tpu.memory_space<vmem>>) offsets(%dma_start3A_54 : memref<256xi32, #tpu.memory_space<vmem>>) semaphore(%arg11 : memref<!tpu.dma_semaphore, #tpu.memory_space<semaphore_mem>>)
      %add3A_58 = arith.constant 1 : i32
      %add3A_59 = arith.addi %mul3A_25, %add3A_58 : i32
      %mul3A_60 = arith.constant 256 : i32
      %mul3A_61 = arith.muli %add3A_59, %mul3A_60 : i32
      %dma_wait3A_62 = tpu.memref_slice %arg6[%mul3A_61] : memref<25600xi32, #tpu.memory_space<vmem>> -> memref<256xi32, #tpu.memory_space<vmem>>
      %dma_wait3A_63 = arith.constant 0 : i32
      %dma_wait3A_64 = arith.constant 0 : i32
      %dma_wait3A_65 = tpu.memref_slice %arg2[%dma_wait3A_63, %dma_wait3A_64] : memref<819200x32xf32, #tpu.memory_space<hbm>> -> memref<819200x32xf32, #tpu.memory_space<hbm>>
      tpu.wait_indirect_dma semaphore(%arg12 : memref<!tpu.dma_semaphore, #tpu.memory_space<semaphore_mem>>) src(%dma_wait3A_65 : memref<819200x32xf32, #tpu.memory_space<hbm>>) dst(%arg8 : memref<256x32xf32, #tpu.memory_space<vmem>>)
      %add3A_66 = arith.constant 1 : i32
      %add3A_67 = arith.addi %mul3A_25, %add3A_66 : i32
      %scan3A_68 = arith.constant 0 : i32
      %scan3A_69 = arith.constant 0 : i32
      %scan3A_70 = arith.constant 16 : i32
      %scan3A_71 = arith.addi %scan3A_69, %scan3A_70 : i32
      %scan3A_72 = arith.constant 1 : i32
      scf.for %scan3A_77 = %scan3A_69 to %scan3A_71 step %scan3A_72  : i32 {
        %mul3A_78 = arith.constant 16 : i32
        %mul3A_79 = arith.muli %scan3A_77, %mul3A_78 : i32
        %get3A_80 = arith.index_cast %mul3A_79 : i32 to index
        %get3A_81 = arith.constant 0 : index
        %get3A_82 = tpu.vector_load %arg8[%get3A_80, %get3A_81] {strides = array<i32>} : memref<256x32xf32, #tpu.memory_space<vmem>>, vector<1x16xf32>,
        %get3A_83 = vector.shape_cast %get3A_82 : vector<1x16xf32> to vector<16xf32>
        %add3A_84 = arith.constant 1 : i32
        %add3A_85 = arith.addi %mul3A_79, %add3A_84 : i32
        %get3A_86 = arith.index_cast %add3A_85 : i32 to index
        %get3A_87 = arith.constant 0 : index
        %get3A_88 = tpu.vector_load %arg8[%get3A_86, %get3A_87] {strides = array<i32>} : memref<256x32xf32, #tpu.memory_space<vmem>>, vector<1x16xf32>,
        %get3A_89 = vector.shape_cast %get3A_88 : vector<1x16xf32> to vector<16xf32>
        %add3A_90 = arith.addf %get3A_83, %get3A_89 : vector<16xf32>
        %add3A_91 = arith.constant 2 : i32
        %add3A_92 = arith.addi %mul3A_79, %add3A_91 : i32
        %get3A_93 = arith.index_cast %add3A_92 : i32 to index
        %get3A_94 = arith.constant 0 : index
        %get3A_95 = tpu.vector_load %arg8[%get3A_93, %get3A_94] {strides = array<i32>} : memref<256x32xf32, #tpu.memory_space<vmem>>, vector<1x16xf32>,
        %get3A_96 = vector.shape_cast %get3A_95 : vector<1x16xf32> to vector<16xf32>
        %add3A_97 = arith.addf %add3A_90, %get3A_96 : vector<16xf32>
        %add3A_98 = arith.constant 3 : i32
        %add3A_99 = arith.addi %mul3A_79, %add3A_98 : i32
        %get3A_100 = arith.index_cast %add3A_99 : i32 to index
        %get3A_101 = arith.constant 0 : index
        %get3A_102 = tpu.vector_load %arg8[%get3A_100, %get3A_101] {strides = array<i32>} : memref<256x32xf32, #tpu.memory_space<vmem>>, vector<1x16xf32>,
        %get3A_103 = vector.shape_cast %get3A_102 : vector<1x16xf32> to vector<16xf32>
        %add3A_104 = arith.addf %add3A_97, %get3A_103 : vector<16xf32>
        %add3A_105 = arith.constant 4 : i32
        %add3A_106 = arith.addi %mul3A_79, %add3A_105 : i32
        %get3A_107 = arith.index_cast %add3A_106 : i32 to index
        %get3A_108 = arith.constant 0 : index
        %get3A_109 = tpu.vector_load %arg8[%get3A_107, %get3A_108] {strides = array<i32>} : memref<256x32xf32, #tpu.memory_space<vmem>>, vector<1x16xf32>,
        %get3A_110 = vector.shape_cast %get3A_109 : vector<1x16xf32> to vector<16xf32>
        %add3A_111 = arith.addf %add3A_104, %get3A_110 : vector<16xf32>
        %add3A_112 = arith.constant 5 : i32
        %add3A_113 = arith.addi %mul3A_79, %add3A_112 : i32
        %get3A_114 = arith.index_cast %add3A_113 : i32 to index
        %get3A_115 = arith.constant 0 : index
        %get3A_116 = tpu.vector_load %arg8[%get3A_114, %get3A_115] {strides = array<i32>} : memref<256x32xf32, #tpu.memory_space<vmem>>, vector<1x16xf32>,
        %get3A_117 = vector.shape_cast %get3A_116 : vector<1x16xf32> to vector<16xf32>
        %add3A_118 = arith.addf %add3A_111, %get3A_117 : vector<16xf32>
        %add3A_119 = arith.constant 6 : i32
        %add3A_120 = arith.addi %mul3A_79, %add3A_119 : i32
        %get3A_121 = arith.index_cast %add3A_120 : i32 to index
        %get3A_122 = arith.constant 0 : index
        %get3A_123 = tpu.vector_load %arg8[%get3A_121, %get3A_122] {strides = array<i32>} : memref<256x32xf32, #tpu.memory_space<vmem>>, vector<1x16xf32>,
        %get3A_124 = vector.shape_cast %get3A_123 : vector<1x16xf32> to vector<16xf32>
        %add3A_125 = arith.addf %add3A_118, %get3A_124 : vector<16xf32>
        %add3A_126 = arith.constant 7 : i32
        %add3A_127 = arith.addi %mul3A_79, %add3A_126 : i32
        %get3A_128 = arith.index_cast %add3A_127 : i32 to index
        %get3A_129 = arith.constant 0 : index
        %get3A_130 = tpu.vector_load %arg8[%get3A_128, %get3A_129] {strides = array<i32>} : memref<256x32xf32, #tpu.memory_space<vmem>>, vector<1x16xf32>,
        %get3A_131 = vector.shape_cast %get3A_130 : vector<1x16xf32> to vector<16xf32>
        %add3A_132 = arith.addf %add3A_125, %get3A_131 : vector<16xf32>
        %add3A_133 = arith.constant 8 : i32
        %add3A_134 = arith.addi %mul3A_79, %add3A_133 : i32
        %get3A_135 = arith.index_cast %add3A_134 : i32 to index
        %get3A_136 = arith.constant 0 : index
        %get3A_137 = tpu.vector_load %arg8[%get3A_135, %get3A_136] {strides = array<i32>} : memref<256x32xf32, #tpu.memory_space<vmem>>, vector<1x16xf32>,
        %get3A_138 = vector.shape_cast %get3A_137 : vector<1x16xf32> to vector<16xf32>
        %add3A_139 = arith.addf %add3A_132, %get3A_138 : vector<16xf32>
        %add3A_140 = arith.constant 9 : i32
        %add3A_141 = arith.addi %mul3A_79, %add3A_140 : i32
        %get3A_142 = arith.index_cast %add3A_141 : i32 to index
        %get3A_143 = arith.constant 0 : index
        %get3A_144 = tpu.vector_load %arg8[%get3A_142, %get3A_143] {strides = array<i32>} : memref<256x32xf32, #tpu.memory_space<vmem>>, vector<1x16xf32>,
        %get3A_145 = vector.shape_cast %get3A_144 : vector<1x16xf32> to vector<16xf32>
        %add3A_146 = arith.addf %add3A_139, %get3A_145 : vector<16xf32>
        %add3A_147 = arith.constant 10 : i32
        %add3A_148 = arith.addi %mul3A_79, %add3A_147 : i32
        %get3A_149 = arith.index_cast %add3A_148 : i32 to index
        %get3A_150 = arith.constant 0 : index
        %get3A_151 = tpu.vector_load %arg8[%get3A_149, %get3A_150] {strides = array<i32>} : memref<256x32xf32, #tpu.memory_space<vmem>>, vector<1x16xf32>,
        %get3A_152 = vector.shape_cast %get3A_151 : vector<1x16xf32> to vector<16xf32>
        %add3A_153 = arith.addf %add3A_146, %get3A_152 : vector<16xf32>
        %add3A_154 = arith.constant 11 : i32
        %add3A_155 = arith.addi %mul3A_79, %add3A_154 : i32
        %get3A_156 = arith.index_cast %add3A_155 : i32 to index
        %get3A_157 = arith.constant 0 : index
        %get3A_158 = tpu.vector_load %arg8[%get3A_156, %get3A_157] {strides = array<i32>} : memref<256x32xf32, #tpu.memory_space<vmem>>, vector<1x16xf32>,
        %get3A_159 = vector.shape_cast %get3A_158 : vector<1x16xf32> to vector<16xf32>
        %add3A_160 = arith.addf %add3A_153, %get3A_159 : vector<16xf32>
        %add3A_161 = arith.constant 12 : i32
        %add3A_162 = arith.addi %mul3A_79, %add3A_161 : i32
        %get3A_163 = arith.index_cast %add3A_162 : i32 to index
        %get3A_164 = arith.constant 0 : index
        %get3A_165 = tpu.vector_load %arg8[%get3A_163, %get3A_164] {strides = array<i32>} : memref<256x32xf32, #tpu.memory_space<vmem>>, vector<1x16xf32>,
        %get3A_166 = vector.shape_cast %get3A_165 : vector<1x16xf32> to vector<16xf32>
        %add3A_167 = arith.addf %add3A_160, %get3A_166 : vector<16xf32>
        %add3A_168 = arith.constant 13 : i32
        %add3A_169 = arith.addi %mul3A_79, %add3A_168 : i32
        %get3A_170 = arith.index_cast %add3A_169 : i32 to index
        %get3A_171 = arith.constant 0 : index
        %get3A_172 = tpu.vector_load %arg8[%get3A_170, %get3A_171] {strides = array<i32>} : memref<256x32xf32, #tpu.memory_space<vmem>>, vector<1x16xf32>,
        %get3A_173 = vector.shape_cast %get3A_172 : vector<1x16xf32> to vector<16xf32>
        %add3A_174 = arith.addf %add3A_167, %get3A_173 : vector<16xf32>
        %add3A_175 = arith.constant 14 : i32
        %add3A_176 = arith.addi %mul3A_79, %add3A_175 : i32
        %get3A_177 = arith.index_cast %add3A_176 : i32 to index
        %get3A_178 = arith.constant 0 : index
        %get3A_179 = tpu.vector_load %arg8[%get3A_177, %get3A_178] {strides = array<i32>} : memref<256x32xf32, #tpu.memory_space<vmem>>, vector<1x16xf32>,
        %get3A_180 = vector.shape_cast %get3A_179 : vector<1x16xf32> to vector<16xf32>
        %add3A_181 = arith.addf %add3A_174, %get3A_180 : vector<16xf32>
        %add3A_182 = arith.constant 15 : i32
        %add3A_183 = arith.addi %mul3A_79, %add3A_182 : i32
        %get3A_184 = arith.index_cast %add3A_183 : i32 to index
        %get3A_185 = arith.constant 0 : index
        %get3A_186 = tpu.vector_load %arg8[%get3A_184, %get3A_185] {strides = array<i32>} : memref<256x32xf32, #tpu.memory_space<vmem>>, vector<1x16xf32>,
        %get3A_187 = vector.shape_cast %get3A_186 : vector<1x16xf32> to vector<16xf32>
        %add3A_188 = arith.addf %add3A_181, %get3A_187 : vector<16xf32>
        %add3A_189 = arith.addf %add3A_188, %get3A_6 : vector<16xf32>
        %swap3A = arith.index_cast %scan3A_77 : i32 to index
        %swap3A_190 = arith.constant 0 : index
        %swap3A_191 = tpu.vector_load %arg9[%swap3A, %swap3A_190] {strides = array<i32>} : memref<16x32xf32, #tpu.memory_space<vmem>>, vector<1x16xf32>,
        %swap3A_192 = vector.shape_cast %swap3A_191 : vector<1x16xf32> to vector<16xf32>
        %swap3A_193 = vector.shape_cast %add3A_189 : vector<16xf32> to vector<1x16xf32>
        tpu.vector_store %arg9[%swap3A, %swap3A_190], %swap3A_193 {strides = array<i32>} : memref<16x32xf32, #tpu.memory_space<vmem>>, vector<1x16xf32>,
        %get3A_194 = arith.index_cast %mul3A_79 : i32 to index
        %get3A_195 = arith.constant 16 : index
        %get3A_196 = tpu.vector_load %arg8[%get3A_194, %get3A_195] {strides = array<i32>} : memref<256x32xf32, #tpu.memory_space<vmem>>, vector<1x16xf32>,
        %get3A_197 = vector.shape_cast %get3A_196 : vector<1x16xf32> to vector<16xf32>
        %add3A_198 = arith.constant 1 : i32
        %add3A_199 = arith.addi %mul3A_79, %add3A_198 : i32
        %get3A_200 = arith.index_cast %add3A_199 : i32 to index
        %get3A_201 = arith.constant 16 : index
        %get3A_202 = tpu.vector_load %arg8[%get3A_200, %get3A_201] {strides = array<i32>} : memref<256x32xf32, #tpu.memory_space<vmem>>, vector<1x16xf32>,
        %get3A_203 = vector.shape_cast %get3A_202 : vector<1x16xf32> to vector<16xf32>
        %add3A_204 = arith.addf %get3A_197, %get3A_203 : vector<16xf32>
        %add3A_205 = arith.constant 2 : i32
        %add3A_206 = arith.addi %mul3A_79, %add3A_205 : i32
        %get3A_207 = arith.index_cast %add3A_206 : i32 to index
        %get3A_208 = arith.constant 16 : index
        %get3A_209 = tpu.vector_load %arg8[%get3A_207, %get3A_208] {strides = array<i32>} : memref<256x32xf32, #tpu.memory_space<vmem>>, vector<1x16xf32>,
        %get3A_210 = vector.shape_cast %get3A_209 : vector<1x16xf32> to vector<16xf32>
        %add3A_211 = arith.addf %add3A_204, %get3A_210 : vector<16xf32>
        %add3A_212 = arith.constant 3 : i32
        %add3A_213 = arith.addi %mul3A_79, %add3A_212 : i32
        %get3A_214 = arith.index_cast %add3A_213 : i32 to index
        %get3A_215 = arith.constant 16 : index
        %get3A_216 = tpu.vector_load %arg8[%get3A_214, %get3A_215] {strides = array<i32>} : memref<256x32xf32, #tpu.memory_space<vmem>>, vector<1x16xf32>,
        %get3A_217 = vector.shape_cast %get3A_216 : vector<1x16xf32> to vector<16xf32>
        %add3A_218 = arith.addf %add3A_211, %get3A_217 : vector<16xf32>
        %add3A_219 = arith.constant 4 : i32
        %add3A_220 = arith.addi %mul3A_79, %add3A_219 : i32
        %get3A_221 = arith.index_cast %add3A_220 : i32 to index
        %get3A_222 = arith.constant 16 : index
        %get3A_223 = tpu.vector_load %arg8[%get3A_221, %get3A_222] {strides = array<i32>} : memref<256x32xf32, #tpu.memory_space<vmem>>, vector<1x16xf32>,
        %get3A_224 = vector.shape_cast %get3A_223 : vector<1x16xf32> to vector<16xf32>
        %add3A_225 = arith.addf %add3A_218, %get3A_224 : vector<16xf32>
        %add3A_226 = arith.constant 5 : i32
        %add3A_227 = arith.addi %mul3A_79, %add3A_226 : i32
        %get3A_228 = arith.index_cast %add3A_227 : i32 to index
        %get3A_229 = arith.constant 16 : index
        %get3A_230 = tpu.vector_load %arg8[%get3A_228, %get3A_229] {strides = array<i32>} : memref<256x32xf32, #tpu.memory_space<vmem>>, vector<1x16xf32>,
        %get3A_231 = vector.shape_cast %get3A_230 : vector<1x16xf32> to vector<16xf32>
        %add3A_232 = arith.addf %add3A_225, %get3A_231 : vector<16xf32>
        %add3A_233 = arith.constant 6 : i32
        %add3A_234 = arith.addi %mul3A_79, %add3A_233 : i32
        %get3A_235 = arith.index_cast %add3A_234 : i32 to index
        %get3A_236 = arith.constant 16 : index
        %get3A_237 = tpu.vector_load %arg8[%get3A_235, %get3A_236] {strides = array<i32>} : memref<256x32xf32, #tpu.memory_space<vmem>>, vector<1x16xf32>,
        %get3A_238 = vector.shape_cast %get3A_237 : vector<1x16xf32> to vector<16xf32>
        %add3A_239 = arith.addf %add3A_232, %get3A_238 : vector<16xf32>
        %add3A_240 = arith.constant 7 : i32
        %add3A_241 = arith.addi %mul3A_79, %add3A_240 : i32
        %get3A_242 = arith.index_cast %add3A_241 : i32 to index
        %get3A_243 = arith.constant 16 : index
        %get3A_244 = tpu.vector_load %arg8[%get3A_242, %get3A_243] {strides = array<i32>} : memref<256x32xf32, #tpu.memory_space<vmem>>, vector<1x16xf32>,
        %get3A_245 = vector.shape_cast %get3A_244 : vector<1x16xf32> to vector<16xf32>
        %add3A_246 = arith.addf %add3A_239, %get3A_245 : vector<16xf32>
        %add3A_247 = arith.constant 8 : i32
        %add3A_248 = arith.addi %mul3A_79, %add3A_247 : i32
        %get3A_249 = arith.index_cast %add3A_248 : i32 to index
        %get3A_250 = arith.constant 16 : index
        %get3A_251 = tpu.vector_load %arg8[%get3A_249, %get3A_250] {strides = array<i32>} : memref<256x32xf32, #tpu.memory_space<vmem>>, vector<1x16xf32>,
        %get3A_252 = vector.shape_cast %get3A_251 : vector<1x16xf32> to vector<16xf32>
        %add3A_253 = arith.addf %add3A_246, %get3A_252 : vector<16xf32>
        %add3A_254 = arith.constant 9 : i32
        %add3A_255 = arith.addi %mul3A_79, %add3A_254 : i32
        %get3A_256 = arith.index_cast %add3A_255 : i32 to index
        %get3A_257 = arith.constant 16 : index
        %get3A_258 = tpu.vector_load %arg8[%get3A_256, %get3A_257] {strides = array<i32>} : memref<256x32xf32, #tpu.memory_space<vmem>>, vector<1x16xf32>,
        %get3A_259 = vector.shape_cast %get3A_258 : vector<1x16xf32> to vector<16xf32>
        %add3A_260 = arith.addf %add3A_253, %get3A_259 : vector<16xf32>
        %add3A_261 = arith.constant 10 : i32
        %add3A_262 = arith.addi %mul3A_79, %add3A_261 : i32
        %get3A_263 = arith.index_cast %add3A_262 : i32 to index
        %get3A_264 = arith.constant 16 : index
        %get3A_265 = tpu.vector_load %arg8[%get3A_263, %get3A_264] {strides = array<i32>} : memref<256x32xf32, #tpu.memory_space<vmem>>, vector<1x16xf32>,
        %get3A_266 = vector.shape_cast %get3A_265 : vector<1x16xf32> to vector<16xf32>
        %add3A_267 = arith.addf %add3A_260, %get3A_266 : vector<16xf32>
        %add3A_268 = arith.constant 11 : i32
        %add3A_269 = arith.addi %mul3A_79, %add3A_268 : i32
        %get3A_270 = arith.index_cast %add3A_269 : i32 to index
        %get3A_271 = arith.constant 16 : index
        %get3A_272 = tpu.vector_load %arg8[%get3A_270, %get3A_271] {strides = array<i32>} : memref<256x32xf32, #tpu.memory_space<vmem>>, vector<1x16xf32>,
        %get3A_273 = vector.shape_cast %get3A_272 : vector<1x16xf32> to vector<16xf32>
        %add3A_274 = arith.addf %add3A_267, %get3A_273 : vector<16xf32>
        %add3A_275 = arith.constant 12 : i32
        %add3A_276 = arith.addi %mul3A_79, %add3A_275 : i32
        %get3A_277 = arith.index_cast %add3A_276 : i32 to index
        %get3A_278 = arith.constant 16 : index
        %get3A_279 = tpu.vector_load %arg8[%get3A_277, %get3A_278] {strides = array<i32>} : memref<256x32xf32, #tpu.memory_space<vmem>>, vector<1x16xf32>,
        %get3A_280 = vector.shape_cast %get3A_279 : vector<1x16xf32> to vector<16xf32>
        %add3A_281 = arith.addf %add3A_274, %get3A_280 : vector<16xf32>
        %add3A_282 = arith.constant 13 : i32
        %add3A_283 = arith.addi %mul3A_79, %add3A_282 : i32
        %get3A_284 = arith.index_cast %add3A_283 : i32 to index
        %get3A_285 = arith.constant 16 : index
        %get3A_286 = tpu.vector_load %arg8[%get3A_284, %get3A_285] {strides = array<i32>} : memref<256x32xf32, #tpu.memory_space<vmem>>, vector<1x16xf32>,
        %get3A_287 = vector.shape_cast %get3A_286 : vector<1x16xf32> to vector<16xf32>
        %add3A_288 = arith.addf %add3A_281, %get3A_287 : vector<16xf32>
        %add3A_289 = arith.constant 14 : i32
        %add3A_290 = arith.addi %mul3A_79, %add3A_289 : i32
        %get3A_291 = arith.index_cast %add3A_290 : i32 to index
        %get3A_292 = arith.constant 16 : index
        %get3A_293 = tpu.vector_load %arg8[%get3A_291, %get3A_292] {strides = array<i32>} : memref<256x32xf32, #tpu.memory_space<vmem>>, vector<1x16xf32>,
        %get3A_294 = vector.shape_cast %get3A_293 : vector<1x16xf32> to vector<16xf32>
        %add3A_295 = arith.addf %add3A_288, %get3A_294 : vector<16xf32>
        %add3A_296 = arith.constant 15 : i32
        %add3A_297 = arith.addi %mul3A_79, %add3A_296 : i32
        %get3A_298 = arith.index_cast %add3A_297 : i32 to index
        %get3A_299 = arith.constant 16 : index
        %get3A_300 = tpu.vector_load %arg8[%get3A_298, %get3A_299] {strides = array<i32>} : memref<256x32xf32, #tpu.memory_space<vmem>>, vector<1x16xf32>,
        %get3A_301 = vector.shape_cast %get3A_300 : vector<1x16xf32> to vector<16xf32>
        %add3A_302 = arith.addf %add3A_295, %get3A_301 : vector<16xf32>
        %add3A_303 = arith.addf %add3A_302, %get3A_9 : vector<16xf32>
        %swap3A_304 = arith.index_cast %scan3A_77 : i32 to index
        %swap3A_305 = arith.constant 16 : index
        %swap3A_306 = tpu.vector_load %arg9[%swap3A_304, %swap3A_305] {strides = array<i32>} : memref<16x32xf32, #tpu.memory_space<vmem>>, vector<1x16xf32>,
        %swap3A_307 = vector.shape_cast %swap3A_306 : vector<1x16xf32> to vector<16xf32>
        %swap3A_308 = vector.shape_cast %add3A_303 : vector<16xf32> to vector<1x16xf32>
        tpu.vector_store %arg9[%swap3A_304, %swap3A_305], %swap3A_308 {strides = array<i32>} : memref<16x32xf32, #tpu.memory_space<vmem>>, vector<1x16xf32>,
      }
      %scan3A_73 = arith.constant 16 : i32
      %mul3A_74 = arith.constant 16 : i32
      %mul3A_75 = arith.muli %add3A_67, %mul3A_74 : i32
      %add3A_76 = arith.addi %mul3A_2, %mul3A_75 : i32
      "tpu.region"() ({
        %run_scoped3A = tpu.sem_alloc : memref<!tpu.dma_semaphore, #tpu.memory_space<semaphore_mem>>
        %dma_start3A_77 = arith.constant 0 : i32
        %dma_start3A_78 = tpu.memref_slice %arg5[%add3A_76, %dma_start3A_77] : memref<51200x32xf32, #tpu.memory_space<hbm>> -> memref<16x32xf32, #tpu.memory_space<hbm>>
        %dma_start3A_79 = arith.constant 0 : i32
        %dma_start3A_80 = tpu.memref_slice %arg5[%add3A_76, %dma_start3A_79] : memref<51200x32xf32, #tpu.memory_space<hbm>> -> memref<16x32xf32, #tpu.memory_space<hbm>>
        tpu.enqueue_dma source(%arg9 : memref<16x32xf32, #tpu.memory_space<vmem>>) target(%dma_start3A_80 : memref<16x32xf32, #tpu.memory_space<hbm>>) target_semaphore(%run_scoped3A : memref<!tpu.dma_semaphore, #tpu.memory_space<semaphore_mem>>)
        %dma_wait3A_81 = arith.constant 0 : i32
        %dma_wait3A_82 = tpu.memref_slice %arg5[%add3A_76, %dma_wait3A_81] : memref<51200x32xf32, #tpu.memory_space<hbm>> -> memref<16x32xf32, #tpu.memory_space<hbm>>
        %dma_wait3A_83 = arith.constant 0 : i32
        %dma_wait3A_84 = tpu.memref_slice %arg5[%add3A_76, %dma_wait3A_83] : memref<51200x32xf32, #tpu.memory_space<hbm>> -> memref<16x32xf32, #tpu.memory_space<hbm>>
        tpu.wait_dma2 semaphore(%run_scoped3A : memref<!tpu.dma_semaphore, #tpu.memory_space<semaphore_mem>>) src(%arg9 : memref<16x32xf32, #tpu.memory_space<vmem>>) dst(%dma_wait3A_84 : memref<16x32xf32, #tpu.memory_space<hbm>>)
        tpu.yield
      }) : () -> ()
    }
    %scan3A_18 = arith.constant 50 : i32
    %dma_wait3A = arith.constant 25344 : i32
    %dma_wait3A_19 = tpu.memref_slice %arg6[%dma_wait3A] : memref<25600xi32, #tpu.memory_space<vmem>> -> memref<256xi32, #tpu.memory_space<vmem>>
    %dma_wait3A_20 = arith.constant 0 : i32
    %dma_wait3A_21 = arith.constant 0 : i32
    %dma_wait3A_22 = tpu.memref_slice %arg2[%dma_wait3A_20, %dma_wait3A_21] : memref<819200x32xf32, #tpu.memory_space<hbm>> -> memref<819200x32xf32, #tpu.memory_space<hbm>>
    tpu.wait_indirect_dma semaphore(%arg11 : memref<!tpu.dma_semaphore, #tpu.memory_space<semaphore_mem>>) src(%dma_wait3A_22 : memref<819200x32xf32, #tpu.memory_space<hbm>>) dst(%arg7 : memref<256x32xf32, #tpu.memory_space<vmem>>)
    return
  }
}

#map = affine_map<(d0, d1) -> (0, 0)>
#map1 = affine_map<(d0, d1) -> (0)>
module attributes {stable_mosaic.version = 14 : i64} {
  func.func @k(%arg0: i32, %arg1: i32, %arg2: memref<819200x64xf32, #tpu.memory_space<hbm>>, %arg3: memref<819200xi32, #tpu.memory_space<hbm>>, %arg4: memref<64xf32, #tpu.memory_space<hbm>>, %arg5: memref<51200x64xf32, #tpu.memory_space<hbm>>, %arg6: memref<25600xi32, #tpu.memory_space<vmem>>, %arg7: memref<256x64xf32, #tpu.memory_space<vmem>>, %arg8: memref<256x64xf32, #tpu.memory_space<vmem>>, %arg9: memref<16x64xf32, #tpu.memory_space<vmem>>, %arg10: memref<64xf32, #tpu.memory_space<vmem>>, %arg11: memref<!tpu.dma_semaphore, #tpu.memory_space<semaphore_mem>>, %arg12: memref<!tpu.dma_semaphore, #tpu.memory_space<semaphore_mem>>) attributes {dimension_semantics = [#tpu.dimension_semantics<core_parallel>, #tpu.dimension_semantics<subcore_parallel>], iteration_bounds = array<i64: 2, 16>, scalar_prefetch = 0 : i64, scratch_operands = 7 : i64, tpu.core_type = #tpu.core_type<sc_vector_subcore>, window_params = [{transform_indices = #map}, {transform_indices = #map1}, {transform_indices = #map1}, {transform_indices = #map}]} {
    %mul3A = arith.constant 2 : i32
    %mul3A_0 = arith.muli %arg1, %mul3A : i32
    %add3A = arith.addi %mul3A_0, %arg0 : i32
    %mul3A_1 = arith.constant 1600 : i32
    %mul3A_2 = arith.muli %add3A, %mul3A_1 : i32
    %mul3A_3 = arith.constant 16 : i32
    %mul3A_4 = arith.muli %mul3A_2, %mul3A_3 : i32
    "tpu.region"() ({
      %run_scoped3A = tpu.sem_alloc : memref<!tpu.dma_semaphore, #tpu.memory_space<semaphore_mem>>
      %dma_start3A_29 = tpu.memref_slice %arg3[%mul3A_4] : memref<819200xi32, #tpu.memory_space<hbm>> -> memref<25600xi32, #tpu.memory_space<hbm>>
      %dma_start3A_30 = tpu.memref_slice %arg3[%mul3A_4] : memref<819200xi32, #tpu.memory_space<hbm>> -> memref<25600xi32, #tpu.memory_space<hbm>>
      tpu.enqueue_dma source(%dma_start3A_30 : memref<25600xi32, #tpu.memory_space<hbm>>) target(%arg6 : memref<25600xi32, #tpu.memory_space<vmem>>) target_semaphore(%run_scoped3A : memref<!tpu.dma_semaphore, #tpu.memory_space<semaphore_mem>>)
      %dma_wait3A_31 = tpu.memref_slice %arg3[%mul3A_4] : memref<819200xi32, #tpu.memory_space<hbm>> -> memref<25600xi32, #tpu.memory_space<hbm>>
      %dma_wait3A_32 = tpu.memref_slice %arg3[%mul3A_4] : memref<819200xi32, #tpu.memory_space<hbm>> -> memref<25600xi32, #tpu.memory_space<hbm>>
      tpu.wait_dma2 semaphore(%run_scoped3A : memref<!tpu.dma_semaphore, #tpu.memory_space<semaphore_mem>>) src(%dma_wait3A_32 : memref<25600xi32, #tpu.memory_space<hbm>>) dst(%arg6 : memref<25600xi32, #tpu.memory_space<vmem>>)
      tpu.yield
    }) : () -> ()
    "tpu.region"() ({
      %run_scoped3A = tpu.sem_alloc : memref<!tpu.dma_semaphore, #tpu.memory_space<semaphore_mem>>
      tpu.enqueue_dma source(%arg4 : memref<64xf32, #tpu.memory_space<hbm>>) target(%arg10 : memref<64xf32, #tpu.memory_space<vmem>>) target_semaphore(%run_scoped3A : memref<!tpu.dma_semaphore, #tpu.memory_space<semaphore_mem>>)
      tpu.wait_dma2 semaphore(%run_scoped3A : memref<!tpu.dma_semaphore, #tpu.memory_space<semaphore_mem>>) src(%arg4 : memref<64xf32, #tpu.memory_space<hbm>>) dst(%arg10 : memref<64xf32, #tpu.memory_space<vmem>>)
      tpu.yield
    }) : () -> ()
    %get3A = arith.constant 0 : index
    %get3A_5 = tpu.vector_load %arg10[%get3A] {strides = array<i32>} : memref<64xf32, #tpu.memory_space<vmem>>, vector<16xf32>,
    %get3A_6 = vector.shape_cast %get3A_5 : vector<16xf32> to vector<16xf32>
    %get3A_7 = arith.constant 16 : index
    %get3A_8 = tpu.vector_load %arg10[%get3A_7] {strides = array<i32>} : memref<64xf32, #tpu.memory_space<vmem>>, vector<16xf32>,
    %get3A_9 = vector.shape_cast %get3A_8 : vector<16xf32> to vector<16xf32>
    %get3A_10 = arith.constant 32 : index
    %get3A_11 = tpu.vector_load %arg10[%get3A_10] {strides = array<i32>} : memref<64xf32, #tpu.memory_space<vmem>>, vector<16xf32>,
    %get3A_12 = vector.shape_cast %get3A_11 : vector<16xf32> to vector<16xf32>
    %get3A_13 = arith.constant 48 : index
    %get3A_14 = tpu.vector_load %arg10[%get3A_13] {strides = array<i32>} : memref<64xf32, #tpu.memory_space<vmem>>, vector<16xf32>,
    %get3A_15 = vector.shape_cast %get3A_14 : vector<16xf32> to vector<16xf32>
    %dma_start3A = arith.constant 0 : i32
    %dma_start3A_16 = tpu.memref_slice %arg6[%dma_start3A] : memref<25600xi32, #tpu.memory_space<vmem>> -> memref<256xi32, #tpu.memory_space<vmem>>
    %dma_start3A_17 = arith.constant 0 : i32
    %dma_start3A_18 = arith.constant 0 : i32
    %dma_start3A_19 = tpu.memref_slice %arg2[%dma_start3A_17, %dma_start3A_18] : memref<819200x64xf32, #tpu.memory_space<hbm>> -> memref<819200x64xf32, #tpu.memory_space<hbm>>
    tpu.enqueue_indirect_dma source(%dma_start3A_19 : memref<819200x64xf32, #tpu.memory_space<hbm>>) target(%arg7 : memref<256x64xf32, #tpu.memory_space<vmem>>) offsets(%dma_start3A_16 : memref<256xi32, #tpu.memory_space<vmem>>) semaphore(%arg11 : memref<!tpu.dma_semaphore, #tpu.memory_space<semaphore_mem>>)
    %scan3A = arith.constant 0 : i32
    %scan3A_20 = arith.constant 0 : i32
    %scan3A_21 = arith.constant 50 : i32
    %scan3A_22 = arith.addi %scan3A_20, %scan3A_21 : i32
    %scan3A_23 = arith.constant 1 : i32
    scf.for %scan3A_29 = %scan3A_20 to %scan3A_22 step %scan3A_23  : i32 {
      %mul3A_30 = arith.constant 2 : i32
      %mul3A_31 = arith.muli %mul3A_30, %scan3A_29 : i32
      %add3A_32 = arith.constant 1 : i32
      %add3A_33 = arith.addi %mul3A_31, %add3A_32 : i32
      %mul3A_34 = arith.constant 256 : i32
      %mul3A_35 = arith.muli %add3A_33, %mul3A_34 : i32
      %dma_start3A_36 = tpu.memref_slice %arg6[%mul3A_35] : memref<25600xi32, #tpu.memory_space<vmem>> -> memref<256xi32, #tpu.memory_space<vmem>>
      %dma_start3A_37 = arith.constant 0 : i32
      %dma_start3A_38 = arith.constant 0 : i32
      %dma_start3A_39 = tpu.memref_slice %arg2[%dma_start3A_37, %dma_start3A_38] : memref<819200x64xf32, #tpu.memory_space<hbm>> -> memref<819200x64xf32, #tpu.memory_space<hbm>>
      tpu.enqueue_indirect_dma source(%dma_start3A_39 : memref<819200x64xf32, #tpu.memory_space<hbm>>) target(%arg8 : memref<256x64xf32, #tpu.memory_space<vmem>>) offsets(%dma_start3A_36 : memref<256xi32, #tpu.memory_space<vmem>>) semaphore(%arg12 : memref<!tpu.dma_semaphore, #tpu.memory_space<semaphore_mem>>)
      %mul3A_40 = arith.constant 256 : i32
      %mul3A_41 = arith.muli %mul3A_31, %mul3A_40 : i32
      %dma_wait3A_42 = tpu.memref_slice %arg6[%mul3A_41] : memref<25600xi32, #tpu.memory_space<vmem>> -> memref<256xi32, #tpu.memory_space<vmem>>
      %dma_wait3A_43 = arith.constant 0 : i32
      %dma_wait3A_44 = arith.constant 0 : i32
      %dma_wait3A_45 = tpu.memref_slice %arg2[%dma_wait3A_43, %dma_wait3A_44] : memref<819200x64xf32, #tpu.memory_space<hbm>> -> memref<819200x64xf32, #tpu.memory_space<hbm>>
      tpu.wait_indirect_dma semaphore(%arg11 : memref<!tpu.dma_semaphore, #tpu.memory_space<semaphore_mem>>) src(%dma_wait3A_45 : memref<819200x64xf32, #tpu.memory_space<hbm>>) dst(%arg7 : memref<256x64xf32, #tpu.memory_space<vmem>>)
      %scan3A_46 = arith.constant 0 : i32
      %scan3A_47 = arith.constant 0 : i32
      %scan3A_48 = arith.constant 16 : i32
      %scan3A_49 = arith.addi %scan3A_47, %scan3A_48 : i32
      %scan3A_50 = arith.constant 1 : i32
      scf.for %scan3A_83 = %scan3A_47 to %scan3A_49 step %scan3A_50  : i32 {
        %mul3A_84 = arith.constant 16 : i32
        %mul3A_85 = arith.muli %scan3A_83, %mul3A_84 : i32
        %get3A_86 = arith.index_cast %mul3A_85 : i32 to index
        %get3A_87 = arith.constant 0 : index
        %get3A_88 = tpu.vector_load %arg7[%get3A_86, %get3A_87] {strides = array<i32>} : memref<256x64xf32, #tpu.memory_space<vmem>>, vector<1x16xf32>,
        %get3A_89 = vector.shape_cast %get3A_88 : vector<1x16xf32> to vector<16xf32>
        %add3A_90 = arith.constant 1 : i32
        %add3A_91 = arith.addi %mul3A_85, %add3A_90 : i32
        %get3A_92 = arith.index_cast %add3A_91 : i32 to index
        %get3A_93 = arith.constant 0 : index
        %get3A_94 = tpu.vector_load %arg7[%get3A_92, %get3A_93] {strides = array<i32>} : memref<256x64xf32, #tpu.memory_space<vmem>>, vector<1x16xf32>,
        %get3A_95 = vector.shape_cast %get3A_94 : vector<1x16xf32> to vector<16xf32>
        %add3A_96 = arith.addf %get3A_89, %get3A_95 : vector<16xf32>
        %add3A_97 = arith.constant 2 : i32
        %add3A_98 = arith.addi %mul3A_85, %add3A_97 : i32
        %get3A_99 = arith.index_cast %add3A_98 : i32 to index
        %get3A_100 = arith.constant 0 : index
        %get3A_101 = tpu.vector_load %arg7[%get3A_99, %get3A_100] {strides = array<i32>} : memref<256x64xf32, #tpu.memory_space<vmem>>, vector<1x16xf32>,
        %get3A_102 = vector.shape_cast %get3A_101 : vector<1x16xf32> to vector<16xf32>
        %add3A_103 = arith.addf %add3A_96, %get3A_102 : vector<16xf32>
        %add3A_104 = arith.constant 3 : i32
        %add3A_105 = arith.addi %mul3A_85, %add3A_104 : i32
        %get3A_106 = arith.index_cast %add3A_105 : i32 to index
        %get3A_107 = arith.constant 0 : index
        %get3A_108 = tpu.vector_load %arg7[%get3A_106, %get3A_107] {strides = array<i32>} : memref<256x64xf32, #tpu.memory_space<vmem>>, vector<1x16xf32>,
        %get3A_109 = vector.shape_cast %get3A_108 : vector<1x16xf32> to vector<16xf32>
        %add3A_110 = arith.addf %add3A_103, %get3A_109 : vector<16xf32>
        %add3A_111 = arith.constant 4 : i32
        %add3A_112 = arith.addi %mul3A_85, %add3A_111 : i32
        %get3A_113 = arith.index_cast %add3A_112 : i32 to index
        %get3A_114 = arith.constant 0 : index
        %get3A_115 = tpu.vector_load %arg7[%get3A_113, %get3A_114] {strides = array<i32>} : memref<256x64xf32, #tpu.memory_space<vmem>>, vector<1x16xf32>,
        %get3A_116 = vector.shape_cast %get3A_115 : vector<1x16xf32> to vector<16xf32>
        %add3A_117 = arith.addf %add3A_110, %get3A_116 : vector<16xf32>
        %add3A_118 = arith.constant 5 : i32
        %add3A_119 = arith.addi %mul3A_85, %add3A_118 : i32
        %get3A_120 = arith.index_cast %add3A_119 : i32 to index
        %get3A_121 = arith.constant 0 : index
        %get3A_122 = tpu.vector_load %arg7[%get3A_120, %get3A_121] {strides = array<i32>} : memref<256x64xf32, #tpu.memory_space<vmem>>, vector<1x16xf32>,
        %get3A_123 = vector.shape_cast %get3A_122 : vector<1x16xf32> to vector<16xf32>
        %add3A_124 = arith.addf %add3A_117, %get3A_123 : vector<16xf32>
        %add3A_125 = arith.constant 6 : i32
        %add3A_126 = arith.addi %mul3A_85, %add3A_125 : i32
        %get3A_127 = arith.index_cast %add3A_126 : i32 to index
        %get3A_128 = arith.constant 0 : index
        %get3A_129 = tpu.vector_load %arg7[%get3A_127, %get3A_128] {strides = array<i32>} : memref<256x64xf32, #tpu.memory_space<vmem>>, vector<1x16xf32>,
        %get3A_130 = vector.shape_cast %get3A_129 : vector<1x16xf32> to vector<16xf32>
        %add3A_131 = arith.addf %add3A_124, %get3A_130 : vector<16xf32>
        %add3A_132 = arith.constant 7 : i32
        %add3A_133 = arith.addi %mul3A_85, %add3A_132 : i32
        %get3A_134 = arith.index_cast %add3A_133 : i32 to index
        %get3A_135 = arith.constant 0 : index
        %get3A_136 = tpu.vector_load %arg7[%get3A_134, %get3A_135] {strides = array<i32>} : memref<256x64xf32, #tpu.memory_space<vmem>>, vector<1x16xf32>,
        %get3A_137 = vector.shape_cast %get3A_136 : vector<1x16xf32> to vector<16xf32>
        %add3A_138 = arith.addf %add3A_131, %get3A_137 : vector<16xf32>
        %add3A_139 = arith.constant 8 : i32
        %add3A_140 = arith.addi %mul3A_85, %add3A_139 : i32
        %get3A_141 = arith.index_cast %add3A_140 : i32 to index
        %get3A_142 = arith.constant 0 : index
        %get3A_143 = tpu.vector_load %arg7[%get3A_141, %get3A_142] {strides = array<i32>} : memref<256x64xf32, #tpu.memory_space<vmem>>, vector<1x16xf32>,
        %get3A_144 = vector.shape_cast %get3A_143 : vector<1x16xf32> to vector<16xf32>
        %add3A_145 = arith.addf %add3A_138, %get3A_144 : vector<16xf32>
        %add3A_146 = arith.constant 9 : i32
        %add3A_147 = arith.addi %mul3A_85, %add3A_146 : i32
        %get3A_148 = arith.index_cast %add3A_147 : i32 to index
        %get3A_149 = arith.constant 0 : index
        %get3A_150 = tpu.vector_load %arg7[%get3A_148, %get3A_149] {strides = array<i32>} : memref<256x64xf32, #tpu.memory_space<vmem>>, vector<1x16xf32>,
        %get3A_151 = vector.shape_cast %get3A_150 : vector<1x16xf32> to vector<16xf32>
        %add3A_152 = arith.addf %add3A_145, %get3A_151 : vector<16xf32>
        %add3A_153 = arith.constant 10 : i32
        %add3A_154 = arith.addi %mul3A_85, %add3A_153 : i32
        %get3A_155 = arith.index_cast %add3A_154 : i32 to index
        %get3A_156 = arith.constant 0 : index
        %get3A_157 = tpu.vector_load %arg7[%get3A_155, %get3A_156] {strides = array<i32>} : memref<256x64xf32, #tpu.memory_space<vmem>>, vector<1x16xf32>,
        %get3A_158 = vector.shape_cast %get3A_157 : vector<1x16xf32> to vector<16xf32>
        %add3A_159 = arith.addf %add3A_152, %get3A_158 : vector<16xf32>
        %add3A_160 = arith.constant 11 : i32
        %add3A_161 = arith.addi %mul3A_85, %add3A_160 : i32
        %get3A_162 = arith.index_cast %add3A_161 : i32 to index
        %get3A_163 = arith.constant 0 : index
        %get3A_164 = tpu.vector_load %arg7[%get3A_162, %get3A_163] {strides = array<i32>} : memref<256x64xf32, #tpu.memory_space<vmem>>, vector<1x16xf32>,
        %get3A_165 = vector.shape_cast %get3A_164 : vector<1x16xf32> to vector<16xf32>
        %add3A_166 = arith.addf %add3A_159, %get3A_165 : vector<16xf32>
        %add3A_167 = arith.constant 12 : i32
        %add3A_168 = arith.addi %mul3A_85, %add3A_167 : i32
        %get3A_169 = arith.index_cast %add3A_168 : i32 to index
        %get3A_170 = arith.constant 0 : index
        %get3A_171 = tpu.vector_load %arg7[%get3A_169, %get3A_170] {strides = array<i32>} : memref<256x64xf32, #tpu.memory_space<vmem>>, vector<1x16xf32>,
        %get3A_172 = vector.shape_cast %get3A_171 : vector<1x16xf32> to vector<16xf32>
        %add3A_173 = arith.addf %add3A_166, %get3A_172 : vector<16xf32>
        %add3A_174 = arith.constant 13 : i32
        %add3A_175 = arith.addi %mul3A_85, %add3A_174 : i32
        %get3A_176 = arith.index_cast %add3A_175 : i32 to index
        %get3A_177 = arith.constant 0 : index
        %get3A_178 = tpu.vector_load %arg7[%get3A_176, %get3A_177] {strides = array<i32>} : memref<256x64xf32, #tpu.memory_space<vmem>>, vector<1x16xf32>,
        %get3A_179 = vector.shape_cast %get3A_178 : vector<1x16xf32> to vector<16xf32>
        %add3A_180 = arith.addf %add3A_173, %get3A_179 : vector<16xf32>
        %add3A_181 = arith.constant 14 : i32
        %add3A_182 = arith.addi %mul3A_85, %add3A_181 : i32
        %get3A_183 = arith.index_cast %add3A_182 : i32 to index
        %get3A_184 = arith.constant 0 : index
        %get3A_185 = tpu.vector_load %arg7[%get3A_183, %get3A_184] {strides = array<i32>} : memref<256x64xf32, #tpu.memory_space<vmem>>, vector<1x16xf32>,
        %get3A_186 = vector.shape_cast %get3A_185 : vector<1x16xf32> to vector<16xf32>
        %add3A_187 = arith.addf %add3A_180, %get3A_186 : vector<16xf32>
        %add3A_188 = arith.constant 15 : i32
        %add3A_189 = arith.addi %mul3A_85, %add3A_188 : i32
        %get3A_190 = arith.index_cast %add3A_189 : i32 to index
        %get3A_191 = arith.constant 0 : index
        %get3A_192 = tpu.vector_load %arg7[%get3A_190, %get3A_191] {strides = array<i32>} : memref<256x64xf32, #tpu.memory_space<vmem>>, vector<1x16xf32>,
        %get3A_193 = vector.shape_cast %get3A_192 : vector<1x16xf32> to vector<16xf32>
        %add3A_194 = arith.addf %add3A_187, %get3A_193 : vector<16xf32>
        %add3A_195 = arith.addf %add3A_194, %get3A_6 : vector<16xf32>
        %gt3A = arith.constant 0.000000e+00 : f32
        %gt3A_196 = vector.broadcast %gt3A : f32 to vector<16xf32>
        %gt3A_197 = arith.cmpf ogt, %add3A_195, %gt3A_196 : vector<16xf32>
        %min3A_198 = arith.constant 0.000000e+00 : f32
        %min3A_199 = vector.broadcast %min3A_198 : f32 to vector<16xf32>
        %min3A_200 = arith.minimumf %add3A_195, %min3A_199 : vector<16xf32>
        %exp3A = math.exp %min3A_200 : vector<16xf32>
        %sub3A = arith.constant 1.000000e+00 : f32
        %sub3A_201 = vector.broadcast %sub3A : f32 to vector<16xf32>
        %sub3A_202 = arith.subf %exp3A, %sub3A_201 : vector<16xf32>
        %select_n3A = arith.select %gt3A_197, %add3A_195, %sub3A_202 : vector<16xi1>, vector<16xf32>
        %swap3A = arith.index_cast %scan3A_83 : i32 to index
        %swap3A_203 = arith.constant 0 : index
        %swap3A_204 = tpu.vector_load %arg9[%swap3A, %swap3A_203] {strides = array<i32>} : memref<16x64xf32, #tpu.memory_space<vmem>>, vector<1x16xf32>,
        %swap3A_205 = vector.shape_cast %swap3A_204 : vector<1x16xf32> to vector<16xf32>
        %swap3A_206 = vector.shape_cast %select_n3A : vector<16xf32> to vector<1x16xf32>
        tpu.vector_store %arg9[%swap3A, %swap3A_203], %swap3A_206 {strides = array<i32>} : memref<16x64xf32, #tpu.memory_space<vmem>>, vector<1x16xf32>,
        %get3A_207 = arith.index_cast %mul3A_85 : i32 to index
        %get3A_208 = arith.constant 16 : index
        %get3A_209 = tpu.vector_load %arg7[%get3A_207, %get3A_208] {strides = array<i32>} : memref<256x64xf32, #tpu.memory_space<vmem>>, vector<1x16xf32>,
        %get3A_210 = vector.shape_cast %get3A_209 : vector<1x16xf32> to vector<16xf32>
        %add3A_211 = arith.constant 1 : i32
        %add3A_212 = arith.addi %mul3A_85, %add3A_211 : i32
        %get3A_213 = arith.index_cast %add3A_212 : i32 to index
        %get3A_214 = arith.constant 16 : index
        %get3A_215 = tpu.vector_load %arg7[%get3A_213, %get3A_214] {strides = array<i32>} : memref<256x64xf32, #tpu.memory_space<vmem>>, vector<1x16xf32>,
        %get3A_216 = vector.shape_cast %get3A_215 : vector<1x16xf32> to vector<16xf32>
        %add3A_217 = arith.addf %get3A_210, %get3A_216 : vector<16xf32>
        %add3A_218 = arith.constant 2 : i32
        %add3A_219 = arith.addi %mul3A_85, %add3A_218 : i32
        %get3A_220 = arith.index_cast %add3A_219 : i32 to index
        %get3A_221 = arith.constant 16 : index
        %get3A_222 = tpu.vector_load %arg7[%get3A_220, %get3A_221] {strides = array<i32>} : memref<256x64xf32, #tpu.memory_space<vmem>>, vector<1x16xf32>,
        %get3A_223 = vector.shape_cast %get3A_222 : vector<1x16xf32> to vector<16xf32>
        %add3A_224 = arith.addf %add3A_217, %get3A_223 : vector<16xf32>
        %add3A_225 = arith.constant 3 : i32
        %add3A_226 = arith.addi %mul3A_85, %add3A_225 : i32
        %get3A_227 = arith.index_cast %add3A_226 : i32 to index
        %get3A_228 = arith.constant 16 : index
        %get3A_229 = tpu.vector_load %arg7[%get3A_227, %get3A_228] {strides = array<i32>} : memref<256x64xf32, #tpu.memory_space<vmem>>, vector<1x16xf32>,
        %get3A_230 = vector.shape_cast %get3A_229 : vector<1x16xf32> to vector<16xf32>
        %add3A_231 = arith.addf %add3A_224, %get3A_230 : vector<16xf32>
        %add3A_232 = arith.constant 4 : i32
        %add3A_233 = arith.addi %mul3A_85, %add3A_232 : i32
        %get3A_234 = arith.index_cast %add3A_233 : i32 to index
        %get3A_235 = arith.constant 16 : index
        %get3A_236 = tpu.vector_load %arg7[%get3A_234, %get3A_235] {strides = array<i32>} : memref<256x64xf32, #tpu.memory_space<vmem>>, vector<1x16xf32>,
        %get3A_237 = vector.shape_cast %get3A_236 : vector<1x16xf32> to vector<16xf32>
        %add3A_238 = arith.addf %add3A_231, %get3A_237 : vector<16xf32>
        %add3A_239 = arith.constant 5 : i32
        %add3A_240 = arith.addi %mul3A_85, %add3A_239 : i32
        %get3A_241 = arith.index_cast %add3A_240 : i32 to index
        %get3A_242 = arith.constant 16 : index
        %get3A_243 = tpu.vector_load %arg7[%get3A_241, %get3A_242] {strides = array<i32>} : memref<256x64xf32, #tpu.memory_space<vmem>>, vector<1x16xf32>,
        %get3A_244 = vector.shape_cast %get3A_243 : vector<1x16xf32> to vector<16xf32>
        %add3A_245 = arith.addf %add3A_238, %get3A_244 : vector<16xf32>
        %add3A_246 = arith.constant 6 : i32
        %add3A_247 = arith.addi %mul3A_85, %add3A_246 : i32
        %get3A_248 = arith.index_cast %add3A_247 : i32 to index
        %get3A_249 = arith.constant 16 : index
        %get3A_250 = tpu.vector_load %arg7[%get3A_248, %get3A_249] {strides = array<i32>} : memref<256x64xf32, #tpu.memory_space<vmem>>, vector<1x16xf32>,
        %get3A_251 = vector.shape_cast %get3A_250 : vector<1x16xf32> to vector<16xf32>
        %add3A_252 = arith.addf %add3A_245, %get3A_251 : vector<16xf32>
        %add3A_253 = arith.constant 7 : i32
        %add3A_254 = arith.addi %mul3A_85, %add3A_253 : i32
        %get3A_255 = arith.index_cast %add3A_254 : i32 to index
        %get3A_256 = arith.constant 16 : index
        %get3A_257 = tpu.vector_load %arg7[%get3A_255, %get3A_256] {strides = array<i32>} : memref<256x64xf32, #tpu.memory_space<vmem>>, vector<1x16xf32>,
        %get3A_258 = vector.shape_cast %get3A_257 : vector<1x16xf32> to vector<16xf32>
        %add3A_259 = arith.addf %add3A_252, %get3A_258 : vector<16xf32>
        %add3A_260 = arith.constant 8 : i32
        %add3A_261 = arith.addi %mul3A_85, %add3A_260 : i32
        %get3A_262 = arith.index_cast %add3A_261 : i32 to index
        %get3A_263 = arith.constant 16 : index
        %get3A_264 = tpu.vector_load %arg7[%get3A_262, %get3A_263] {strides = array<i32>} : memref<256x64xf32, #tpu.memory_space<vmem>>, vector<1x16xf32>,
        %get3A_265 = vector.shape_cast %get3A_264 : vector<1x16xf32> to vector<16xf32>
        %add3A_266 = arith.addf %add3A_259, %get3A_265 : vector<16xf32>
        %add3A_267 = arith.constant 9 : i32
        %add3A_268 = arith.addi %mul3A_85, %add3A_267 : i32
        %get3A_269 = arith.index_cast %add3A_268 : i32 to index
        %get3A_270 = arith.constant 16 : index
        %get3A_271 = tpu.vector_load %arg7[%get3A_269, %get3A_270] {strides = array<i32>} : memref<256x64xf32, #tpu.memory_space<vmem>>, vector<1x16xf32>,
        %get3A_272 = vector.shape_cast %get3A_271 : vector<1x16xf32> to vector<16xf32>
        %add3A_273 = arith.addf %add3A_266, %get3A_272 : vector<16xf32>
        %add3A_274 = arith.constant 10 : i32
        %add3A_275 = arith.addi %mul3A_85, %add3A_274 : i32
        %get3A_276 = arith.index_cast %add3A_275 : i32 to index
        %get3A_277 = arith.constant 16 : index
        %get3A_278 = tpu.vector_load %arg7[%get3A_276, %get3A_277] {strides = array<i32>} : memref<256x64xf32, #tpu.memory_space<vmem>>, vector<1x16xf32>,
        %get3A_279 = vector.shape_cast %get3A_278 : vector<1x16xf32> to vector<16xf32>
        %add3A_280 = arith.addf %add3A_273, %get3A_279 : vector<16xf32>
        %add3A_281 = arith.constant 11 : i32
        %add3A_282 = arith.addi %mul3A_85, %add3A_281 : i32
        %get3A_283 = arith.index_cast %add3A_282 : i32 to index
        %get3A_284 = arith.constant 16 : index
        %get3A_285 = tpu.vector_load %arg7[%get3A_283, %get3A_284] {strides = array<i32>} : memref<256x64xf32, #tpu.memory_space<vmem>>, vector<1x16xf32>,
        %get3A_286 = vector.shape_cast %get3A_285 : vector<1x16xf32> to vector<16xf32>
        %add3A_287 = arith.addf %add3A_280, %get3A_286 : vector<16xf32>
        %add3A_288 = arith.constant 12 : i32
        %add3A_289 = arith.addi %mul3A_85, %add3A_288 : i32
        %get3A_290 = arith.index_cast %add3A_289 : i32 to index
        %get3A_291 = arith.constant 16 : index
        %get3A_292 = tpu.vector_load %arg7[%get3A_290, %get3A_291] {strides = array<i32>} : memref<256x64xf32, #tpu.memory_space<vmem>>, vector<1x16xf32>,
        %get3A_293 = vector.shape_cast %get3A_292 : vector<1x16xf32> to vector<16xf32>
        %add3A_294 = arith.addf %add3A_287, %get3A_293 : vector<16xf32>
        %add3A_295 = arith.constant 13 : i32
        %add3A_296 = arith.addi %mul3A_85, %add3A_295 : i32
        %get3A_297 = arith.index_cast %add3A_296 : i32 to index
        %get3A_298 = arith.constant 16 : index
        %get3A_299 = tpu.vector_load %arg7[%get3A_297, %get3A_298] {strides = array<i32>} : memref<256x64xf32, #tpu.memory_space<vmem>>, vector<1x16xf32>,
        %get3A_300 = vector.shape_cast %get3A_299 : vector<1x16xf32> to vector<16xf32>
        %add3A_301 = arith.addf %add3A_294, %get3A_300 : vector<16xf32>
        %add3A_302 = arith.constant 14 : i32
        %add3A_303 = arith.addi %mul3A_85, %add3A_302 : i32
        %get3A_304 = arith.index_cast %add3A_303 : i32 to index
        %get3A_305 = arith.constant 16 : index
        %get3A_306 = tpu.vector_load %arg7[%get3A_304, %get3A_305] {strides = array<i32>} : memref<256x64xf32, #tpu.memory_space<vmem>>, vector<1x16xf32>,
        %get3A_307 = vector.shape_cast %get3A_306 : vector<1x16xf32> to vector<16xf32>
        %add3A_308 = arith.addf %add3A_301, %get3A_307 : vector<16xf32>
        %add3A_309 = arith.constant 15 : i32
        %add3A_310 = arith.addi %mul3A_85, %add3A_309 : i32
        %get3A_311 = arith.index_cast %add3A_310 : i32 to index
        %get3A_312 = arith.constant 16 : index
        %get3A_313 = tpu.vector_load %arg7[%get3A_311, %get3A_312] {strides = array<i32>} : memref<256x64xf32, #tpu.memory_space<vmem>>, vector<1x16xf32>,
        %get3A_314 = vector.shape_cast %get3A_313 : vector<1x16xf32> to vector<16xf32>
        %add3A_315 = arith.addf %add3A_308, %get3A_314 : vector<16xf32>
        %add3A_316 = arith.addf %add3A_315, %get3A_9 : vector<16xf32>
        %gt3A_317 = arith.constant 0.000000e+00 : f32
        %gt3A_318 = vector.broadcast %gt3A_317 : f32 to vector<16xf32>
        %gt3A_319 = arith.cmpf ogt, %add3A_316, %gt3A_318 : vector<16xf32>
        %min3A_320 = arith.constant 0.000000e+00 : f32
        %min3A_321 = vector.broadcast %min3A_320 : f32 to vector<16xf32>
        %min3A_322 = arith.minimumf %add3A_316, %min3A_321 : vector<16xf32>
        %exp3A_323 = math.exp %min3A_322 : vector<16xf32>
        %sub3A_324 = arith.constant 1.000000e+00 : f32
        %sub3A_325 = vector.broadcast %sub3A_324 : f32 to vector<16xf32>
        %sub3A_326 = arith.subf %exp3A_323, %sub3A_325 : vector<16xf32>
        %select_n3A_327 = arith.select %gt3A_319, %add3A_316, %sub3A_326 : vector<16xi1>, vector<16xf32>
        %swap3A_328 = arith.index_cast %scan3A_83 : i32 to index
        %swap3A_329 = arith.constant 16 : index
        %swap3A_330 = tpu.vector_load %arg9[%swap3A_328, %swap3A_329] {strides = array<i32>} : memref<16x64xf32, #tpu.memory_space<vmem>>, vector<1x16xf32>,
        %swap3A_331 = vector.shape_cast %swap3A_330 : vector<1x16xf32> to vector<16xf32>
        %swap3A_332 = vector.shape_cast %select_n3A_327 : vector<16xf32> to vector<1x16xf32>
        tpu.vector_store %arg9[%swap3A_328, %swap3A_329], %swap3A_332 {strides = array<i32>} : memref<16x64xf32, #tpu.memory_space<vmem>>, vector<1x16xf32>,
        %get3A_333 = arith.index_cast %mul3A_85 : i32 to index
        %get3A_334 = arith.constant 32 : index
        %get3A_335 = tpu.vector_load %arg7[%get3A_333, %get3A_334] {strides = array<i32>} : memref<256x64xf32, #tpu.memory_space<vmem>>, vector<1x16xf32>,
        %get3A_336 = vector.shape_cast %get3A_335 : vector<1x16xf32> to vector<16xf32>
        %add3A_337 = arith.constant 1 : i32
        %add3A_338 = arith.addi %mul3A_85, %add3A_337 : i32
        %get3A_339 = arith.index_cast %add3A_338 : i32 to index
        %get3A_340 = arith.constant 32 : index
        %get3A_341 = tpu.vector_load %arg7[%get3A_339, %get3A_340] {strides = array<i32>} : memref<256x64xf32, #tpu.memory_space<vmem>>, vector<1x16xf32>,
        %get3A_342 = vector.shape_cast %get3A_341 : vector<1x16xf32> to vector<16xf32>
        %add3A_343 = arith.addf %get3A_336, %get3A_342 : vector<16xf32>
        %add3A_344 = arith.constant 2 : i32
        %add3A_345 = arith.addi %mul3A_85, %add3A_344 : i32
        %get3A_346 = arith.index_cast %add3A_345 : i32 to index
        %get3A_347 = arith.constant 32 : index
        %get3A_348 = tpu.vector_load %arg7[%get3A_346, %get3A_347] {strides = array<i32>} : memref<256x64xf32, #tpu.memory_space<vmem>>, vector<1x16xf32>,
        %get3A_349 = vector.shape_cast %get3A_348 : vector<1x16xf32> to vector<16xf32>
        %add3A_350 = arith.addf %add3A_343, %get3A_349 : vector<16xf32>
        %add3A_351 = arith.constant 3 : i32
        %add3A_352 = arith.addi %mul3A_85, %add3A_351 : i32
        %get3A_353 = arith.index_cast %add3A_352 : i32 to index
        %get3A_354 = arith.constant 32 : index
        %get3A_355 = tpu.vector_load %arg7[%get3A_353, %get3A_354] {strides = array<i32>} : memref<256x64xf32, #tpu.memory_space<vmem>>, vector<1x16xf32>,
        %get3A_356 = vector.shape_cast %get3A_355 : vector<1x16xf32> to vector<16xf32>
        %add3A_357 = arith.addf %add3A_350, %get3A_356 : vector<16xf32>
        %add3A_358 = arith.constant 4 : i32
        %add3A_359 = arith.addi %mul3A_85, %add3A_358 : i32
        %get3A_360 = arith.index_cast %add3A_359 : i32 to index
        %get3A_361 = arith.constant 32 : index
        %get3A_362 = tpu.vector_load %arg7[%get3A_360, %get3A_361] {strides = array<i32>} : memref<256x64xf32, #tpu.memory_space<vmem>>, vector<1x16xf32>,
        %get3A_363 = vector.shape_cast %get3A_362 : vector<1x16xf32> to vector<16xf32>
        %add3A_364 = arith.addf %add3A_357, %get3A_363 : vector<16xf32>
        %add3A_365 = arith.constant 5 : i32
        %add3A_366 = arith.addi %mul3A_85, %add3A_365 : i32
        %get3A_367 = arith.index_cast %add3A_366 : i32 to index
        %get3A_368 = arith.constant 32 : index
        %get3A_369 = tpu.vector_load %arg7[%get3A_367, %get3A_368] {strides = array<i32>} : memref<256x64xf32, #tpu.memory_space<vmem>>, vector<1x16xf32>,
        %get3A_370 = vector.shape_cast %get3A_369 : vector<1x16xf32> to vector<16xf32>
        %add3A_371 = arith.addf %add3A_364, %get3A_370 : vector<16xf32>
        %add3A_372 = arith.constant 6 : i32
        %add3A_373 = arith.addi %mul3A_85, %add3A_372 : i32
        %get3A_374 = arith.index_cast %add3A_373 : i32 to index
        %get3A_375 = arith.constant 32 : index
        %get3A_376 = tpu.vector_load %arg7[%get3A_374, %get3A_375] {strides = array<i32>} : memref<256x64xf32, #tpu.memory_space<vmem>>, vector<1x16xf32>,
        %get3A_377 = vector.shape_cast %get3A_376 : vector<1x16xf32> to vector<16xf32>
        %add3A_378 = arith.addf %add3A_371, %get3A_377 : vector<16xf32>
        %add3A_379 = arith.constant 7 : i32
        %add3A_380 = arith.addi %mul3A_85, %add3A_379 : i32
        %get3A_381 = arith.index_cast %add3A_380 : i32 to index
        %get3A_382 = arith.constant 32 : index
        %get3A_383 = tpu.vector_load %arg7[%get3A_381, %get3A_382] {strides = array<i32>} : memref<256x64xf32, #tpu.memory_space<vmem>>, vector<1x16xf32>,
        %get3A_384 = vector.shape_cast %get3A_383 : vector<1x16xf32> to vector<16xf32>
        %add3A_385 = arith.addf %add3A_378, %get3A_384 : vector<16xf32>
        %add3A_386 = arith.constant 8 : i32
        %add3A_387 = arith.addi %mul3A_85, %add3A_386 : i32
        %get3A_388 = arith.index_cast %add3A_387 : i32 to index
        %get3A_389 = arith.constant 32 : index
        %get3A_390 = tpu.vector_load %arg7[%get3A_388, %get3A_389] {strides = array<i32>} : memref<256x64xf32, #tpu.memory_space<vmem>>, vector<1x16xf32>,
        %get3A_391 = vector.shape_cast %get3A_390 : vector<1x16xf32> to vector<16xf32>
        %add3A_392 = arith.addf %add3A_385, %get3A_391 : vector<16xf32>
        %add3A_393 = arith.constant 9 : i32
        %add3A_394 = arith.addi %mul3A_85, %add3A_393 : i32
        %get3A_395 = arith.index_cast %add3A_394 : i32 to index
        %get3A_396 = arith.constant 32 : index
        %get3A_397 = tpu.vector_load %arg7[%get3A_395, %get3A_396] {strides = array<i32>} : memref<256x64xf32, #tpu.memory_space<vmem>>, vector<1x16xf32>,
        %get3A_398 = vector.shape_cast %get3A_397 : vector<1x16xf32> to vector<16xf32>
        %add3A_399 = arith.addf %add3A_392, %get3A_398 : vector<16xf32>
        %add3A_400 = arith.constant 10 : i32
        %add3A_401 = arith.addi %mul3A_85, %add3A_400 : i32
        %get3A_402 = arith.index_cast %add3A_401 : i32 to index
        %get3A_403 = arith.constant 32 : index
        %get3A_404 = tpu.vector_load %arg7[%get3A_402, %get3A_403] {strides = array<i32>} : memref<256x64xf32, #tpu.memory_space<vmem>>, vector<1x16xf32>,
        %get3A_405 = vector.shape_cast %get3A_404 : vector<1x16xf32> to vector<16xf32>
        %add3A_406 = arith.addf %add3A_399, %get3A_405 : vector<16xf32>
        %add3A_407 = arith.constant 11 : i32
        %add3A_408 = arith.addi %mul3A_85, %add3A_407 : i32
        %get3A_409 = arith.index_cast %add3A_408 : i32 to index
        %get3A_410 = arith.constant 32 : index
        %get3A_411 = tpu.vector_load %arg7[%get3A_409, %get3A_410] {strides = array<i32>} : memref<256x64xf32, #tpu.memory_space<vmem>>, vector<1x16xf32>,
        %get3A_412 = vector.shape_cast %get3A_411 : vector<1x16xf32> to vector<16xf32>
        %add3A_413 = arith.addf %add3A_406, %get3A_412 : vector<16xf32>
        %add3A_414 = arith.constant 12 : i32
        %add3A_415 = arith.addi %mul3A_85, %add3A_414 : i32
        %get3A_416 = arith.index_cast %add3A_415 : i32 to index
        %get3A_417 = arith.constant 32 : index
        %get3A_418 = tpu.vector_load %arg7[%get3A_416, %get3A_417] {strides = array<i32>} : memref<256x64xf32, #tpu.memory_space<vmem>>, vector<1x16xf32>,
        %get3A_419 = vector.shape_cast %get3A_418 : vector<1x16xf32> to vector<16xf32>
        %add3A_420 = arith.addf %add3A_413, %get3A_419 : vector<16xf32>
        %add3A_421 = arith.constant 13 : i32
        %add3A_422 = arith.addi %mul3A_85, %add3A_421 : i32
        %get3A_423 = arith.index_cast %add3A_422 : i32 to index
        %get3A_424 = arith.constant 32 : index
        %get3A_425 = tpu.vector_load %arg7[%get3A_423, %get3A_424] {strides = array<i32>} : memref<256x64xf32, #tpu.memory_space<vmem>>, vector<1x16xf32>,
        %get3A_426 = vector.shape_cast %get3A_425 : vector<1x16xf32> to vector<16xf32>
        %add3A_427 = arith.addf %add3A_420, %get3A_426 : vector<16xf32>
        %add3A_428 = arith.constant 14 : i32
        %add3A_429 = arith.addi %mul3A_85, %add3A_428 : i32
        %get3A_430 = arith.index_cast %add3A_429 : i32 to index
        %get3A_431 = arith.constant 32 : index
        %get3A_432 = tpu.vector_load %arg7[%get3A_430, %get3A_431] {strides = array<i32>} : memref<256x64xf32, #tpu.memory_space<vmem>>, vector<1x16xf32>,
        %get3A_433 = vector.shape_cast %get3A_432 : vector<1x16xf32> to vector<16xf32>
        %add3A_434 = arith.addf %add3A_427, %get3A_433 : vector<16xf32>
        %add3A_435 = arith.constant 15 : i32
        %add3A_436 = arith.addi %mul3A_85, %add3A_435 : i32
        %get3A_437 = arith.index_cast %add3A_436 : i32 to index
        %get3A_438 = arith.constant 32 : index
        %get3A_439 = tpu.vector_load %arg7[%get3A_437, %get3A_438] {strides = array<i32>} : memref<256x64xf32, #tpu.memory_space<vmem>>, vector<1x16xf32>,
        %get3A_440 = vector.shape_cast %get3A_439 : vector<1x16xf32> to vector<16xf32>
        %add3A_441 = arith.addf %add3A_434, %get3A_440 : vector<16xf32>
        %add3A_442 = arith.addf %add3A_441, %get3A_12 : vector<16xf32>
        %gt3A_443 = arith.constant 0.000000e+00 : f32
        %gt3A_444 = vector.broadcast %gt3A_443 : f32 to vector<16xf32>
        %gt3A_445 = arith.cmpf ogt, %add3A_442, %gt3A_444 : vector<16xf32>
        %min3A_446 = arith.constant 0.000000e+00 : f32
        %min3A_447 = vector.broadcast %min3A_446 : f32 to vector<16xf32>
        %min3A_448 = arith.minimumf %add3A_442, %min3A_447 : vector<16xf32>
        %exp3A_449 = math.exp %min3A_448 : vector<16xf32>
        %sub3A_450 = arith.constant 1.000000e+00 : f32
        %sub3A_451 = vector.broadcast %sub3A_450 : f32 to vector<16xf32>
        %sub3A_452 = arith.subf %exp3A_449, %sub3A_451 : vector<16xf32>
        %select_n3A_453 = arith.select %gt3A_445, %add3A_442, %sub3A_452 : vector<16xi1>, vector<16xf32>
        %swap3A_454 = arith.index_cast %scan3A_83 : i32 to index
        %swap3A_455 = arith.constant 32 : index
        %swap3A_456 = tpu.vector_load %arg9[%swap3A_454, %swap3A_455] {strides = array<i32>} : memref<16x64xf32, #tpu.memory_space<vmem>>, vector<1x16xf32>,
        %swap3A_457 = vector.shape_cast %swap3A_456 : vector<1x16xf32> to vector<16xf32>
        %swap3A_458 = vector.shape_cast %select_n3A_453 : vector<16xf32> to vector<1x16xf32>
        tpu.vector_store %arg9[%swap3A_454, %swap3A_455], %swap3A_458 {strides = array<i32>} : memref<16x64xf32, #tpu.memory_space<vmem>>, vector<1x16xf32>,
        %get3A_459 = arith.index_cast %mul3A_85 : i32 to index
        %get3A_460 = arith.constant 48 : index
        %get3A_461 = tpu.vector_load %arg7[%get3A_459, %get3A_460] {strides = array<i32>} : memref<256x64xf32, #tpu.memory_space<vmem>>, vector<1x16xf32>,
        %get3A_462 = vector.shape_cast %get3A_461 : vector<1x16xf32> to vector<16xf32>
        %add3A_463 = arith.constant 1 : i32
        %add3A_464 = arith.addi %mul3A_85, %add3A_463 : i32
        %get3A_465 = arith.index_cast %add3A_464 : i32 to index
        %get3A_466 = arith.constant 48 : index
        %get3A_467 = tpu.vector_load %arg7[%get3A_465, %get3A_466] {strides = array<i32>} : memref<256x64xf32, #tpu.memory_space<vmem>>, vector<1x16xf32>,
        %get3A_468 = vector.shape_cast %get3A_467 : vector<1x16xf32> to vector<16xf32>
        %add3A_469 = arith.addf %get3A_462, %get3A_468 : vector<16xf32>
        %add3A_470 = arith.constant 2 : i32
        %add3A_471 = arith.addi %mul3A_85, %add3A_470 : i32
        %get3A_472 = arith.index_cast %add3A_471 : i32 to index
        %get3A_473 = arith.constant 48 : index
        %get3A_474 = tpu.vector_load %arg7[%get3A_472, %get3A_473] {strides = array<i32>} : memref<256x64xf32, #tpu.memory_space<vmem>>, vector<1x16xf32>,
        %get3A_475 = vector.shape_cast %get3A_474 : vector<1x16xf32> to vector<16xf32>
        %add3A_476 = arith.addf %add3A_469, %get3A_475 : vector<16xf32>
        %add3A_477 = arith.constant 3 : i32
        %add3A_478 = arith.addi %mul3A_85, %add3A_477 : i32
        %get3A_479 = arith.index_cast %add3A_478 : i32 to index
        %get3A_480 = arith.constant 48 : index
        %get3A_481 = tpu.vector_load %arg7[%get3A_479, %get3A_480] {strides = array<i32>} : memref<256x64xf32, #tpu.memory_space<vmem>>, vector<1x16xf32>,
        %get3A_482 = vector.shape_cast %get3A_481 : vector<1x16xf32> to vector<16xf32>
        %add3A_483 = arith.addf %add3A_476, %get3A_482 : vector<16xf32>
        %add3A_484 = arith.constant 4 : i32
        %add3A_485 = arith.addi %mul3A_85, %add3A_484 : i32
        %get3A_486 = arith.index_cast %add3A_485 : i32 to index
        %get3A_487 = arith.constant 48 : index
        %get3A_488 = tpu.vector_load %arg7[%get3A_486, %get3A_487] {strides = array<i32>} : memref<256x64xf32, #tpu.memory_space<vmem>>, vector<1x16xf32>,
        %get3A_489 = vector.shape_cast %get3A_488 : vector<1x16xf32> to vector<16xf32>
        %add3A_490 = arith.addf %add3A_483, %get3A_489 : vector<16xf32>
        %add3A_491 = arith.constant 5 : i32
        %add3A_492 = arith.addi %mul3A_85, %add3A_491 : i32
        %get3A_493 = arith.index_cast %add3A_492 : i32 to index
        %get3A_494 = arith.constant 48 : index
        %get3A_495 = tpu.vector_load %arg7[%get3A_493, %get3A_494] {strides = array<i32>} : memref<256x64xf32, #tpu.memory_space<vmem>>, vector<1x16xf32>,
        %get3A_496 = vector.shape_cast %get3A_495 : vector<1x16xf32> to vector<16xf32>
        %add3A_497 = arith.addf %add3A_490, %get3A_496 : vector<16xf32>
        %add3A_498 = arith.constant 6 : i32
        %add3A_499 = arith.addi %mul3A_85, %add3A_498 : i32
        %get3A_500 = arith.index_cast %add3A_499 : i32 to index
        %get3A_501 = arith.constant 48 : index
        %get3A_502 = tpu.vector_load %arg7[%get3A_500, %get3A_501] {strides = array<i32>} : memref<256x64xf32, #tpu.memory_space<vmem>>, vector<1x16xf32>,
        %get3A_503 = vector.shape_cast %get3A_502 : vector<1x16xf32> to vector<16xf32>
        %add3A_504 = arith.addf %add3A_497, %get3A_503 : vector<16xf32>
        %add3A_505 = arith.constant 7 : i32
        %add3A_506 = arith.addi %mul3A_85, %add3A_505 : i32
        %get3A_507 = arith.index_cast %add3A_506 : i32 to index
        %get3A_508 = arith.constant 48 : index
        %get3A_509 = tpu.vector_load %arg7[%get3A_507, %get3A_508] {strides = array<i32>} : memref<256x64xf32, #tpu.memory_space<vmem>>, vector<1x16xf32>,
        %get3A_510 = vector.shape_cast %get3A_509 : vector<1x16xf32> to vector<16xf32>
        %add3A_511 = arith.addf %add3A_504, %get3A_510 : vector<16xf32>
        %add3A_512 = arith.constant 8 : i32
        %add3A_513 = arith.addi %mul3A_85, %add3A_512 : i32
        %get3A_514 = arith.index_cast %add3A_513 : i32 to index
        %get3A_515 = arith.constant 48 : index
        %get3A_516 = tpu.vector_load %arg7[%get3A_514, %get3A_515] {strides = array<i32>} : memref<256x64xf32, #tpu.memory_space<vmem>>, vector<1x16xf32>,
        %get3A_517 = vector.shape_cast %get3A_516 : vector<1x16xf32> to vector<16xf32>
        %add3A_518 = arith.addf %add3A_511, %get3A_517 : vector<16xf32>
        %add3A_519 = arith.constant 9 : i32
        %add3A_520 = arith.addi %mul3A_85, %add3A_519 : i32
        %get3A_521 = arith.index_cast %add3A_520 : i32 to index
        %get3A_522 = arith.constant 48 : index
        %get3A_523 = tpu.vector_load %arg7[%get3A_521, %get3A_522] {strides = array<i32>} : memref<256x64xf32, #tpu.memory_space<vmem>>, vector<1x16xf32>,
        %get3A_524 = vector.shape_cast %get3A_523 : vector<1x16xf32> to vector<16xf32>
        %add3A_525 = arith.addf %add3A_518, %get3A_524 : vector<16xf32>
        %add3A_526 = arith.constant 10 : i32
        %add3A_527 = arith.addi %mul3A_85, %add3A_526 : i32
        %get3A_528 = arith.index_cast %add3A_527 : i32 to index
        %get3A_529 = arith.constant 48 : index
        %get3A_530 = tpu.vector_load %arg7[%get3A_528, %get3A_529] {strides = array<i32>} : memref<256x64xf32, #tpu.memory_space<vmem>>, vector<1x16xf32>,
        %get3A_531 = vector.shape_cast %get3A_530 : vector<1x16xf32> to vector<16xf32>
        %add3A_532 = arith.addf %add3A_525, %get3A_531 : vector<16xf32>
        %add3A_533 = arith.constant 11 : i32
        %add3A_534 = arith.addi %mul3A_85, %add3A_533 : i32
        %get3A_535 = arith.index_cast %add3A_534 : i32 to index
        %get3A_536 = arith.constant 48 : index
        %get3A_537 = tpu.vector_load %arg7[%get3A_535, %get3A_536] {strides = array<i32>} : memref<256x64xf32, #tpu.memory_space<vmem>>, vector<1x16xf32>,
        %get3A_538 = vector.shape_cast %get3A_537 : vector<1x16xf32> to vector<16xf32>
        %add3A_539 = arith.addf %add3A_532, %get3A_538 : vector<16xf32>
        %add3A_540 = arith.constant 12 : i32
        %add3A_541 = arith.addi %mul3A_85, %add3A_540 : i32
        %get3A_542 = arith.index_cast %add3A_541 : i32 to index
        %get3A_543 = arith.constant 48 : index
        %get3A_544 = tpu.vector_load %arg7[%get3A_542, %get3A_543] {strides = array<i32>} : memref<256x64xf32, #tpu.memory_space<vmem>>, vector<1x16xf32>,
        %get3A_545 = vector.shape_cast %get3A_544 : vector<1x16xf32> to vector<16xf32>
        %add3A_546 = arith.addf %add3A_539, %get3A_545 : vector<16xf32>
        %add3A_547 = arith.constant 13 : i32
        %add3A_548 = arith.addi %mul3A_85, %add3A_547 : i32
        %get3A_549 = arith.index_cast %add3A_548 : i32 to index
        %get3A_550 = arith.constant 48 : index
        %get3A_551 = tpu.vector_load %arg7[%get3A_549, %get3A_550] {strides = array<i32>} : memref<256x64xf32, #tpu.memory_space<vmem>>, vector<1x16xf32>,
        %get3A_552 = vector.shape_cast %get3A_551 : vector<1x16xf32> to vector<16xf32>
        %add3A_553 = arith.addf %add3A_546, %get3A_552 : vector<16xf32>
        %add3A_554 = arith.constant 14 : i32
        %add3A_555 = arith.addi %mul3A_85, %add3A_554 : i32
        %get3A_556 = arith.index_cast %add3A_555 : i32 to index
        %get3A_557 = arith.constant 48 : index
        %get3A_558 = tpu.vector_load %arg7[%get3A_556, %get3A_557] {strides = array<i32>} : memref<256x64xf32, #tpu.memory_space<vmem>>, vector<1x16xf32>,
        %get3A_559 = vector.shape_cast %get3A_558 : vector<1x16xf32> to vector<16xf32>
        %add3A_560 = arith.addf %add3A_553, %get3A_559 : vector<16xf32>
        %add3A_561 = arith.constant 15 : i32
        %add3A_562 = arith.addi %mul3A_85, %add3A_561 : i32
        %get3A_563 = arith.index_cast %add3A_562 : i32 to index
        %get3A_564 = arith.constant 48 : index
        %get3A_565 = tpu.vector_load %arg7[%get3A_563, %get3A_564] {strides = array<i32>} : memref<256x64xf32, #tpu.memory_space<vmem>>, vector<1x16xf32>,
        %get3A_566 = vector.shape_cast %get3A_565 : vector<1x16xf32> to vector<16xf32>
        %add3A_567 = arith.addf %add3A_560, %get3A_566 : vector<16xf32>
        %add3A_568 = arith.addf %add3A_567, %get3A_15 : vector<16xf32>
        %gt3A_569 = arith.constant 0.000000e+00 : f32
        %gt3A_570 = vector.broadcast %gt3A_569 : f32 to vector<16xf32>
        %gt3A_571 = arith.cmpf ogt, %add3A_568, %gt3A_570 : vector<16xf32>
        %min3A_572 = arith.constant 0.000000e+00 : f32
        %min3A_573 = vector.broadcast %min3A_572 : f32 to vector<16xf32>
        %min3A_574 = arith.minimumf %add3A_568, %min3A_573 : vector<16xf32>
        %exp3A_575 = math.exp %min3A_574 : vector<16xf32>
        %sub3A_576 = arith.constant 1.000000e+00 : f32
        %sub3A_577 = vector.broadcast %sub3A_576 : f32 to vector<16xf32>
        %sub3A_578 = arith.subf %exp3A_575, %sub3A_577 : vector<16xf32>
        %select_n3A_579 = arith.select %gt3A_571, %add3A_568, %sub3A_578 : vector<16xi1>, vector<16xf32>
        %swap3A_580 = arith.index_cast %scan3A_83 : i32 to index
        %swap3A_581 = arith.constant 48 : index
        %swap3A_582 = tpu.vector_load %arg9[%swap3A_580, %swap3A_581] {strides = array<i32>} : memref<16x64xf32, #tpu.memory_space<vmem>>, vector<1x16xf32>,
        %swap3A_583 = vector.shape_cast %swap3A_582 : vector<1x16xf32> to vector<16xf32>
        %swap3A_584 = vector.shape_cast %select_n3A_579 : vector<16xf32> to vector<1x16xf32>
        tpu.vector_store %arg9[%swap3A_580, %swap3A_581], %swap3A_584 {strides = array<i32>} : memref<16x64xf32, #tpu.memory_space<vmem>>, vector<1x16xf32>,
      }
      %scan3A_51 = arith.constant 16 : i32
      %mul3A_52 = arith.constant 16 : i32
      %mul3A_53 = arith.muli %mul3A_31, %mul3A_52 : i32
      %add3A_54 = arith.addi %mul3A_2, %mul3A_53 : i32
      "tpu.region"() ({
        %run_scoped3A = tpu.sem_alloc : memref<!tpu.dma_semaphore, #tpu.memory_space<semaphore_mem>>
        %dma_start3A_83 = arith.constant 0 : i32
        %dma_start3A_84 = tpu.memref_slice %arg5[%add3A_54, %dma_start3A_83] : memref<51200x64xf32, #tpu.memory_space<hbm>> -> memref<16x64xf32, #tpu.memory_space<hbm>>
        %dma_start3A_85 = arith.constant 0 : i32
        %dma_start3A_86 = tpu.memref_slice %arg5[%add3A_54, %dma_start3A_85] : memref<51200x64xf32, #tpu.memory_space<hbm>> -> memref<16x64xf32, #tpu.memory_space<hbm>>
        tpu.enqueue_dma source(%arg9 : memref<16x64xf32, #tpu.memory_space<vmem>>) target(%dma_start3A_86 : memref<16x64xf32, #tpu.memory_space<hbm>>) target_semaphore(%run_scoped3A : memref<!tpu.dma_semaphore, #tpu.memory_space<semaphore_mem>>)
        %dma_wait3A_87 = arith.constant 0 : i32
        %dma_wait3A_88 = tpu.memref_slice %arg5[%add3A_54, %dma_wait3A_87] : memref<51200x64xf32, #tpu.memory_space<hbm>> -> memref<16x64xf32, #tpu.memory_space<hbm>>
        %dma_wait3A_89 = arith.constant 0 : i32
        %dma_wait3A_90 = tpu.memref_slice %arg5[%add3A_54, %dma_wait3A_89] : memref<51200x64xf32, #tpu.memory_space<hbm>> -> memref<16x64xf32, #tpu.memory_space<hbm>>
        tpu.wait_dma2 semaphore(%run_scoped3A : memref<!tpu.dma_semaphore, #tpu.memory_space<semaphore_mem>>) src(%arg9 : memref<16x64xf32, #tpu.memory_space<vmem>>) dst(%dma_wait3A_90 : memref<16x64xf32, #tpu.memory_space<hbm>>)
        tpu.yield
      }) : () -> ()
      %add3A_55 = arith.constant 2 : i32
      %add3A_56 = arith.addi %mul3A_31, %add3A_55 : i32
      %min3A = arith.constant 99 : i32
      %min3A_57 = arith.minsi %add3A_56, %min3A : i32
      %mul3A_58 = arith.constant 256 : i32
      %mul3A_59 = arith.muli %min3A_57, %mul3A_58 : i32
      %dma_start3A_60 = tpu.memref_slice %arg6[%mul3A_59] : memref<25600xi32, #tpu.memory_space<vmem>> -> memref<256xi32, #tpu.memory_space<vmem>>
      %dma_start3A_61 = arith.constant 0 : i32
      %dma_start3A_62 = arith.constant 0 : i32
      %dma_start3A_63 = tpu.memref_slice %arg2[%dma_start3A_61, %dma_start3A_62] : memref<819200x64xf32, #tpu.memory_space<hbm>> -> memref<819200x64xf32, #tpu.memory_space<hbm>>
      tpu.enqueue_indirect_dma source(%dma_start3A_63 : memref<819200x64xf32, #tpu.memory_space<hbm>>) target(%arg7 : memref<256x64xf32, #tpu.memory_space<vmem>>) offsets(%dma_start3A_60 : memref<256xi32, #tpu.memory_space<vmem>>) semaphore(%arg11 : memref<!tpu.dma_semaphore, #tpu.memory_space<semaphore_mem>>)
      %add3A_64 = arith.constant 1 : i32
      %add3A_65 = arith.addi %mul3A_31, %add3A_64 : i32
      %mul3A_66 = arith.constant 256 : i32
      %mul3A_67 = arith.muli %add3A_65, %mul3A_66 : i32
      %dma_wait3A_68 = tpu.memref_slice %arg6[%mul3A_67] : memref<25600xi32, #tpu.memory_space<vmem>> -> memref<256xi32, #tpu.memory_space<vmem>>
      %dma_wait3A_69 = arith.constant 0 : i32
      %dma_wait3A_70 = arith.constant 0 : i32
      %dma_wait3A_71 = tpu.memref_slice %arg2[%dma_wait3A_69, %dma_wait3A_70] : memref<819200x64xf32, #tpu.memory_space<hbm>> -> memref<819200x64xf32, #tpu.memory_space<hbm>>
      tpu.wait_indirect_dma semaphore(%arg12 : memref<!tpu.dma_semaphore, #tpu.memory_space<semaphore_mem>>) src(%dma_wait3A_71 : memref<819200x64xf32, #tpu.memory_space<hbm>>) dst(%arg8 : memref<256x64xf32, #tpu.memory_space<vmem>>)
      %add3A_72 = arith.constant 1 : i32
      %add3A_73 = arith.addi %mul3A_31, %add3A_72 : i32
      %scan3A_74 = arith.constant 0 : i32
      %scan3A_75 = arith.constant 0 : i32
      %scan3A_76 = arith.constant 16 : i32
      %scan3A_77 = arith.addi %scan3A_75, %scan3A_76 : i32
      %scan3A_78 = arith.constant 1 : i32
      scf.for %scan3A_83 = %scan3A_75 to %scan3A_77 step %scan3A_78  : i32 {
        %mul3A_84 = arith.constant 16 : i32
        %mul3A_85 = arith.muli %scan3A_83, %mul3A_84 : i32
        %get3A_86 = arith.index_cast %mul3A_85 : i32 to index
        %get3A_87 = arith.constant 0 : index
        %get3A_88 = tpu.vector_load %arg8[%get3A_86, %get3A_87] {strides = array<i32>} : memref<256x64xf32, #tpu.memory_space<vmem>>, vector<1x16xf32>,
        %get3A_89 = vector.shape_cast %get3A_88 : vector<1x16xf32> to vector<16xf32>
        %add3A_90 = arith.constant 1 : i32
        %add3A_91 = arith.addi %mul3A_85, %add3A_90 : i32
        %get3A_92 = arith.index_cast %add3A_91 : i32 to index
        %get3A_93 = arith.constant 0 : index
        %get3A_94 = tpu.vector_load %arg8[%get3A_92, %get3A_93] {strides = array<i32>} : memref<256x64xf32, #tpu.memory_space<vmem>>, vector<1x16xf32>,
        %get3A_95 = vector.shape_cast %get3A_94 : vector<1x16xf32> to vector<16xf32>
        %add3A_96 = arith.addf %get3A_89, %get3A_95 : vector<16xf32>
        %add3A_97 = arith.constant 2 : i32
        %add3A_98 = arith.addi %mul3A_85, %add3A_97 : i32
        %get3A_99 = arith.index_cast %add3A_98 : i32 to index
        %get3A_100 = arith.constant 0 : index
        %get3A_101 = tpu.vector_load %arg8[%get3A_99, %get3A_100] {strides = array<i32>} : memref<256x64xf32, #tpu.memory_space<vmem>>, vector<1x16xf32>,
        %get3A_102 = vector.shape_cast %get3A_101 : vector<1x16xf32> to vector<16xf32>
        %add3A_103 = arith.addf %add3A_96, %get3A_102 : vector<16xf32>
        %add3A_104 = arith.constant 3 : i32
        %add3A_105 = arith.addi %mul3A_85, %add3A_104 : i32
        %get3A_106 = arith.index_cast %add3A_105 : i32 to index
        %get3A_107 = arith.constant 0 : index
        %get3A_108 = tpu.vector_load %arg8[%get3A_106, %get3A_107] {strides = array<i32>} : memref<256x64xf32, #tpu.memory_space<vmem>>, vector<1x16xf32>,
        %get3A_109 = vector.shape_cast %get3A_108 : vector<1x16xf32> to vector<16xf32>
        %add3A_110 = arith.addf %add3A_103, %get3A_109 : vector<16xf32>
        %add3A_111 = arith.constant 4 : i32
        %add3A_112 = arith.addi %mul3A_85, %add3A_111 : i32
        %get3A_113 = arith.index_cast %add3A_112 : i32 to index
        %get3A_114 = arith.constant 0 : index
        %get3A_115 = tpu.vector_load %arg8[%get3A_113, %get3A_114] {strides = array<i32>} : memref<256x64xf32, #tpu.memory_space<vmem>>, vector<1x16xf32>,
        %get3A_116 = vector.shape_cast %get3A_115 : vector<1x16xf32> to vector<16xf32>
        %add3A_117 = arith.addf %add3A_110, %get3A_116 : vector<16xf32>
        %add3A_118 = arith.constant 5 : i32
        %add3A_119 = arith.addi %mul3A_85, %add3A_118 : i32
        %get3A_120 = arith.index_cast %add3A_119 : i32 to index
        %get3A_121 = arith.constant 0 : index
        %get3A_122 = tpu.vector_load %arg8[%get3A_120, %get3A_121] {strides = array<i32>} : memref<256x64xf32, #tpu.memory_space<vmem>>, vector<1x16xf32>,
        %get3A_123 = vector.shape_cast %get3A_122 : vector<1x16xf32> to vector<16xf32>
        %add3A_124 = arith.addf %add3A_117, %get3A_123 : vector<16xf32>
        %add3A_125 = arith.constant 6 : i32
        %add3A_126 = arith.addi %mul3A_85, %add3A_125 : i32
        %get3A_127 = arith.index_cast %add3A_126 : i32 to index
        %get3A_128 = arith.constant 0 : index
        %get3A_129 = tpu.vector_load %arg8[%get3A_127, %get3A_128] {strides = array<i32>} : memref<256x64xf32, #tpu.memory_space<vmem>>, vector<1x16xf32>,
        %get3A_130 = vector.shape_cast %get3A_129 : vector<1x16xf32> to vector<16xf32>
        %add3A_131 = arith.addf %add3A_124, %get3A_130 : vector<16xf32>
        %add3A_132 = arith.constant 7 : i32
        %add3A_133 = arith.addi %mul3A_85, %add3A_132 : i32
        %get3A_134 = arith.index_cast %add3A_133 : i32 to index
        %get3A_135 = arith.constant 0 : index
        %get3A_136 = tpu.vector_load %arg8[%get3A_134, %get3A_135] {strides = array<i32>} : memref<256x64xf32, #tpu.memory_space<vmem>>, vector<1x16xf32>,
        %get3A_137 = vector.shape_cast %get3A_136 : vector<1x16xf32> to vector<16xf32>
        %add3A_138 = arith.addf %add3A_131, %get3A_137 : vector<16xf32>
        %add3A_139 = arith.constant 8 : i32
        %add3A_140 = arith.addi %mul3A_85, %add3A_139 : i32
        %get3A_141 = arith.index_cast %add3A_140 : i32 to index
        %get3A_142 = arith.constant 0 : index
        %get3A_143 = tpu.vector_load %arg8[%get3A_141, %get3A_142] {strides = array<i32>} : memref<256x64xf32, #tpu.memory_space<vmem>>, vector<1x16xf32>,
        %get3A_144 = vector.shape_cast %get3A_143 : vector<1x16xf32> to vector<16xf32>
        %add3A_145 = arith.addf %add3A_138, %get3A_144 : vector<16xf32>
        %add3A_146 = arith.constant 9 : i32
        %add3A_147 = arith.addi %mul3A_85, %add3A_146 : i32
        %get3A_148 = arith.index_cast %add3A_147 : i32 to index
        %get3A_149 = arith.constant 0 : index
        %get3A_150 = tpu.vector_load %arg8[%get3A_148, %get3A_149] {strides = array<i32>} : memref<256x64xf32, #tpu.memory_space<vmem>>, vector<1x16xf32>,
        %get3A_151 = vector.shape_cast %get3A_150 : vector<1x16xf32> to vector<16xf32>
        %add3A_152 = arith.addf %add3A_145, %get3A_151 : vector<16xf32>
        %add3A_153 = arith.constant 10 : i32
        %add3A_154 = arith.addi %mul3A_85, %add3A_153 : i32
        %get3A_155 = arith.index_cast %add3A_154 : i32 to index
        %get3A_156 = arith.constant 0 : index
        %get3A_157 = tpu.vector_load %arg8[%get3A_155, %get3A_156] {strides = array<i32>} : memref<256x64xf32, #tpu.memory_space<vmem>>, vector<1x16xf32>,
        %get3A_158 = vector.shape_cast %get3A_157 : vector<1x16xf32> to vector<16xf32>
        %add3A_159 = arith.addf %add3A_152, %get3A_158 : vector<16xf32>
        %add3A_160 = arith.constant 11 : i32
        %add3A_161 = arith.addi %mul3A_85, %add3A_160 : i32
        %get3A_162 = arith.index_cast %add3A_161 : i32 to index
        %get3A_163 = arith.constant 0 : index
        %get3A_164 = tpu.vector_load %arg8[%get3A_162, %get3A_163] {strides = array<i32>} : memref<256x64xf32, #tpu.memory_space<vmem>>, vector<1x16xf32>,
        %get3A_165 = vector.shape_cast %get3A_164 : vector<1x16xf32> to vector<16xf32>
        %add3A_166 = arith.addf %add3A_159, %get3A_165 : vector<16xf32>
        %add3A_167 = arith.constant 12 : i32
        %add3A_168 = arith.addi %mul3A_85, %add3A_167 : i32
        %get3A_169 = arith.index_cast %add3A_168 : i32 to index
        %get3A_170 = arith.constant 0 : index
        %get3A_171 = tpu.vector_load %arg8[%get3A_169, %get3A_170] {strides = array<i32>} : memref<256x64xf32, #tpu.memory_space<vmem>>, vector<1x16xf32>,
        %get3A_172 = vector.shape_cast %get3A_171 : vector<1x16xf32> to vector<16xf32>
        %add3A_173 = arith.addf %add3A_166, %get3A_172 : vector<16xf32>
        %add3A_174 = arith.constant 13 : i32
        %add3A_175 = arith.addi %mul3A_85, %add3A_174 : i32
        %get3A_176 = arith.index_cast %add3A_175 : i32 to index
        %get3A_177 = arith.constant 0 : index
        %get3A_178 = tpu.vector_load %arg8[%get3A_176, %get3A_177] {strides = array<i32>} : memref<256x64xf32, #tpu.memory_space<vmem>>, vector<1x16xf32>,
        %get3A_179 = vector.shape_cast %get3A_178 : vector<1x16xf32> to vector<16xf32>
        %add3A_180 = arith.addf %add3A_173, %get3A_179 : vector<16xf32>
        %add3A_181 = arith.constant 14 : i32
        %add3A_182 = arith.addi %mul3A_85, %add3A_181 : i32
        %get3A_183 = arith.index_cast %add3A_182 : i32 to index
        %get3A_184 = arith.constant 0 : index
        %get3A_185 = tpu.vector_load %arg8[%get3A_183, %get3A_184] {strides = array<i32>} : memref<256x64xf32, #tpu.memory_space<vmem>>, vector<1x16xf32>,
        %get3A_186 = vector.shape_cast %get3A_185 : vector<1x16xf32> to vector<16xf32>
        %add3A_187 = arith.addf %add3A_180, %get3A_186 : vector<16xf32>
        %add3A_188 = arith.constant 15 : i32
        %add3A_189 = arith.addi %mul3A_85, %add3A_188 : i32
        %get3A_190 = arith.index_cast %add3A_189 : i32 to index
        %get3A_191 = arith.constant 0 : index
        %get3A_192 = tpu.vector_load %arg8[%get3A_190, %get3A_191] {strides = array<i32>} : memref<256x64xf32, #tpu.memory_space<vmem>>, vector<1x16xf32>,
        %get3A_193 = vector.shape_cast %get3A_192 : vector<1x16xf32> to vector<16xf32>
        %add3A_194 = arith.addf %add3A_187, %get3A_193 : vector<16xf32>
        %add3A_195 = arith.addf %add3A_194, %get3A_6 : vector<16xf32>
        %gt3A = arith.constant 0.000000e+00 : f32
        %gt3A_196 = vector.broadcast %gt3A : f32 to vector<16xf32>
        %gt3A_197 = arith.cmpf ogt, %add3A_195, %gt3A_196 : vector<16xf32>
        %min3A_198 = arith.constant 0.000000e+00 : f32
        %min3A_199 = vector.broadcast %min3A_198 : f32 to vector<16xf32>
        %min3A_200 = arith.minimumf %add3A_195, %min3A_199 : vector<16xf32>
        %exp3A = math.exp %min3A_200 : vector<16xf32>
        %sub3A = arith.constant 1.000000e+00 : f32
        %sub3A_201 = vector.broadcast %sub3A : f32 to vector<16xf32>
        %sub3A_202 = arith.subf %exp3A, %sub3A_201 : vector<16xf32>
        %select_n3A = arith.select %gt3A_197, %add3A_195, %sub3A_202 : vector<16xi1>, vector<16xf32>
        %swap3A = arith.index_cast %scan3A_83 : i32 to index
        %swap3A_203 = arith.constant 0 : index
        %swap3A_204 = tpu.vector_load %arg9[%swap3A, %swap3A_203] {strides = array<i32>} : memref<16x64xf32, #tpu.memory_space<vmem>>, vector<1x16xf32>,
        %swap3A_205 = vector.shape_cast %swap3A_204 : vector<1x16xf32> to vector<16xf32>
        %swap3A_206 = vector.shape_cast %select_n3A : vector<16xf32> to vector<1x16xf32>
        tpu.vector_store %arg9[%swap3A, %swap3A_203], %swap3A_206 {strides = array<i32>} : memref<16x64xf32, #tpu.memory_space<vmem>>, vector<1x16xf32>,
        %get3A_207 = arith.index_cast %mul3A_85 : i32 to index
        %get3A_208 = arith.constant 16 : index
        %get3A_209 = tpu.vector_load %arg8[%get3A_207, %get3A_208] {strides = array<i32>} : memref<256x64xf32, #tpu.memory_space<vmem>>, vector<1x16xf32>,
        %get3A_210 = vector.shape_cast %get3A_209 : vector<1x16xf32> to vector<16xf32>
        %add3A_211 = arith.constant 1 : i32
        %add3A_212 = arith.addi %mul3A_85, %add3A_211 : i32
        %get3A_213 = arith.index_cast %add3A_212 : i32 to index
        %get3A_214 = arith.constant 16 : index
        %get3A_215 = tpu.vector_load %arg8[%get3A_213, %get3A_214] {strides = array<i32>} : memref<256x64xf32, #tpu.memory_space<vmem>>, vector<1x16xf32>,
        %get3A_216 = vector.shape_cast %get3A_215 : vector<1x16xf32> to vector<16xf32>
        %add3A_217 = arith.addf %get3A_210, %get3A_216 : vector<16xf32>
        %add3A_218 = arith.constant 2 : i32
        %add3A_219 = arith.addi %mul3A_85, %add3A_218 : i32
        %get3A_220 = arith.index_cast %add3A_219 : i32 to index
        %get3A_221 = arith.constant 16 : index
        %get3A_222 = tpu.vector_load %arg8[%get3A_220, %get3A_221] {strides = array<i32>} : memref<256x64xf32, #tpu.memory_space<vmem>>, vector<1x16xf32>,
        %get3A_223 = vector.shape_cast %get3A_222 : vector<1x16xf32> to vector<16xf32>
        %add3A_224 = arith.addf %add3A_217, %get3A_223 : vector<16xf32>
        %add3A_225 = arith.constant 3 : i32
        %add3A_226 = arith.addi %mul3A_85, %add3A_225 : i32
        %get3A_227 = arith.index_cast %add3A_226 : i32 to index
        %get3A_228 = arith.constant 16 : index
        %get3A_229 = tpu.vector_load %arg8[%get3A_227, %get3A_228] {strides = array<i32>} : memref<256x64xf32, #tpu.memory_space<vmem>>, vector<1x16xf32>,
        %get3A_230 = vector.shape_cast %get3A_229 : vector<1x16xf32> to vector<16xf32>
        %add3A_231 = arith.addf %add3A_224, %get3A_230 : vector<16xf32>
        %add3A_232 = arith.constant 4 : i32
        %add3A_233 = arith.addi %mul3A_85, %add3A_232 : i32
        %get3A_234 = arith.index_cast %add3A_233 : i32 to index
        %get3A_235 = arith.constant 16 : index
        %get3A_236 = tpu.vector_load %arg8[%get3A_234, %get3A_235] {strides = array<i32>} : memref<256x64xf32, #tpu.memory_space<vmem>>, vector<1x16xf32>,
        %get3A_237 = vector.shape_cast %get3A_236 : vector<1x16xf32> to vector<16xf32>
        %add3A_238 = arith.addf %add3A_231, %get3A_237 : vector<16xf32>
        %add3A_239 = arith.constant 5 : i32
        %add3A_240 = arith.addi %mul3A_85, %add3A_239 : i32
        %get3A_241 = arith.index_cast %add3A_240 : i32 to index
        %get3A_242 = arith.constant 16 : index
        %get3A_243 = tpu.vector_load %arg8[%get3A_241, %get3A_242] {strides = array<i32>} : memref<256x64xf32, #tpu.memory_space<vmem>>, vector<1x16xf32>,
        %get3A_244 = vector.shape_cast %get3A_243 : vector<1x16xf32> to vector<16xf32>
        %add3A_245 = arith.addf %add3A_238, %get3A_244 : vector<16xf32>
        %add3A_246 = arith.constant 6 : i32
        %add3A_247 = arith.addi %mul3A_85, %add3A_246 : i32
        %get3A_248 = arith.index_cast %add3A_247 : i32 to index
        %get3A_249 = arith.constant 16 : index
        %get3A_250 = tpu.vector_load %arg8[%get3A_248, %get3A_249] {strides = array<i32>} : memref<256x64xf32, #tpu.memory_space<vmem>>, vector<1x16xf32>,
        %get3A_251 = vector.shape_cast %get3A_250 : vector<1x16xf32> to vector<16xf32>
        %add3A_252 = arith.addf %add3A_245, %get3A_251 : vector<16xf32>
        %add3A_253 = arith.constant 7 : i32
        %add3A_254 = arith.addi %mul3A_85, %add3A_253 : i32
        %get3A_255 = arith.index_cast %add3A_254 : i32 to index
        %get3A_256 = arith.constant 16 : index
        %get3A_257 = tpu.vector_load %arg8[%get3A_255, %get3A_256] {strides = array<i32>} : memref<256x64xf32, #tpu.memory_space<vmem>>, vector<1x16xf32>,
        %get3A_258 = vector.shape_cast %get3A_257 : vector<1x16xf32> to vector<16xf32>
        %add3A_259 = arith.addf %add3A_252, %get3A_258 : vector<16xf32>
        %add3A_260 = arith.constant 8 : i32
        %add3A_261 = arith.addi %mul3A_85, %add3A_260 : i32
        %get3A_262 = arith.index_cast %add3A_261 : i32 to index
        %get3A_263 = arith.constant 16 : index
        %get3A_264 = tpu.vector_load %arg8[%get3A_262, %get3A_263] {strides = array<i32>} : memref<256x64xf32, #tpu.memory_space<vmem>>, vector<1x16xf32>,
        %get3A_265 = vector.shape_cast %get3A_264 : vector<1x16xf32> to vector<16xf32>
        %add3A_266 = arith.addf %add3A_259, %get3A_265 : vector<16xf32>
        %add3A_267 = arith.constant 9 : i32
        %add3A_268 = arith.addi %mul3A_85, %add3A_267 : i32
        %get3A_269 = arith.index_cast %add3A_268 : i32 to index
        %get3A_270 = arith.constant 16 : index
        %get3A_271 = tpu.vector_load %arg8[%get3A_269, %get3A_270] {strides = array<i32>} : memref<256x64xf32, #tpu.memory_space<vmem>>, vector<1x16xf32>,
        %get3A_272 = vector.shape_cast %get3A_271 : vector<1x16xf32> to vector<16xf32>
        %add3A_273 = arith.addf %add3A_266, %get3A_272 : vector<16xf32>
        %add3A_274 = arith.constant 10 : i32
        %add3A_275 = arith.addi %mul3A_85, %add3A_274 : i32
        %get3A_276 = arith.index_cast %add3A_275 : i32 to index
        %get3A_277 = arith.constant 16 : index
        %get3A_278 = tpu.vector_load %arg8[%get3A_276, %get3A_277] {strides = array<i32>} : memref<256x64xf32, #tpu.memory_space<vmem>>, vector<1x16xf32>,
        %get3A_279 = vector.shape_cast %get3A_278 : vector<1x16xf32> to vector<16xf32>
        %add3A_280 = arith.addf %add3A_273, %get3A_279 : vector<16xf32>
        %add3A_281 = arith.constant 11 : i32
        %add3A_282 = arith.addi %mul3A_85, %add3A_281 : i32
        %get3A_283 = arith.index_cast %add3A_282 : i32 to index
        %get3A_284 = arith.constant 16 : index
        %get3A_285 = tpu.vector_load %arg8[%get3A_283, %get3A_284] {strides = array<i32>} : memref<256x64xf32, #tpu.memory_space<vmem>>, vector<1x16xf32>,
        %get3A_286 = vector.shape_cast %get3A_285 : vector<1x16xf32> to vector<16xf32>
        %add3A_287 = arith.addf %add3A_280, %get3A_286 : vector<16xf32>
        %add3A_288 = arith.constant 12 : i32
        %add3A_289 = arith.addi %mul3A_85, %add3A_288 : i32
        %get3A_290 = arith.index_cast %add3A_289 : i32 to index
        %get3A_291 = arith.constant 16 : index
        %get3A_292 = tpu.vector_load %arg8[%get3A_290, %get3A_291] {strides = array<i32>} : memref<256x64xf32, #tpu.memory_space<vmem>>, vector<1x16xf32>,
        %get3A_293 = vector.shape_cast %get3A_292 : vector<1x16xf32> to vector<16xf32>
        %add3A_294 = arith.addf %add3A_287, %get3A_293 : vector<16xf32>
        %add3A_295 = arith.constant 13 : i32
        %add3A_296 = arith.addi %mul3A_85, %add3A_295 : i32
        %get3A_297 = arith.index_cast %add3A_296 : i32 to index
        %get3A_298 = arith.constant 16 : index
        %get3A_299 = tpu.vector_load %arg8[%get3A_297, %get3A_298] {strides = array<i32>} : memref<256x64xf32, #tpu.memory_space<vmem>>, vector<1x16xf32>,
        %get3A_300 = vector.shape_cast %get3A_299 : vector<1x16xf32> to vector<16xf32>
        %add3A_301 = arith.addf %add3A_294, %get3A_300 : vector<16xf32>
        %add3A_302 = arith.constant 14 : i32
        %add3A_303 = arith.addi %mul3A_85, %add3A_302 : i32
        %get3A_304 = arith.index_cast %add3A_303 : i32 to index
        %get3A_305 = arith.constant 16 : index
        %get3A_306 = tpu.vector_load %arg8[%get3A_304, %get3A_305] {strides = array<i32>} : memref<256x64xf32, #tpu.memory_space<vmem>>, vector<1x16xf32>,
        %get3A_307 = vector.shape_cast %get3A_306 : vector<1x16xf32> to vector<16xf32>
        %add3A_308 = arith.addf %add3A_301, %get3A_307 : vector<16xf32>
        %add3A_309 = arith.constant 15 : i32
        %add3A_310 = arith.addi %mul3A_85, %add3A_309 : i32
        %get3A_311 = arith.index_cast %add3A_310 : i32 to index
        %get3A_312 = arith.constant 16 : index
        %get3A_313 = tpu.vector_load %arg8[%get3A_311, %get3A_312] {strides = array<i32>} : memref<256x64xf32, #tpu.memory_space<vmem>>, vector<1x16xf32>,
        %get3A_314 = vector.shape_cast %get3A_313 : vector<1x16xf32> to vector<16xf32>
        %add3A_315 = arith.addf %add3A_308, %get3A_314 : vector<16xf32>
        %add3A_316 = arith.addf %add3A_315, %get3A_9 : vector<16xf32>
        %gt3A_317 = arith.constant 0.000000e+00 : f32
        %gt3A_318 = vector.broadcast %gt3A_317 : f32 to vector<16xf32>
        %gt3A_319 = arith.cmpf ogt, %add3A_316, %gt3A_318 : vector<16xf32>
        %min3A_320 = arith.constant 0.000000e+00 : f32
        %min3A_321 = vector.broadcast %min3A_320 : f32 to vector<16xf32>
        %min3A_322 = arith.minimumf %add3A_316, %min3A_321 : vector<16xf32>
        %exp3A_323 = math.exp %min3A_322 : vector<16xf32>
        %sub3A_324 = arith.constant 1.000000e+00 : f32
        %sub3A_325 = vector.broadcast %sub3A_324 : f32 to vector<16xf32>
        %sub3A_326 = arith.subf %exp3A_323, %sub3A_325 : vector<16xf32>
        %select_n3A_327 = arith.select %gt3A_319, %add3A_316, %sub3A_326 : vector<16xi1>, vector<16xf32>
        %swap3A_328 = arith.index_cast %scan3A_83 : i32 to index
        %swap3A_329 = arith.constant 16 : index
        %swap3A_330 = tpu.vector_load %arg9[%swap3A_328, %swap3A_329] {strides = array<i32>} : memref<16x64xf32, #tpu.memory_space<vmem>>, vector<1x16xf32>,
        %swap3A_331 = vector.shape_cast %swap3A_330 : vector<1x16xf32> to vector<16xf32>
        %swap3A_332 = vector.shape_cast %select_n3A_327 : vector<16xf32> to vector<1x16xf32>
        tpu.vector_store %arg9[%swap3A_328, %swap3A_329], %swap3A_332 {strides = array<i32>} : memref<16x64xf32, #tpu.memory_space<vmem>>, vector<1x16xf32>,
        %get3A_333 = arith.index_cast %mul3A_85 : i32 to index
        %get3A_334 = arith.constant 32 : index
        %get3A_335 = tpu.vector_load %arg8[%get3A_333, %get3A_334] {strides = array<i32>} : memref<256x64xf32, #tpu.memory_space<vmem>>, vector<1x16xf32>,
        %get3A_336 = vector.shape_cast %get3A_335 : vector<1x16xf32> to vector<16xf32>
        %add3A_337 = arith.constant 1 : i32
        %add3A_338 = arith.addi %mul3A_85, %add3A_337 : i32
        %get3A_339 = arith.index_cast %add3A_338 : i32 to index
        %get3A_340 = arith.constant 32 : index
        %get3A_341 = tpu.vector_load %arg8[%get3A_339, %get3A_340] {strides = array<i32>} : memref<256x64xf32, #tpu.memory_space<vmem>>, vector<1x16xf32>,
        %get3A_342 = vector.shape_cast %get3A_341 : vector<1x16xf32> to vector<16xf32>
        %add3A_343 = arith.addf %get3A_336, %get3A_342 : vector<16xf32>
        %add3A_344 = arith.constant 2 : i32
        %add3A_345 = arith.addi %mul3A_85, %add3A_344 : i32
        %get3A_346 = arith.index_cast %add3A_345 : i32 to index
        %get3A_347 = arith.constant 32 : index
        %get3A_348 = tpu.vector_load %arg8[%get3A_346, %get3A_347] {strides = array<i32>} : memref<256x64xf32, #tpu.memory_space<vmem>>, vector<1x16xf32>,
        %get3A_349 = vector.shape_cast %get3A_348 : vector<1x16xf32> to vector<16xf32>
        %add3A_350 = arith.addf %add3A_343, %get3A_349 : vector<16xf32>
        %add3A_351 = arith.constant 3 : i32
        %add3A_352 = arith.addi %mul3A_85, %add3A_351 : i32
        %get3A_353 = arith.index_cast %add3A_352 : i32 to index
        %get3A_354 = arith.constant 32 : index
        %get3A_355 = tpu.vector_load %arg8[%get3A_353, %get3A_354] {strides = array<i32>} : memref<256x64xf32, #tpu.memory_space<vmem>>, vector<1x16xf32>,
        %get3A_356 = vector.shape_cast %get3A_355 : vector<1x16xf32> to vector<16xf32>
        %add3A_357 = arith.addf %add3A_350, %get3A_356 : vector<16xf32>
        %add3A_358 = arith.constant 4 : i32
        %add3A_359 = arith.addi %mul3A_85, %add3A_358 : i32
        %get3A_360 = arith.index_cast %add3A_359 : i32 to index
        %get3A_361 = arith.constant 32 : index
        %get3A_362 = tpu.vector_load %arg8[%get3A_360, %get3A_361] {strides = array<i32>} : memref<256x64xf32, #tpu.memory_space<vmem>>, vector<1x16xf32>,
        %get3A_363 = vector.shape_cast %get3A_362 : vector<1x16xf32> to vector<16xf32>
        %add3A_364 = arith.addf %add3A_357, %get3A_363 : vector<16xf32>
        %add3A_365 = arith.constant 5 : i32
        %add3A_366 = arith.addi %mul3A_85, %add3A_365 : i32
        %get3A_367 = arith.index_cast %add3A_366 : i32 to index
        %get3A_368 = arith.constant 32 : index
        %get3A_369 = tpu.vector_load %arg8[%get3A_367, %get3A_368] {strides = array<i32>} : memref<256x64xf32, #tpu.memory_space<vmem>>, vector<1x16xf32>,
        %get3A_370 = vector.shape_cast %get3A_369 : vector<1x16xf32> to vector<16xf32>
        %add3A_371 = arith.addf %add3A_364, %get3A_370 : vector<16xf32>
        %add3A_372 = arith.constant 6 : i32
        %add3A_373 = arith.addi %mul3A_85, %add3A_372 : i32
        %get3A_374 = arith.index_cast %add3A_373 : i32 to index
        %get3A_375 = arith.constant 32 : index
        %get3A_376 = tpu.vector_load %arg8[%get3A_374, %get3A_375] {strides = array<i32>} : memref<256x64xf32, #tpu.memory_space<vmem>>, vector<1x16xf32>,
        %get3A_377 = vector.shape_cast %get3A_376 : vector<1x16xf32> to vector<16xf32>
        %add3A_378 = arith.addf %add3A_371, %get3A_377 : vector<16xf32>
        %add3A_379 = arith.constant 7 : i32
        %add3A_380 = arith.addi %mul3A_85, %add3A_379 : i32
        %get3A_381 = arith.index_cast %add3A_380 : i32 to index
        %get3A_382 = arith.constant 32 : index
        %get3A_383 = tpu.vector_load %arg8[%get3A_381, %get3A_382] {strides = array<i32>} : memref<256x64xf32, #tpu.memory_space<vmem>>, vector<1x16xf32>,
        %get3A_384 = vector.shape_cast %get3A_383 : vector<1x16xf32> to vector<16xf32>
        %add3A_385 = arith.addf %add3A_378, %get3A_384 : vector<16xf32>
        %add3A_386 = arith.constant 8 : i32
        %add3A_387 = arith.addi %mul3A_85, %add3A_386 : i32
        %get3A_388 = arith.index_cast %add3A_387 : i32 to index
        %get3A_389 = arith.constant 32 : index
        %get3A_390 = tpu.vector_load %arg8[%get3A_388, %get3A_389] {strides = array<i32>} : memref<256x64xf32, #tpu.memory_space<vmem>>, vector<1x16xf32>,
        %get3A_391 = vector.shape_cast %get3A_390 : vector<1x16xf32> to vector<16xf32>
        %add3A_392 = arith.addf %add3A_385, %get3A_391 : vector<16xf32>
        %add3A_393 = arith.constant 9 : i32
        %add3A_394 = arith.addi %mul3A_85, %add3A_393 : i32
        %get3A_395 = arith.index_cast %add3A_394 : i32 to index
        %get3A_396 = arith.constant 32 : index
        %get3A_397 = tpu.vector_load %arg8[%get3A_395, %get3A_396] {strides = array<i32>} : memref<256x64xf32, #tpu.memory_space<vmem>>, vector<1x16xf32>,
        %get3A_398 = vector.shape_cast %get3A_397 : vector<1x16xf32> to vector<16xf32>
        %add3A_399 = arith.addf %add3A_392, %get3A_398 : vector<16xf32>
        %add3A_400 = arith.constant 10 : i32
        %add3A_401 = arith.addi %mul3A_85, %add3A_400 : i32
        %get3A_402 = arith.index_cast %add3A_401 : i32 to index
        %get3A_403 = arith.constant 32 : index
        %get3A_404 = tpu.vector_load %arg8[%get3A_402, %get3A_403] {strides = array<i32>} : memref<256x64xf32, #tpu.memory_space<vmem>>, vector<1x16xf32>,
        %get3A_405 = vector.shape_cast %get3A_404 : vector<1x16xf32> to vector<16xf32>
        %add3A_406 = arith.addf %add3A_399, %get3A_405 : vector<16xf32>
        %add3A_407 = arith.constant 11 : i32
        %add3A_408 = arith.addi %mul3A_85, %add3A_407 : i32
        %get3A_409 = arith.index_cast %add3A_408 : i32 to index
        %get3A_410 = arith.constant 32 : index
        %get3A_411 = tpu.vector_load %arg8[%get3A_409, %get3A_410] {strides = array<i32>} : memref<256x64xf32, #tpu.memory_space<vmem>>, vector<1x16xf32>,
        %get3A_412 = vector.shape_cast %get3A_411 : vector<1x16xf32> to vector<16xf32>
        %add3A_413 = arith.addf %add3A_406, %get3A_412 : vector<16xf32>
        %add3A_414 = arith.constant 12 : i32
        %add3A_415 = arith.addi %mul3A_85, %add3A_414 : i32
        %get3A_416 = arith.index_cast %add3A_415 : i32 to index
        %get3A_417 = arith.constant 32 : index
        %get3A_418 = tpu.vector_load %arg8[%get3A_416, %get3A_417] {strides = array<i32>} : memref<256x64xf32, #tpu.memory_space<vmem>>, vector<1x16xf32>,
        %get3A_419 = vector.shape_cast %get3A_418 : vector<1x16xf32> to vector<16xf32>
        %add3A_420 = arith.addf %add3A_413, %get3A_419 : vector<16xf32>
        %add3A_421 = arith.constant 13 : i32
        %add3A_422 = arith.addi %mul3A_85, %add3A_421 : i32
        %get3A_423 = arith.index_cast %add3A_422 : i32 to index
        %get3A_424 = arith.constant 32 : index
        %get3A_425 = tpu.vector_load %arg8[%get3A_423, %get3A_424] {strides = array<i32>} : memref<256x64xf32, #tpu.memory_space<vmem>>, vector<1x16xf32>,
        %get3A_426 = vector.shape_cast %get3A_425 : vector<1x16xf32> to vector<16xf32>
        %add3A_427 = arith.addf %add3A_420, %get3A_426 : vector<16xf32>
        %add3A_428 = arith.constant 14 : i32
        %add3A_429 = arith.addi %mul3A_85, %add3A_428 : i32
        %get3A_430 = arith.index_cast %add3A_429 : i32 to index
        %get3A_431 = arith.constant 32 : index
        %get3A_432 = tpu.vector_load %arg8[%get3A_430, %get3A_431] {strides = array<i32>} : memref<256x64xf32, #tpu.memory_space<vmem>>, vector<1x16xf32>,
        %get3A_433 = vector.shape_cast %get3A_432 : vector<1x16xf32> to vector<16xf32>
        %add3A_434 = arith.addf %add3A_427, %get3A_433 : vector<16xf32>
        %add3A_435 = arith.constant 15 : i32
        %add3A_436 = arith.addi %mul3A_85, %add3A_435 : i32
        %get3A_437 = arith.index_cast %add3A_436 : i32 to index
        %get3A_438 = arith.constant 32 : index
        %get3A_439 = tpu.vector_load %arg8[%get3A_437, %get3A_438] {strides = array<i32>} : memref<256x64xf32, #tpu.memory_space<vmem>>, vector<1x16xf32>,
        %get3A_440 = vector.shape_cast %get3A_439 : vector<1x16xf32> to vector<16xf32>
        %add3A_441 = arith.addf %add3A_434, %get3A_440 : vector<16xf32>
        %add3A_442 = arith.addf %add3A_441, %get3A_12 : vector<16xf32>
        %gt3A_443 = arith.constant 0.000000e+00 : f32
        %gt3A_444 = vector.broadcast %gt3A_443 : f32 to vector<16xf32>
        %gt3A_445 = arith.cmpf ogt, %add3A_442, %gt3A_444 : vector<16xf32>
        %min3A_446 = arith.constant 0.000000e+00 : f32
        %min3A_447 = vector.broadcast %min3A_446 : f32 to vector<16xf32>
        %min3A_448 = arith.minimumf %add3A_442, %min3A_447 : vector<16xf32>
        %exp3A_449 = math.exp %min3A_448 : vector<16xf32>
        %sub3A_450 = arith.constant 1.000000e+00 : f32
        %sub3A_451 = vector.broadcast %sub3A_450 : f32 to vector<16xf32>
        %sub3A_452 = arith.subf %exp3A_449, %sub3A_451 : vector<16xf32>
        %select_n3A_453 = arith.select %gt3A_445, %add3A_442, %sub3A_452 : vector<16xi1>, vector<16xf32>
        %swap3A_454 = arith.index_cast %scan3A_83 : i32 to index
        %swap3A_455 = arith.constant 32 : index
        %swap3A_456 = tpu.vector_load %arg9[%swap3A_454, %swap3A_455] {strides = array<i32>} : memref<16x64xf32, #tpu.memory_space<vmem>>, vector<1x16xf32>,
        %swap3A_457 = vector.shape_cast %swap3A_456 : vector<1x16xf32> to vector<16xf32>
        %swap3A_458 = vector.shape_cast %select_n3A_453 : vector<16xf32> to vector<1x16xf32>
        tpu.vector_store %arg9[%swap3A_454, %swap3A_455], %swap3A_458 {strides = array<i32>} : memref<16x64xf32, #tpu.memory_space<vmem>>, vector<1x16xf32>,
        %get3A_459 = arith.index_cast %mul3A_85 : i32 to index
        %get3A_460 = arith.constant 48 : index
        %get3A_461 = tpu.vector_load %arg8[%get3A_459, %get3A_460] {strides = array<i32>} : memref<256x64xf32, #tpu.memory_space<vmem>>, vector<1x16xf32>,
        %get3A_462 = vector.shape_cast %get3A_461 : vector<1x16xf32> to vector<16xf32>
        %add3A_463 = arith.constant 1 : i32
        %add3A_464 = arith.addi %mul3A_85, %add3A_463 : i32
        %get3A_465 = arith.index_cast %add3A_464 : i32 to index
        %get3A_466 = arith.constant 48 : index
        %get3A_467 = tpu.vector_load %arg8[%get3A_465, %get3A_466] {strides = array<i32>} : memref<256x64xf32, #tpu.memory_space<vmem>>, vector<1x16xf32>,
        %get3A_468 = vector.shape_cast %get3A_467 : vector<1x16xf32> to vector<16xf32>
        %add3A_469 = arith.addf %get3A_462, %get3A_468 : vector<16xf32>
        %add3A_470 = arith.constant 2 : i32
        %add3A_471 = arith.addi %mul3A_85, %add3A_470 : i32
        %get3A_472 = arith.index_cast %add3A_471 : i32 to index
        %get3A_473 = arith.constant 48 : index
        %get3A_474 = tpu.vector_load %arg8[%get3A_472, %get3A_473] {strides = array<i32>} : memref<256x64xf32, #tpu.memory_space<vmem>>, vector<1x16xf32>,
        %get3A_475 = vector.shape_cast %get3A_474 : vector<1x16xf32> to vector<16xf32>
        %add3A_476 = arith.addf %add3A_469, %get3A_475 : vector<16xf32>
        %add3A_477 = arith.constant 3 : i32
        %add3A_478 = arith.addi %mul3A_85, %add3A_477 : i32
        %get3A_479 = arith.index_cast %add3A_478 : i32 to index
        %get3A_480 = arith.constant 48 : index
        %get3A_481 = tpu.vector_load %arg8[%get3A_479, %get3A_480] {strides = array<i32>} : memref<256x64xf32, #tpu.memory_space<vmem>>, vector<1x16xf32>,
        %get3A_482 = vector.shape_cast %get3A_481 : vector<1x16xf32> to vector<16xf32>
        %add3A_483 = arith.addf %add3A_476, %get3A_482 : vector<16xf32>
        %add3A_484 = arith.constant 4 : i32
        %add3A_485 = arith.addi %mul3A_85, %add3A_484 : i32
        %get3A_486 = arith.index_cast %add3A_485 : i32 to index
        %get3A_487 = arith.constant 48 : index
        %get3A_488 = tpu.vector_load %arg8[%get3A_486, %get3A_487] {strides = array<i32>} : memref<256x64xf32, #tpu.memory_space<vmem>>, vector<1x16xf32>,
        %get3A_489 = vector.shape_cast %get3A_488 : vector<1x16xf32> to vector<16xf32>
        %add3A_490 = arith.addf %add3A_483, %get3A_489 : vector<16xf32>
        %add3A_491 = arith.constant 5 : i32
        %add3A_492 = arith.addi %mul3A_85, %add3A_491 : i32
        %get3A_493 = arith.index_cast %add3A_492 : i32 to index
        %get3A_494 = arith.constant 48 : index
        %get3A_495 = tpu.vector_load %arg8[%get3A_493, %get3A_494] {strides = array<i32>} : memref<256x64xf32, #tpu.memory_space<vmem>>, vector<1x16xf32>,
        %get3A_496 = vector.shape_cast %get3A_495 : vector<1x16xf32> to vector<16xf32>
        %add3A_497 = arith.addf %add3A_490, %get3A_496 : vector<16xf32>
        %add3A_498 = arith.constant 6 : i32
        %add3A_499 = arith.addi %mul3A_85, %add3A_498 : i32
        %get3A_500 = arith.index_cast %add3A_499 : i32 to index
        %get3A_501 = arith.constant 48 : index
        %get3A_502 = tpu.vector_load %arg8[%get3A_500, %get3A_501] {strides = array<i32>} : memref<256x64xf32, #tpu.memory_space<vmem>>, vector<1x16xf32>,
        %get3A_503 = vector.shape_cast %get3A_502 : vector<1x16xf32> to vector<16xf32>
        %add3A_504 = arith.addf %add3A_497, %get3A_503 : vector<16xf32>
        %add3A_505 = arith.constant 7 : i32
        %add3A_506 = arith.addi %mul3A_85, %add3A_505 : i32
        %get3A_507 = arith.index_cast %add3A_506 : i32 to index
        %get3A_508 = arith.constant 48 : index
        %get3A_509 = tpu.vector_load %arg8[%get3A_507, %get3A_508] {strides = array<i32>} : memref<256x64xf32, #tpu.memory_space<vmem>>, vector<1x16xf32>,
        %get3A_510 = vector.shape_cast %get3A_509 : vector<1x16xf32> to vector<16xf32>
        %add3A_511 = arith.addf %add3A_504, %get3A_510 : vector<16xf32>
        %add3A_512 = arith.constant 8 : i32
        %add3A_513 = arith.addi %mul3A_85, %add3A_512 : i32
        %get3A_514 = arith.index_cast %add3A_513 : i32 to index
        %get3A_515 = arith.constant 48 : index
        %get3A_516 = tpu.vector_load %arg8[%get3A_514, %get3A_515] {strides = array<i32>} : memref<256x64xf32, #tpu.memory_space<vmem>>, vector<1x16xf32>,
        %get3A_517 = vector.shape_cast %get3A_516 : vector<1x16xf32> to vector<16xf32>
        %add3A_518 = arith.addf %add3A_511, %get3A_517 : vector<16xf32>
        %add3A_519 = arith.constant 9 : i32
        %add3A_520 = arith.addi %mul3A_85, %add3A_519 : i32
        %get3A_521 = arith.index_cast %add3A_520 : i32 to index
        %get3A_522 = arith.constant 48 : index
        %get3A_523 = tpu.vector_load %arg8[%get3A_521, %get3A_522] {strides = array<i32>} : memref<256x64xf32, #tpu.memory_space<vmem>>, vector<1x16xf32>,
        %get3A_524 = vector.shape_cast %get3A_523 : vector<1x16xf32> to vector<16xf32>
        %add3A_525 = arith.addf %add3A_518, %get3A_524 : vector<16xf32>
        %add3A_526 = arith.constant 10 : i32
        %add3A_527 = arith.addi %mul3A_85, %add3A_526 : i32
        %get3A_528 = arith.index_cast %add3A_527 : i32 to index
        %get3A_529 = arith.constant 48 : index
        %get3A_530 = tpu.vector_load %arg8[%get3A_528, %get3A_529] {strides = array<i32>} : memref<256x64xf32, #tpu.memory_space<vmem>>, vector<1x16xf32>,
        %get3A_531 = vector.shape_cast %get3A_530 : vector<1x16xf32> to vector<16xf32>
        %add3A_532 = arith.addf %add3A_525, %get3A_531 : vector<16xf32>
        %add3A_533 = arith.constant 11 : i32
        %add3A_534 = arith.addi %mul3A_85, %add3A_533 : i32
        %get3A_535 = arith.index_cast %add3A_534 : i32 to index
        %get3A_536 = arith.constant 48 : index
        %get3A_537 = tpu.vector_load %arg8[%get3A_535, %get3A_536] {strides = array<i32>} : memref<256x64xf32, #tpu.memory_space<vmem>>, vector<1x16xf32>,
        %get3A_538 = vector.shape_cast %get3A_537 : vector<1x16xf32> to vector<16xf32>
        %add3A_539 = arith.addf %add3A_532, %get3A_538 : vector<16xf32>
        %add3A_540 = arith.constant 12 : i32
        %add3A_541 = arith.addi %mul3A_85, %add3A_540 : i32
        %get3A_542 = arith.index_cast %add3A_541 : i32 to index
        %get3A_543 = arith.constant 48 : index
        %get3A_544 = tpu.vector_load %arg8[%get3A_542, %get3A_543] {strides = array<i32>} : memref<256x64xf32, #tpu.memory_space<vmem>>, vector<1x16xf32>,
        %get3A_545 = vector.shape_cast %get3A_544 : vector<1x16xf32> to vector<16xf32>
        %add3A_546 = arith.addf %add3A_539, %get3A_545 : vector<16xf32>
        %add3A_547 = arith.constant 13 : i32
        %add3A_548 = arith.addi %mul3A_85, %add3A_547 : i32
        %get3A_549 = arith.index_cast %add3A_548 : i32 to index
        %get3A_550 = arith.constant 48 : index
        %get3A_551 = tpu.vector_load %arg8[%get3A_549, %get3A_550] {strides = array<i32>} : memref<256x64xf32, #tpu.memory_space<vmem>>, vector<1x16xf32>,
        %get3A_552 = vector.shape_cast %get3A_551 : vector<1x16xf32> to vector<16xf32>
        %add3A_553 = arith.addf %add3A_546, %get3A_552 : vector<16xf32>
        %add3A_554 = arith.constant 14 : i32
        %add3A_555 = arith.addi %mul3A_85, %add3A_554 : i32
        %get3A_556 = arith.index_cast %add3A_555 : i32 to index
        %get3A_557 = arith.constant 48 : index
        %get3A_558 = tpu.vector_load %arg8[%get3A_556, %get3A_557] {strides = array<i32>} : memref<256x64xf32, #tpu.memory_space<vmem>>, vector<1x16xf32>,
        %get3A_559 = vector.shape_cast %get3A_558 : vector<1x16xf32> to vector<16xf32>
        %add3A_560 = arith.addf %add3A_553, %get3A_559 : vector<16xf32>
        %add3A_561 = arith.constant 15 : i32
        %add3A_562 = arith.addi %mul3A_85, %add3A_561 : i32
        %get3A_563 = arith.index_cast %add3A_562 : i32 to index
        %get3A_564 = arith.constant 48 : index
        %get3A_565 = tpu.vector_load %arg8[%get3A_563, %get3A_564] {strides = array<i32>} : memref<256x64xf32, #tpu.memory_space<vmem>>, vector<1x16xf32>,
        %get3A_566 = vector.shape_cast %get3A_565 : vector<1x16xf32> to vector<16xf32>
        %add3A_567 = arith.addf %add3A_560, %get3A_566 : vector<16xf32>
        %add3A_568 = arith.addf %add3A_567, %get3A_15 : vector<16xf32>
        %gt3A_569 = arith.constant 0.000000e+00 : f32
        %gt3A_570 = vector.broadcast %gt3A_569 : f32 to vector<16xf32>
        %gt3A_571 = arith.cmpf ogt, %add3A_568, %gt3A_570 : vector<16xf32>
        %min3A_572 = arith.constant 0.000000e+00 : f32
        %min3A_573 = vector.broadcast %min3A_572 : f32 to vector<16xf32>
        %min3A_574 = arith.minimumf %add3A_568, %min3A_573 : vector<16xf32>
        %exp3A_575 = math.exp %min3A_574 : vector<16xf32>
        %sub3A_576 = arith.constant 1.000000e+00 : f32
        %sub3A_577 = vector.broadcast %sub3A_576 : f32 to vector<16xf32>
        %sub3A_578 = arith.subf %exp3A_575, %sub3A_577 : vector<16xf32>
        %select_n3A_579 = arith.select %gt3A_571, %add3A_568, %sub3A_578 : vector<16xi1>, vector<16xf32>
        %swap3A_580 = arith.index_cast %scan3A_83 : i32 to index
        %swap3A_581 = arith.constant 48 : index
        %swap3A_582 = tpu.vector_load %arg9[%swap3A_580, %swap3A_581] {strides = array<i32>} : memref<16x64xf32, #tpu.memory_space<vmem>>, vector<1x16xf32>,
        %swap3A_583 = vector.shape_cast %swap3A_582 : vector<1x16xf32> to vector<16xf32>
        %swap3A_584 = vector.shape_cast %select_n3A_579 : vector<16xf32> to vector<1x16xf32>
        tpu.vector_store %arg9[%swap3A_580, %swap3A_581], %swap3A_584 {strides = array<i32>} : memref<16x64xf32, #tpu.memory_space<vmem>>, vector<1x16xf32>,
      }
      %scan3A_79 = arith.constant 16 : i32
      %mul3A_80 = arith.constant 16 : i32
      %mul3A_81 = arith.muli %add3A_73, %mul3A_80 : i32
      %add3A_82 = arith.addi %mul3A_2, %mul3A_81 : i32
      "tpu.region"() ({
        %run_scoped3A = tpu.sem_alloc : memref<!tpu.dma_semaphore, #tpu.memory_space<semaphore_mem>>
        %dma_start3A_83 = arith.constant 0 : i32
        %dma_start3A_84 = tpu.memref_slice %arg5[%add3A_82, %dma_start3A_83] : memref<51200x64xf32, #tpu.memory_space<hbm>> -> memref<16x64xf32, #tpu.memory_space<hbm>>
        %dma_start3A_85 = arith.constant 0 : i32
        %dma_start3A_86 = tpu.memref_slice %arg5[%add3A_82, %dma_start3A_85] : memref<51200x64xf32, #tpu.memory_space<hbm>> -> memref<16x64xf32, #tpu.memory_space<hbm>>
        tpu.enqueue_dma source(%arg9 : memref<16x64xf32, #tpu.memory_space<vmem>>) target(%dma_start3A_86 : memref<16x64xf32, #tpu.memory_space<hbm>>) target_semaphore(%run_scoped3A : memref<!tpu.dma_semaphore, #tpu.memory_space<semaphore_mem>>)
        %dma_wait3A_87 = arith.constant 0 : i32
        %dma_wait3A_88 = tpu.memref_slice %arg5[%add3A_82, %dma_wait3A_87] : memref<51200x64xf32, #tpu.memory_space<hbm>> -> memref<16x64xf32, #tpu.memory_space<hbm>>
        %dma_wait3A_89 = arith.constant 0 : i32
        %dma_wait3A_90 = tpu.memref_slice %arg5[%add3A_82, %dma_wait3A_89] : memref<51200x64xf32, #tpu.memory_space<hbm>> -> memref<16x64xf32, #tpu.memory_space<hbm>>
        tpu.wait_dma2 semaphore(%run_scoped3A : memref<!tpu.dma_semaphore, #tpu.memory_space<semaphore_mem>>) src(%arg9 : memref<16x64xf32, #tpu.memory_space<vmem>>) dst(%dma_wait3A_90 : memref<16x64xf32, #tpu.memory_space<hbm>>)
        tpu.yield
      }) : () -> ()
    }
    %scan3A_24 = arith.constant 50 : i32
    %dma_wait3A = arith.constant 25344 : i32
    %dma_wait3A_25 = tpu.memref_slice %arg6[%dma_wait3A] : memref<25600xi32, #tpu.memory_space<vmem>> -> memref<256xi32, #tpu.memory_space<vmem>>
    %dma_wait3A_26 = arith.constant 0 : i32
    %dma_wait3A_27 = arith.constant 0 : i32
    %dma_wait3A_28 = tpu.memref_slice %arg2[%dma_wait3A_26, %dma_wait3A_27] : memref<819200x64xf32, #tpu.memory_space<hbm>> -> memref<819200x64xf32, #tpu.memory_space<hbm>>
    tpu.wait_indirect_dma semaphore(%arg11 : memref<!tpu.dma_semaphore, #tpu.memory_space<semaphore_mem>>) src(%dma_wait3A_28 : memref<819200x64xf32, #tpu.memory_space<hbm>>) dst(%arg7 : memref<256x64xf32, #tpu.memory_space<vmem>>)
    return
  }
}

module attributes {stable_mosaic.version = 14 : i64} {
  func.func @body(%arg0: i32, %arg1: memref<2048x64xf32, #tpu.memory_space<vmem>>, %arg2: memref<64x1024xf32, #tpu.memory_space<vmem>>, %arg3: memref<2048x1024xf32, #tpu.memory_space<vmem>>) attributes {dimension_semantics = [#tpu.dimension_semantics<arbitrary>], iteration_bounds = array<i64: 25>, scalar_prefetch = 0 : i64, scratch_operands = 0 : i64, tpu.core_type = #tpu.core_type<tc>, window_params = [{transform_indices = @transform_0, window_bounds = array<i64: 2048, 64>}, {pipeline_mode = #tpu.pipeline_mode<synchronous>, transform_indices = @transform_1, window_bounds = array<i64: 64, 1024>}, {transform_indices = @transform_2, window_bounds = array<i64: 2048, 1024>}]} {
    %get3A = arith.constant 0 : index
    %get3A_0 = arith.constant 0 : index
    %get3A_1 = vector.load %arg1[%get3A, %get3A_0] : memref<2048x64xf32, #tpu.memory_space<vmem>>, vector<2048x64xf32>
    %get3A_2 = arith.constant 0 : index
    %get3A_3 = arith.constant 0 : index
    %get3A_4 = vector.load %arg2[%get3A_2, %get3A_3] : memref<64x1024xf32, #tpu.memory_space<vmem>>, vector<64x1024xf32>
    %dot_general3A = arith.constant dense<0.000000e+00> : vector<2048x1024xf32>
    %dot_general3A_5 = tpu.matmul %get3A_1, %get3A_4, %dot_general3A {dimension_numbers = #tpu.dot_dimension_numbers<[1], [0], [0], [1], [0, 0, 1, 1], [], []>, transpose_lhs_hint = false} : vector<2048x64xf32>, vector<64x1024xf32>, vector<2048x1024xf32> -> vector<2048x1024xf32>
    %swap3A = arith.constant 0 : index
    %swap3A_6 = arith.constant 0 : index
    %swap3A_7 = vector.load %arg3[%swap3A, %swap3A_6] : memref<2048x1024xf32, #tpu.memory_space<vmem>>, vector<2048x1024xf32>
    tpu.vector_store %arg3[%swap3A, %swap3A_6], %dot_general3A_5 {strides = array<i32>} : memref<2048x1024xf32, #tpu.memory_space<vmem>>, vector<2048x1024xf32>,
    return
  }
  func.func @transform_0(%arg0: i32) -> (i32, i32) {
    %c0_i32 = arith.constant 0 : i32
    %c0_i32_0 = arith.constant 0 : i32
    return %arg0, %c0_i32 : i32, i32
  }
  func.func @transform_1(%arg0: i32) -> (i32, i32) {
    %c0_i32 = arith.constant 0 : i32
    %c0_i32_0 = arith.constant 0 : i32
    %c0_i32_1 = arith.constant 0 : i32
    return %c0_i32, %c0_i32_0 : i32, i32
  }
  func.func @transform_2(%arg0: i32) -> (i32, i32) {
    %c0_i32 = arith.constant 0 : i32
    %c0_i32_0 = arith.constant 0 : i32
    return %arg0, %c0_i32 : i32, i32
  }
}

module attributes {stable_mosaic.version = 14 : i64} {
  func.func @body(%arg0: i32, %arg1: memref<2048x64xf32, #tpu.memory_space<vmem>>, %arg2: memref<64x512xf32, #tpu.memory_space<vmem>>, %arg3: memref<2048x512xf32, #tpu.memory_space<vmem>>) attributes {dimension_semantics = [#tpu.dimension_semantics<arbitrary>], iteration_bounds = array<i64: 25>, scalar_prefetch = 0 : i64, scratch_operands = 0 : i64, tpu.core_type = #tpu.core_type<tc>, window_params = [{transform_indices = @transform_0, window_bounds = array<i64: 2048, 64>}, {pipeline_mode = #tpu.pipeline_mode<synchronous>, transform_indices = @transform_1, window_bounds = array<i64: 64, 512>}, {transform_indices = @transform_2, window_bounds = array<i64: 2048, 512>}]} {
    %get3A = arith.constant 0 : index
    %get3A_0 = arith.constant 0 : index
    %get3A_1 = vector.load %arg1[%get3A, %get3A_0] : memref<2048x64xf32, #tpu.memory_space<vmem>>, vector<2048x64xf32>
    %get3A_2 = arith.constant 0 : index
    %get3A_3 = arith.constant 0 : index
    %get3A_4 = vector.load %arg2[%get3A_2, %get3A_3] : memref<64x512xf32, #tpu.memory_space<vmem>>, vector<64x512xf32>
    %dot_general3A = arith.constant dense<0.000000e+00> : vector<2048x512xf32>
    %dot_general3A_5 = tpu.matmul %get3A_1, %get3A_4, %dot_general3A {dimension_numbers = #tpu.dot_dimension_numbers<[1], [0], [0], [1], [0, 0, 1, 1], [], []>, transpose_lhs_hint = false} : vector<2048x64xf32>, vector<64x512xf32>, vector<2048x512xf32> -> vector<2048x512xf32>
    %swap3A = arith.constant 0 : index
    %swap3A_6 = arith.constant 0 : index
    %swap3A_7 = vector.load %arg3[%swap3A, %swap3A_6] : memref<2048x512xf32, #tpu.memory_space<vmem>>, vector<2048x512xf32>
    tpu.vector_store %arg3[%swap3A, %swap3A_6], %dot_general3A_5 {strides = array<i32>} : memref<2048x512xf32, #tpu.memory_space<vmem>>, vector<2048x512xf32>,
    return
  }
  func.func @transform_0(%arg0: i32) -> (i32, i32) {
    %c0_i32 = arith.constant 0 : i32
    %c0_i32_0 = arith.constant 0 : i32
    return %arg0, %c0_i32 : i32, i32
  }
  func.func @transform_1(%arg0: i32) -> (i32, i32) {
    %c0_i32 = arith.constant 0 : i32
    %c0_i32_0 = arith.constant 0 : i32
    %c0_i32_1 = arith.constant 0 : i32
    return %c0_i32, %c0_i32_0 : i32, i32
  }
  func.func @transform_2(%arg0: i32) -> (i32, i32) {
    %c0_i32 = arith.constant 0 : i32
    %c0_i32_0 = arith.constant 0 : i32
    return %arg0, %c0_i32 : i32, i32
  }
}

</mosaic_0001>

<sc_bundles>
// kernel: kernel.6.cloned.1.call-start
scs
__scs_entry_jumppad:
0x0: {  	(pc) =	sbr.rel $0x88, $3  }
0x1: {  	(tag) =	ssettag $0x0;
	lr =	simm.s32 $0x1  }
0x2: {  	[smem:$0x3F9B] =	sst lr;
	_ =	strace $0xD0000000  }
0x3: {  	_ = 	snop  }
0x4: {  	_ = 	snop  }
0x5: {  	_ = 	snop  }
0x6: {  	_ = 	snop  }
0x7: {  	_ = 	snop  }
__scs_overlays_trampoline_lowered:
0x8: {  	[smem:$0x3FAA] =	sst s0  }
0x9: {  	[smem:$0x3FAB] =	sst s1  }
0xa: {  	[smem:$0x3FAC] =	sst s2  }
0xb: {  	[smem:$0x3FAD] =	sst s3  }
0xc: {  	[smem:$0x3FAE] =	sst s4  }
0xd: {  	[smem:$0x3FAF] =	sst s5  }
0xe: {  	[smem:$0x3FB0] =	sst s6  }
0xf: {  	[smem:$0x3FB1] =	sst s7  }
0x10: {  	[smem:$0x3FB2] =	sst s8  }
0x11: {  	[smem:$0x3FB3] =	sst s9;
	s0 =	simm.s32 @!p0 $0x0  }
0x12: {  	s1 =	sld [smem:$0x3F99];
	s0 =	simm.s32 @p0 $0x1  }
0x13: {  	[smem:$0x3FB4] =	sst s0;
	s0 =	simm.s32 @!p1 $0x0  }
0x14: {  	s2 =	sld [smem:$0x3F98];
	s0 =	simm.s32 @p1 $0x1  }
0x15: {  	[smem:$0x3FB5] =	sst s0;
	s0 =	simm.s32 @!p2 $0x0  }
0x16: {  	s3 =	sld [smem:$0x3FDB];
	s0 =	simm.s32 @p2 $0x1  }
0x17: {  	s4 =	simm.s32 $0x1BF5;
	[smem:$0x3FB7] =	sst s0  }
0x18: {  	s0 =	sld [smem:$0x3F9A];
	_ =	swait.ge [sflag:s4], $0x0  }
0x19: {  	s7 =	sld [smem:$0x3F9B]  }
0x1a: {  	s8 =	sadd.s32 $0xFFFFE003, lr  }
0x1b: {  	s9 =	sadd.s32 $0xFFFFFEF7, lr;
	s5 =	simm.s32 $0xFFFFFFFF;
	p2 =	slt.u32 s8, $0xFFFFF086  }
0x1c: {  	p1 =	slt.u32 s9, $0xF7A;
	s5 =	simm.s32 @!p2 $0x0  }
0x1d: {  	s5 =	simm.s32 @p1 $0x1;
	p0 =	seq.s32 s7, s2  }
0x1e: {  	s7 =	smul.u32 @!p0 $0xF7A, s2;
	p2 =	seq.s32 @!p0 s5, $0x0  }
0x1f: {  	s9 =	smul.u32 $0xF7A, s1;
	s8 =	simm.s32 @!p0 $0x1BF5;
	p2 =	por !p2, p0  }
0x20: {  	[sflag:s8] =	ssyncset.s32 @!p0 $0xFFFFF086;
	s6 =	sadd.s32 @!p0 s3, s7;
	s7 =	simm.s32 @!p0 $0x108  }
0x21: {  	s3 =	sadd.s32 s3, s9;
	s6 =	sadd.s32 @!p0 $0x88, s6;
	s7 =	simm.s32 @p2 $0x1082  }
0x22: {  	[simem:s7], [sflag:s8] =	dma.local @!p0 [hbm:s6], $0xF7A  }
0x23: {  	s9 =	sor.u32 $0xD0000000, s2;
	s6 =	simm.s32 $0x108;
	_ =	swait.ge @!p0 [sflag:s8], $0x0  }
0x24: {  	s3 =	sadd.s32 $0x88, s3;
	s6 =	simm.s32 @!p1 $0x1082;
	[sflag:s4] =	ssyncset.s32 $0xFFFFF086  }
0x25: {  	[simem:s6], [sflag:s4] =	dma.local [hbm:s3], $0xF7A  }
0x26: {  	[smem:$0x3F9B] =	sst s1;
	(tag) =	ssettag s2;
	_ =	strace s9  }
0x27: {  	s1 =	sld [smem:$0x3FAB]  }
0x28: {  	s2 =	sld [smem:$0x3FAC]  }
0x29: {  	s4 =	sld [smem:$0x3FAE]  }
0x2a: {  	p0 =	seq.s32 s5, $0x0;
	s5 =	sld [smem:$0x3FAF]  }
0x2b: {  	s6 =	sld [smem:$0x3FB0]  }
0x2c: {  	s7 =	sld [smem:$0x3FB1]  }
0x2d: {  	s3 =	simm.s32 $0x108;
	s8 =	sld [smem:$0x3FB2]  }
0x2e: {  	s3 =	simm.s32 @!p0 $0x1082;
	s9 =	sld [smem:$0x3FB3]  }
0x2f: {  	lr =	sadd.s32 s0, s3;
	s0 =	sld [smem:$0x3FAA]  }
0x30: {  	s3 =	sld [smem:$0x3FAD]  }
0x31: {  	[smem:$0x3FB6] =	sst s10  }
0x32: {  	s10 =	sld [smem:$0x3FB4];
	_ =	sdelay $0x3  }
0x33: {  	p0 =	seq.s32 s10, $0x1;
	s10 =	sld [smem:$0x3FB6];
	_ =	sdelay $0x3  }
0x34: {  	[smem:$0x3FB6] =	sst s10  }
0x35: {  	s10 =	sld [smem:$0x3FB5];
	_ =	sdelay $0x3  }
0x36: {  	p1 =	seq.s32 s10, $0x1;
	s10 =	sld [smem:$0x3FB6];
	_ =	sdelay $0x3  }
0x37: {  	[smem:$0x3FB6] =	sst s10  }
0x38: {  	s10 =	sld [smem:$0x3FB7]  }
0x39: {  	_ = 	snop;
	(pc) =	sbr.ind lr, $3  }
0x3a: {  	_ = 	snop  }
0x3b: {  	_ = 	snop  }
0x3c: {  	p2 =	seq.s32 s10, $0x1;
	s10 =	sld [smem:$0x3FB6]  }
0x3d: {  	_ =	shalt  }
0x3e: {  	_ =	shalt  }
0x3f: {  	_ =	shalt  }
0x40: {  	_ =	shalt  }
0x41: {  	_ =	shalt  }
0x42: {  	_ =	shalt  }
0x43: {  	_ =	shalt  }
0x44: {  	_ =	shalt  }
0x45: {  	_ =	shalt  }
0x46: {  	_ =	shalt  }
0x47: {  	_ =	shalt  }
0x48: {  	_ =	shalt  }
0x49: {  	_ =	shalt  }
0x4a: {  	_ =	shalt  }
0x4b: {  	_ =	shalt  }
0x4c: {  	_ =	shalt  }
0x4d: {  	_ =	shalt  }
0x4e: {  	_ =	shalt  }
0x4f: {  	_ =	shalt  }
0x50: {  	_ =	shalt  }
0x51: {  	_ =	shalt  }
0x52: {  	_ =	shalt  }
0x53: {  	_ =	shalt  }
0x54: {  	_ =	shalt  }
0x55: {  	_ =	shalt  }
0x56: {  	_ =	shalt  }
0x57: {  	_ =	shalt  }
0x58: {  	_ =	shalt  }
0x59: {  	_ =	shalt  }
0x5a: {  	_ =	shalt  }
0x5b: {  	_ =	shalt  }
0x5c: {  	_ =	shalt  }
0x5d: {  	_ =	shalt  }
0x5e: {  	_ =	shalt  }
0x5f: {  	_ =	shalt  }
0x60: {  	_ =	shalt  }
0x61: {  	_ =	shalt  }
0x62: {  	_ =	shalt  }
0x63: {  	_ =	shalt  }
0x64: {  	_ =	shalt  }
0x65: {  	_ =	shalt  }
0x66: {  	_ =	shalt  }
0x67: {  	_ =	shalt  }
0x68: {  	_ =	shalt  }
0x69: {  	_ =	shalt  }
0x6a: {  	_ =	shalt  }
0x6b: {  	_ =	shalt  }
0x6c: {  	_ =	shalt  }
0x6d: {  	_ =	shalt  }
0x6e: {  	_ =	shalt  }
0x6f: {  	_ =	shalt  }
0x70: {  	_ =	shalt  }
0x71: {  	_ =	shalt  }
0x72: {  	_ =	shalt  }
0x73: {  	_ =	shalt  }
0x74: {  	_ =	shalt  }
0x75: {  	_ =	shalt  }
0x76: {  	_ =	shalt  }
0x77: {  	_ =	shalt  }
0x78: {  	_ =	shalt  }
0x79: {  	_ =	shalt  }
0x7a: {  	_ =	shalt  }
0x7b: {  	_ =	shalt  }
0x7c: {  	_ =	shalt  }
0x7d: {  	_ =	shalt  }
0x7e: {  	_ =	shalt  }
0x7f: {  	_ =	shalt  }
0x80: {  	_ =	shalt  }
0x81: {  	_ =	shalt  }
0x82: {  	_ =	shalt  }
0x83: {  	_ =	shalt  }
0x84: {  	_ =	shalt  }
0x85: {  	_ =	shalt  }
0x86: {  	_ =	shalt  }
0x87: {  	_ =	shalt  }
.Lfunc_end0:
.L_simem_size_0:
called_computation.2_lowered:
.L_overlay_start_0:
0x88: {  	s2 =	sld [smem:$0x3FD9]  }
0x89: {  	s3 =	sld [smem:$0x3FFE];
	_ =	sdelay $0x1  }
0x8a: {  	s1 =	srdreg.scid  }
0x8b: {  	s0 =	sand.u32 $0x1, s1  }
0x8c: {  	s17 =	sshll.u32 s0, $0xA;
	s2 =	sadd.s32 s3, s2  }
0x8d: {  	s2 =	sadd.s32 s2, s17  }
0x8e: {  	[smem:$0x3FC2] =	sst s2  }
0x8f: {  	_ = 	snop  }
0x90: {  	s2 =	sld [smem:$0x3FC6]  }
0x91: {  	s18 =	sld [smem:$0x3FD0];
	(tm) =	ssettm $0x1  }
0x92: {  	s4 =	sld [smem:$0x3FFB];
	_ =	sdelay $0x3  }
0x93: {  	_ =	strace s4  }
0x94: {  	s4 =	sld [smem:$0x3FFC];
	_ =	sdelay $0x3  }
0x95: {  	_ =	strace s4  }
0x96: {  	s4 =	sld [smem:$0x3FFD];
	_ =	sdelay $0x3  }
0x97: {  	_ =	strace s4  }
0x98: {  	_ =	strace $0x8FFFFFFF  }
0x99: {  	s19 =	sld [smem:$0x3FDB];
	_ =	sdelay $0x1  }
0x9a: {  	s5 =	simm.s32 $_scs_section_size  }
0x9b: {  	s6 =	simm.s32 $_size__tile_overlayer_lowered;
	s7 =	simm.s32 $_tile_overlayer_lowered  }
0x9c: {  	s22 =	simm.s32 $0x1BFF;
	s21 =	sshll.u32 s7, $0x1;
	s4 =	sadd.s32 s5, s19  }
0x9d: {  	s8 =	simm.s32 $0x0;
	s20 =	sshll.u32 s6, $0x1;
	s6 =	sadd.s32 s21, s4  }
0x9e: {  	[timem:s8], [sflag:s22] =	dma.local [hbm:s6], s20  }
0x9f: {  	_ =	swait.ge [sflag:s22], s20  }
0xa0: {  	s5 =	ssub.s32 $0x0, s20;
	[sflag:s22] =	ssyncset.done $0x0  }
0xa1: {  	[sflag:s22] =	ssyncadd.s32 s5;
	_ =	sdelay $0x1  }
0xa2: {  	s23 =	simm.s32 $0x1B8B  }
0xa3: {  	_ =	swait.ge [sflag:s23], $0x1  }
0xa4: {  	[sflag:s23] =	ssyncset.done $0x0  }
0xa5: {  	s25 =	simm.s32 $0x1B8E;
	s24 =	sld [smem:$0x3FFE];
	[sflag:s23] =	ssyncadd.s32 $0xFFFFFFFF  }
0xa6: {  	s26 =	simm.s32 $execute0_lowered;
	[smem:$0x3FD2] =	sst s25  }
0xa7: {  	s6 =	sshll.u32 s26, $0x1;
	_ =	strace $0x80000049;
	[dreg:$0x1] =	wrdreg $0xFFFFFFFF  }
0xa8: {  	s28 =	simm.s32 $_size_execute0_lowered;
	s4 =	sadd.s32 s4, s6;
	[dreg:$0x0] =	wrdreg $0x0  }
0xa9: {  	s6 =	sshll.u32 s28, $0x1;
	[dreg:$0x2] =	wrdreg s4  }
0xaa: {  	[dreg:$0x3] =	wrdreg s6  }
0xab: {  	[dreg:$0x4] =	wrdreg $0xC0  }
0xac: {  	_ =	task [dreg:s8], $0x5FFFF  }
0xad: {  	[dreg:$0x1] =	wrdreg $0xFFFFFFFF  }
0xae: {  	[dreg:$0x0] =	wrdreg $0x60  }
0xaf: {  	[dreg:$0x2] =	wrdreg s24  }
0xb0: {  	[dreg:$0x3] =	wrdreg s18  }
0xb1: {  	[dreg:$0x4] =	wrdreg s2  }
0xb2: {  	[dreg:$0x5] =	wrdreg $0x9  }
0xb3: {  	_ =	task.clear_ibuf [dreg:s8], $0x6FFFF;
	_ =	strace $0x90000049  }
0xb4: {  	s29 =	simm.s32 $0x9;
	_ =	strace $0x8000004B  }
0xb5: {  	_ =	swait.ge [sflag:s29], $0x1  }
0xb6: {  	[sflag:s29] =	ssyncadd.s32 $0xFFFFFFFF  }
0xb7: {  	_ =	strace $0x9000004B  }
0xb8: {  	_ =	sfence  }
0xb9: {  	s30 =	sld [smem:$0x0];
	_ =	sdelay $0x2  }
0xba: {  	s31 =	sshll.u32 s1, $0xD;
	s1 =	sshrl.u32 s1, $0x2  }
0xbb: {  	s3 =	sand.u32 $0x4000, s31;
	s1 =	sadd.s32 s1, s30  }
0xbc: {  	s0 =	sor.u32 s3, s0;
	s1 =	sshll.u32 s1, $0x11  }
0xbd: {  	s0 =	sor.u32 s1, s0  }
0xbe: {  	s0 =	sadd.s32 $0x8F2B, s0  }
0xbf: {  	[sflag:s0] =	ssyncadd.remote.s32 $0x1  }
0xc0: {  	_ =	sfence.sel $0xFFFF  }
0xc1: {  	[dreg:$0x0] =	wrdreg $0xFFFFFFFF;
	(pc) =	sbr.abs _section_cstart, $3  }
0xc2: {  	[dreg:$0x1] =	wrdreg $0xFFFFFFFF  }
0xc3: {  	_ =	task.clear_ibuf [dreg:s8], $0x2FFFF;
	_ =	strace $0x9FFFFFFF  }
0xc4: {  	(tm) =	ssettm $0x7FFFFFFF  }
0xc5: {  	_ =	shalt  }
tec
execute0_lowered:
.L_overlay_start_1:
0x0: {  	(tag) =	ssettag $0x1  }
0x1: {  	s5 =	rddreg [dreg:$0x0]  }
0x2: {  	s6 =	rddreg [dreg:$0x1]  }
0x3: {  	s2 =	rddreg [dreg:$0x2]  }
0x4: {  	s0 =	rddreg [dreg:$0x3]  }
0x5: {  	s4 =	srdreg.scid;
	s1 =	stileid.u32  }
0x6: {  	s3 =	simm.s32 $0x0;
	s11 =	simm.s32 $0x100;
	s12 =	simm.s32 $0x6400  }
0x7: {  	s13 =	simm.s32 $0xA400;
	s14 =	simm.s32 $0x1;
	s15 =	simm.s32 $0xE400  }
0x8: {  	s16 =	simm.s32 $0x2;
	s17 =	simm.s32 $0x0;
	s4 =	sand.u32 $0x1, s4  }
0x9: {  	s7 =	sshll.u32 s1, $0x1;
	[smem:$0x7FF] =	sst s3;
	s8 =	ssub.s32 $0x2, s4  }
0xa: {  	s7 =	sor.u32 s4, s7;
	_ =	strace $0x8000004A;
	s4 =	sadd.s32 $0x709600, s5  }
0xb: {  	s5 =	sadd.s32 $0x1600, s5;
	s9 =	sshrl.u32 s8, $0x1;
	s10 =	smul.u32 $0xC80, s7  }
0xc: {  	s7 =	smul.u32 $0x19000, s7;
	s8 =	ssub.s32 s8, s9;
	s9 =	simm.s32 $0x3  }
0xd: {  	s6 =	sadd.s32 s6, s10;
	s8 =	smax.u32 s8, $0x1;
	s10 =	simm.s32 $0xE800  }
.LBB2_1:
0xe: {  	[tilespmem:s3], [sflag:$0x3] =	stream.linear.gather [hbm4b:s6+s3], $0x6400, $0x38;
	[tilespmem:$0xE840] =	vst v63  }
0xf: {  	_ =	swait.ge [sflag:s9], $0x6400  }
0x10: {  	[sflag:s9] =	ssyncset.done $0x0  }
0x11: {  	[sflag:s9] =	ssyncadd.s32 $0xFFFF9C00  }
0x12: {  	[tilespmem:s10], [sflag:$0x3] =	stream.linear.gather [hbm4b:s2+s3], $0x40, $0x38;
	[tilespmem:$0xE840] =	vst v63  }
0x13: {  	_ =	swait.ge [sflag:s9], $0x40  }
0x14: {  	[sflag:s9] =	ssyncset.done $0x0  }
0x15: {  	[sflag:s9] =	ssyncadd.s32 $0xFFFFFFC0  }
0x16: {  	v0 =	vld [tilespmem:$0xE800]  }
0x17: {  	v1 =	vld [tilespmem:$0xE810]  }
0x18: {  	s18 =	simm.s32 $0x0;
	v2 =	vld [tilespmem:$0xE820]  }
0x19: {  	v3 =	vld [tilespmem:$0xE830];
	[tilespmem:s12], [sflag:$0x1] =	stream.indirect.gather [hbm4b:s4+s11], $0x40, s3, s11, $0xb8  }
.LBB2_2:
0x1a: {  	s20 =	sshll.u32 s18, $0xB  }
0x1b: {  	s19 =	sor.u32 $0x400, s20  }
0x1c: {  	s21 =	sshrl.u32 s19, $0x2  }
0x1d: {  	[tilespmem:s13], [sflag:$0x2] =	stream.indirect.gather [hbm4b:s4+s11], $0x40, s21, s11, $0xb8;
	[tilespmem:$0xE840] =	vst v63  }
0x1e: {  	_ =	swait.ge [sflag:s14], $0x4000  }
0x1f: {  	[sflag:s14] =	ssyncset.done $0x0  }
0x20: {  	s21 =	simm.s32 $0x6600;
	[sflag:s14] =	ssyncadd.s32 $0xFFFFC000  }
0x21: {  	v4 =	vld [tilespmem:s21+$0xFFFFFE40]  }
0x22: {  	v5 =	vld [tilespmem:s21+$0xFFFFFE00];
	_ =	sdelay $0x1  }
0x23: {  	v6 =	vld [tilespmem:s21+$0xFFFFFE80];
	_ =	sdelay $0x1  }
0x24: {  	v7 =	vld [tilespmem:s21+$0xFFFFFEC0]  }
0x25: {  	v4 =	vadd.f32 v4, v5  }
0x26: {  	v5 =	vld [tilespmem:s21+$0xFFFFFF00]  }
0x27: {  	v4 =	vadd.f32 v6, v4  }
0x28: {  	v6 =	vld [tilespmem:s21+$0xFFFFFF40]  }
0x29: {  	v4 =	vadd.f32 v7, v4  }
0x2a: {  	v7 =	vld [tilespmem:s21+$0xFFFFFF80]  }
0x2b: {  	v4 =	vadd.f32 v5, v4  }
0x2c: {  	v5 =	vld [tilespmem:s21+$0xFFFFFFC0]  }
0x2d: {  	v4 =	vadd.f32 v6, v4  }
0x2e: {  	v6 =	vld [tilespmem:s21+$0x0]  }
0x2f: {  	v4 =	vadd.f32 v7, v4  }
0x30: {  	v7 =	vld [tilespmem:s21+$0x40]  }
0x31: {  	v4 =	vadd.f32 v5, v4  }
0x32: {  	v5 =	vld [tilespmem:s21+$0x80]  }
0x33: {  	v4 =	vadd.f32 v6, v4  }
0x34: {  	v6 =	vld [tilespmem:s21+$0xC0]  }
0x35: {  	v4 =	vadd.f32 v7, v4  }
0x36: {  	v7 =	vld [tilespmem:s21+$0x100]  }
0x37: {  	v4 =	vadd.f32 v5, v4  }
0x38: {  	v5 =	vld [tilespmem:s21+$0x140]  }
0x39: {  	v4 =	vadd.f32 v6, v4  }
0x3a: {  	v6 =	vld [tilespmem:s21+$0x180]  }
0x3b: {  	v4 =	vadd.f32 v7, v4  }
0x3c: {  	v7 =	vld [tilespmem:s21+$0x1C0]  }
0x3d: {  	v4 =	vadd.f32 v5, v4;
	_ =	sdelay $0x1  }
0x3e: {  	v4 =	vadd.f32 v6, v4;
	_ =	sdelay $0x1  }
0x3f: {  	v4 =	vadd.f32 v7, v4;
	_ =	sdelay $0x1  }
0x40: {  	v4 =	vadd.f32 v4, v0;
	_ =	sdelay $0x1  }
0x41: {  	v5 =	vmin.f32 v4, $0.0e+00  }
0x42: {  	v5 =	vmul.f32 $1.442695020e+00, v5;
	_ =	sdelay $0x1  }
0x43: {  	(erf) = vpow2.f32 v5;
	_ =	sdelay $0x8  }
0x44: {  	v5 =	vpop (erf)  }
0x45: {  	v5 =	vadd.f32 $-1.000000000e+00, v5  }
0x46: {  	vm0 =	vgt.f32 v4, $0.0e+00  }
0x47: {  	s22 =	simm.s32 $0x0;
	v4 =	vsel vm0, v4, v5  }
0x48: {  	[tilespmem:s22+$0xE400] =	vst v4  }
0x49: {  	v4 =	vld [tilespmem:s21+$0xFFFFFE10]  }
0x4a: {  	v5 =	vld [tilespmem:s21+$0xFFFFFE50];
	_ =	sdelay $0x1  }
0x4b: {  	v6 =	vld [tilespmem:s21+$0xFFFFFE90];
	_ =	sdelay $0x1  }
0x4c: {  	v7 =	vld [tilespmem:s21+$0xFFFFFED0]  }
0x4d: {  	v4 =	vadd.f32 v5, v4  }
0x4e: {  	v5 =	vld [tilespmem:s21+$0xFFFFFF10]  }
0x4f: {  	v4 =	vadd.f32 v6, v4  }
0x50: {  	v6 =	vld [tilespmem:s21+$0xFFFFFF50]  }
0x51: {  	v4 =	vadd.f32 v7, v4  }
0x52: {  	v7 =	vld [tilespmem:s21+$0xFFFFFF90]  }
0x53: {  	v4 =	vadd.f32 v5, v4  }
0x54: {  	v5 =	vld [tilespmem:s21+$0xFFFFFFD0]  }
0x55: {  	v4 =	vadd.f32 v6, v4  }
0x56: {  	v6 =	vld [tilespmem:s21+$0x10]  }
0x57: {  	v4 =	vadd.f32 v7, v4  }
0x58: {  	v7 =	vld [tilespmem:s21+$0x50]  }
0x59: {  	v4 =	vadd.f32 v5, v4  }
0x5a: {  	v5 =	vld [tilespmem:s21+$0x90]  }
0x5b: {  	v4 =	vadd.f32 v6, v4  }
0x5c: {  	v6 =	vld [tilespmem:s21+$0xD0]  }
0x5d: {  	v4 =	vadd.f32 v7, v4  }
0x5e: {  	v7 =	vld [tilespmem:s21+$0x110]  }
0x5f: {  	v4 =	vadd.f32 v5, v4  }
0x60: {  	v5 =	vld [tilespmem:s21+$0x150]  }
0x61: {  	v4 =	vadd.f32 v6, v4  }
0x62: {  	v6 =	vld [tilespmem:s21+$0x190]  }
0x63: {  	v4 =	vadd.f32 v7, v4  }
0x64: {  	v7 =	vld [tilespmem:s21+$0x1D0]  }
0x65: {  	v4 =	vadd.f32 v5, v4;
	_ =	sdelay $0x1  }
0x66: {  	v4 =	vadd.f32 v6, v4;
	_ =	sdelay $0x1  }
0x67: {  	v4 =	vadd.f32 v7, v4;
	_ =	sdelay $0x1  }
0x68: {  	v4 =	vadd.f32 v4, v1;
	_ =	sdelay $0x1  }
0x69: {  	v5 =	vmin.f32 v4, $0.0e+00  }
0x6a: {  	v5 =	vmul.f32 $1.442695020e+00, v5;
	_ =	sdelay $0x1  }
0x6b: {  	(erf) = vpow2.f32 v5;
	_ =	sdelay $0x8  }
0x6c: {  	v5 =	vpop (erf)  }
0x6d: {  	v5 =	vadd.f32 $-1.000000000e+00, v5  }
0x6e: {  	vm14 =	vgt.f32 v4, $0.0e+00  }
0x6f: {  	v4 =	vsel vm14, v4, v5  }
0x70: {  	[tilespmem:s22+$0xE410] =	vst v4  }
0x71: {  	v4 =	vld [tilespmem:s21+$0xFFFFFE20]  }
0x72: {  	v5 =	vld [tilespmem:s21+$0xFFFFFE60];
	_ =	sdelay $0x1  }
0x73: {  	v6 =	vld [tilespmem:s21+$0xFFFFFEA0];
	_ =	sdelay $0x1  }
0x74: {  	v7 =	vld [tilespmem:s21+$0xFFFFFEE0]  }
0x75: {  	v4 =	vadd.f32 v5, v4  }
0x76: {  	v5 =	vld [tilespmem:s21+$0xFFFFFF20]  }
0x77: {  	v4 =	vadd.f32 v6, v4  }
0x78: {  	v6 =	vld [tilespmem:s21+$0xFFFFFF60]  }
0x79: {  	v4 =	vadd.f32 v7, v4  }
0x7a: {  	v7 =	vld [tilespmem:s21+$0xFFFFFFA0]  }
0x7b: {  	v4 =	vadd.f32 v5, v4  }
0x7c: {  	v5 =	vld [tilespmem:s21+$0xFFFFFFE0]  }
0x7d: {  	v4 =	vadd.f32 v6, v4  }
0x7e: {  	v6 =	vld [tilespmem:s21+$0x20]  }
0x7f: {  	v4 =	vadd.f32 v7, v4  }
0x80: {  	v7 =	vld [tilespmem:s21+$0x60]  }
0x81: {  	v4 =	vadd.f32 v5, v4  }
0x82: {  	v5 =	vld [tilespmem:s21+$0xA0]  }
0x83: {  	v4 =	vadd.f32 v6, v4  }
0x84: {  	v6 =	vld [tilespmem:s21+$0xE0]  }
0x85: {  	v4 =	vadd.f32 v7, v4  }
0x86: {  	v7 =	vld [tilespmem:s21+$0x120]  }
0x87: {  	v4 =	vadd.f32 v5, v4  }
0x88: {  	v5 =	vld [tilespmem:s21+$0x160]  }
0x89: {  	v4 =	vadd.f32 v6, v4  }
0x8a: {  	v6 =	vld [tilespmem:s21+$0x1A0]  }
0x8b: {  	v4 =	vadd.f32 v7, v4  }
0x8c: {  	v7 =	vld [tilespmem:s21+$0x1E0]  }
0x8d: {  	v4 =	vadd.f32 v5, v4;
	_ =	sdelay $0x1  }
0x8e: {  	v4 =	vadd.f32 v6, v4;
	_ =	sdelay $0x1  }
0x8f: {  	v4 =	vadd.f32 v7, v4;
	_ =	sdelay $0x1  }
0x90: {  	v4 =	vadd.f32 v4, v2;
	_ =	sdelay $0x1  }
0x91: {  	v5 =	vmin.f32 v4, $0.0e+00  }
0x92: {  	v5 =	vmul.f32 $1.442695020e+00, v5;
	_ =	sdelay $0x1  }
0x93: {  	(erf) = vpow2.f32 v5;
	_ =	sdelay $0x8  }
0x94: {  	v5 =	vpop (erf)  }
0x95: {  	v5 =	vadd.f32 $-1.000000000e+00, v5  }
0x96: {  	vm15 =	vgt.f32 v4, $0.0e+00  }
0x97: {  	v4 =	vsel vm15, v4, v5  }
0x98: {  	[tilespmem:s22+$0xE420] =	vst v4  }
0x99: {  	v4 =	vld [tilespmem:s21+$0xFFFFFE30]  }
0x9a: {  	v5 =	vld [tilespmem:s21+$0xFFFFFE70];
	_ =	sdelay $0x1  }
0x9b: {  	v6 =	vld [tilespmem:s21+$0xFFFFFEB0];
	_ =	sdelay $0x1  }
0x9c: {  	v7 =	vld [tilespmem:s21+$0xFFFFFEF0]  }
0x9d: {  	v4 =	vadd.f32 v5, v4  }
0x9e: {  	v5 =	vld [tilespmem:s21+$0xFFFFFF30]  }
0x9f: {  	v4 =	vadd.f32 v6, v4  }
0xa0: {  	v6 =	vld [tilespmem:s21+$0xFFFFFF70]  }
0xa1: {  	v4 =	vadd.f32 v7, v4  }
0xa2: {  	v7 =	vld [tilespmem:s21+$0xFFFFFFB0]  }
0xa3: {  	v4 =	vadd.f32 v5, v4  }
0xa4: {  	v5 =	vld [tilespmem:s21+$0xFFFFFFF0]  }
0xa5: {  	v4 =	vadd.f32 v6, v4  }
0xa6: {  	v6 =	vld [tilespmem:s21+$0x30]  }
0xa7: {  	v4 =	vadd.f32 v7, v4  }
0xa8: {  	v7 =	vld [tilespmem:s21+$0x70]  }
0xa9: {  	v4 =	vadd.f32 v5, v4  }
0xaa: {  	v5 =	vld [tilespmem:s21+$0xB0]  }
0xab: {  	v4 =	vadd.f32 v6, v4  }
0xac: {  	v6 =	vld [tilespmem:s21+$0xF0]  }
0xad: {  	v4 =	vadd.f32 v7, v4  }
0xae: {  	v7 =	vld [tilespmem:s21+$0x130]  }
0xaf: {  	v4 =	vadd.f32 v5, v4  }
0xb0: {  	v5 =	vld [tilespmem:s21+$0x170]  }
0xb1: {  	v4 =	vadd.f32 v6, v4  }
0xb2: {  	v6 =	vld [tilespmem:s21+$0x1B0]  }
0xb3: {  	v4 =	vadd.f32 v7, v4  }
0xb4: {  	v7 =	vld [tilespmem:s21+$0x1F0]  }
0xb5: {  	v4 =	vadd.f32 v5, v4;
	_ =	sdelay $0x1  }
0xb6: {  	v4 =	vadd.f32 v6, v4;
	_ =	sdelay $0x1  }
0xb7: {  	v4 =	vadd.f32 v7, v4;
	_ =	sdelay $0x1  }
0xb8: {  	v4 =	vadd.f32 v4, v3;
	_ =	sdelay $0x1  }
0xb9: {  	v5 =	vmin.f32 v4, $0.0e+00  }
0xba: {  	v5 =	vmul.f32 $1.442695020e+00, v5;
	_ =	sdelay $0x1  }
0xbb: {  	s23 =	simm.s32 $0x100;
	(erf) = vpow2.f32 v5  }
.LBB2_3:
0xbc: {  	_ =	sdelay $0x6  }
0xbd: {  	p0 =	sne.s32 s23, $0xF00  }
0xbe: {  	s21 =	sadd.s32 $0x400, s21;
	s24 =	smov.u32 s23;
	s23 =	sadd.s32 $0x100, s23;
	v5 =	vpop (erf)  }
0xbf: {  	vm0 =	vgt.f32 v4, $0.0e+00;
	v5 =	vadd.f32 $-1.000000000e+00, v5;
	_ =	sdelay $0x1  }
0xc0: {  	v4 =	vsel vm0, v4, v5  }
0xc1: {  	[tilespmem:s22+$0xE430] =	vst v4  }
0xc2: {  	v4 =	vld [tilespmem:s21+$0xFFFFFE40]  }
0xc3: {  	v5 =	vld [tilespmem:s21+$0xFFFFFE00];
	_ =	sdelay $0x1  }
0xc4: {  	v6 =	vld [tilespmem:s21+$0xFFFFFE80];
	_ =	sdelay $0x1  }
0xc5: {  	v7 =	vld [tilespmem:s21+$0xFFFFFEC0]  }
0xc6: {  	v4 =	vadd.f32 v4, v5  }
0xc7: {  	v5 =	vld [tilespmem:s21+$0xFFFFFF00]  }
0xc8: {  	v4 =	vadd.f32 v6, v4  }
0xc9: {  	v6 =	vld [tilespmem:s21+$0xFFFFFF40]  }
0xca: {  	v4 =	vadd.f32 v7, v4  }
0xcb: {  	v7 =	vld [tilespmem:s21+$0xFFFFFF80]  }
0xcc: {  	v4 =	vadd.f32 v5, v4  }
0xcd: {  	v5 =	vld [tilespmem:s21+$0xFFFFFFC0]  }
0xce: {  	v4 =	vadd.f32 v6, v4  }
0xcf: {  	v6 =	vld [tilespmem:s21+$0x0]  }
0xd0: {  	v4 =	vadd.f32 v7, v4  }
0xd1: {  	v7 =	vld [tilespmem:s21+$0x40]  }
0xd2: {  	v4 =	vadd.f32 v5, v4  }
0xd3: {  	v5 =	vld [tilespmem:s21+$0x80]  }
0xd4: {  	v4 =	vadd.f32 v6, v4  }
0xd5: {  	v6 =	vld [tilespmem:s21+$0xC0]  }
0xd6: {  	v4 =	vadd.f32 v7, v4  }
0xd7: {  	v7 =	vld [tilespmem:s21+$0x100]  }
0xd8: {  	v4 =	vadd.f32 v5, v4  }
0xd9: {  	v5 =	vld [tilespmem:s21+$0x140]  }
0xda: {  	v4 =	vadd.f32 v6, v4  }
0xdb: {  	v6 =	vld [tilespmem:s21+$0x180]  }
0xdc: {  	v4 =	vadd.f32 v7, v4  }
0xdd: {  	v7 =	vld [tilespmem:s21+$0x1C0]  }
0xde: {  	v4 =	vadd.f32 v5, v4;
	_ =	sdelay $0x1  }
0xdf: {  	v4 =	vadd.f32 v6, v4;
	_ =	sdelay $0x1  }
0xe0: {  	v4 =	vadd.f32 v7, v4;
	_ =	sdelay $0x1  }
0xe1: {  	v4 =	vadd.f32 v4, v0;
	_ =	sdelay $0x1  }
0xe2: {  	v5 =	vmin.f32 v4, $0.0e+00  }
0xe3: {  	v5 =	vmul.f32 $1.442695020e+00, v5;
	_ =	sdelay $0x1  }
0xe4: {  	(erf) = vpow2.f32 v5;
	_ =	sdelay $0x8  }
0xe5: {  	v5 =	vpop (erf)  }
0xe6: {  	v5 =	vadd.f32 $-1.000000000e+00, v5  }
0xe7: {  	vm0 =	vgt.f32 v4, $0.0e+00  }
0xe8: {  	s22 =	sshra.s32 s24, $0x2;
	v4 =	vsel vm0, v4, v5  }
0xe9: {  	[tilespmem:s22+$0xE400] =	vst v4  }
0xea: {  	v4 =	vld [tilespmem:s21+$0xFFFFFE10]  }
0xeb: {  	v5 =	vld [tilespmem:s21+$0xFFFFFE50];
	_ =	sdelay $0x1  }
0xec: {  	v6 =	vld [tilespmem:s21+$0xFFFFFE90];
	_ =	sdelay $0x1  }
0xed: {  	v7 =	vld [tilespmem:s21+$0xFFFFFED0]  }
0xee: {  	v4 =	vadd.f32 v5, v4  }
0xef: {  	v5 =	vld [tilespmem:s21+$0xFFFFFF10]  }
0xf0: {  	v4 =	vadd.f32 v6, v4  }
0xf1: {  	v6 =	vld [tilespmem:s21+$0xFFFFFF50]  }
0xf2: {  	v4 =	vadd.f32 v7, v4  }
0xf3: {  	v7 =	vld [tilespmem:s21+$0xFFFFFF90]  }
0xf4: {  	v4 =	vadd.f32 v5, v4  }
0xf5: {  	v5 =	vld [tilespmem:s21+$0xFFFFFFD0]  }
0xf6: {  	v4 =	vadd.f32 v6, v4  }
0xf7: {  	v6 =	vld [tilespmem:s21+$0x10]  }
0xf8: {  	v4 =	vadd.f32 v7, v4  }
0xf9: {  	v7 =	vld [tilespmem:s21+$0x50]  }
0xfa: {  	v4 =	vadd.f32 v5, v4  }
0xfb: {  	v5 =	vld [tilespmem:s21+$0x90]  }
0xfc: {  	v4 =	vadd.f32 v6, v4  }
0xfd: {  	v6 =	vld [tilespmem:s21+$0xD0]  }
0xfe: {  	v4 =	vadd.f32 v7, v4  }
0xff: {  	v7 =	vld [tilespmem:s21+$0x110]  }
0x100: {  	v4 =	vadd.f32 v5, v4  }
0x101: {  	v5 =	vld [tilespmem:s21+$0x150]  }
0x102: {  	v4 =	vadd.f32 v6, v4  }
0x103: {  	v6 =	vld [tilespmem:s21+$0x190]  }
0x104: {  	v4 =	vadd.f32 v7, v4  }
0x105: {  	v7 =	vld [tilespmem:s21+$0x1D0]  }
0x106: {  	v4 =	vadd.f32 v5, v4;
	_ =	sdelay $0x1  }
0x107: {  	v4 =	vadd.f32 v6, v4;
	_ =	sdelay $0x1  }
0x108: {  	v4 =	vadd.f32 v7, v4;
	_ =	sdelay $0x1  }
0x109: {  	v4 =	vadd.f32 v4, v1;
	_ =	sdelay $0x1  }
0x10a: {  	v5 =	vmin.f32 v4, $0.0e+00  }
0x10b: {  	v5 =	vmul.f32 $1.442695020e+00, v5;
	_ =	sdelay $0x1  }
0x10c: {  	(erf) = vpow2.f32 v5;
	_ =	sdelay $0x8  }
0x10d: {  	v5 =	vpop (erf)  }
0x10e: {  	v5 =	vadd.f32 $-1.000000000e+00, v5  }
0x10f: {  	vm0 =	vgt.f32 v4, $0.0e+00  }
0x110: {  	v4 =	vsel vm0, v4, v5  }
0x111: {  	[tilespmem:s22+$0xE410] =	vst v4  }
0x112: {  	v4 =	vld [tilespmem:s21+$0xFFFFFE20]  }
0x113: {  	v5 =	vld [tilespmem:s21+$0xFFFFFE60];
	_ =	sdelay $0x1  }
0x114: {  	v6 =	vld [tilespmem:s21+$0xFFFFFEA0];
	_ =	sdelay $0x1  }
0x115: {  	v7 =	vld [tilespmem:s21+$0xFFFFFEE0]  }
0x116: {  	v4 =	vadd.f32 v5, v4  }
0x117: {  	v5 =	vld [tilespmem:s21+$0xFFFFFF20]  }
0x118: {  	v4 =	vadd.f32 v6, v4  }
0x119: {  	v6 =	vld [tilespmem:s21+$0xFFFFFF60]  }
0x11a: {  	v4 =	vadd.f32 v7, v4  }
0x11b: {  	v7 =	vld [tilespmem:s21+$0xFFFFFFA0]  }
0x11c: {  	v4 =	vadd.f32 v5, v4  }
0x11d: {  	v5 =	vld [tilespmem:s21+$0xFFFFFFE0]  }
0x11e: {  	v4 =	vadd.f32 v6, v4  }
0x11f: {  	v6 =	vld [tilespmem:s21+$0x20]  }
0x120: {  	v4 =	vadd.f32 v7, v4  }
0x121: {  	v7 =	vld [tilespmem:s21+$0x60]  }
0x122: {  	v4 =	vadd.f32 v5, v4  }
0x123: {  	v5 =	vld [tilespmem:s21+$0xA0]  }
0x124: {  	v4 =	vadd.f32 v6, v4  }
0x125: {  	v6 =	vld [tilespmem:s21+$0xE0]  }
0x126: {  	v4 =	vadd.f32 v7, v4  }
0x127: {  	v7 =	vld [tilespmem:s21+$0x120]  }
0x128: {  	v4 =	vadd.f32 v5, v4  }
0x129: {  	v5 =	vld [tilespmem:s21+$0x160]  }
0x12a: {  	v4 =	vadd.f32 v6, v4  }
0x12b: {  	v6 =	vld [tilespmem:s21+$0x1A0]  }
0x12c: {  	v4 =	vadd.f32 v7, v4  }
0x12d: {  	v7 =	vld [tilespmem:s21+$0x1E0]  }
0x12e: {  	v4 =	vadd.f32 v5, v4;
	_ =	sdelay $0x1  }
0x12f: {  	v4 =	vadd.f32 v6, v4;
	_ =	sdelay $0x1  }
0x130: {  	v4 =	vadd.f32 v7, v4;
	_ =	sdelay $0x1  }
0x131: {  	v4 =	vadd.f32 v4, v2;
	_ =	sdelay $0x1  }
0x132: {  	v5 =	vmin.f32 v4, $0.0e+00  }
0x133: {  	v5 =	vmul.f32 $1.442695020e+00, v5;
	_ =	sdelay $0x1  }
0x134: {  	(erf) = vpow2.f32 v5;
	_ =	sdelay $0x8  }
0x135: {  	v5 =	vpop (erf)  }
0x136: {  	v5 =	vadd.f32 $-1.000000000e+00, v5  }
0x137: {  	vm0 =	vgt.f32 v4, $0.0e+00  }
0x138: {  	v4 =	vsel vm0, v4, v5  }
0x139: {  	[tilespmem:s22+$0xE420] =	vst v4  }
0x13a: {  	v4 =	vld [tilespmem:s21+$0xFFFFFE30]  }
0x13b: {  	v5 =	vld [tilespmem:s21+$0xFFFFFE70]  }
0x13c: {  	v6 =	vld [tilespmem:s21+$0xFFFFFEB0]  }
0x13d: {  	v7 =	vld [tilespmem:s21+$0xFFFFFEF0]  }
0x13e: {  	v8 =	vld [tilespmem:s21+$0xFFFFFF30]  }
0x13f: {  	v9 =	vld [tilespmem:s21+$0xFFFFFF70]  }
0x140: {  	v4 =	vadd.f32 v5, v4;
	v5 =	vld [tilespmem:s21+$0xFFFFFFB0]  }
0x141: {  	v10 =	vld [tilespmem:s21+$0xFFFFFFF0]  }
0x142: {  	v4 =	vadd.f32 v6, v4;
	v6 =	vld [tilespmem:s21+$0x30]  }
0x143: {  	v11 =	vld [tilespmem:s21+$0x70]  }
0x144: {  	v4 =	vadd.f32 v7, v4;
	v7 =	vld [tilespmem:s21+$0xB0]  }
0x145: {  	v12 =	vld [tilespmem:s21+$0xF0]  }
0x146: {  	v4 =	vadd.f32 v8, v4;
	v8 =	vld [tilespmem:s21+$0x130]  }
0x147: {  	v13 =	vld [tilespmem:s21+$0x170]  }
0x148: {  	v4 =	vadd.f32 v9, v4;
	v9 =	vld [tilespmem:s21+$0x1B0]  }
0x149: {  	v14 =	vld [tilespmem:s21+$0x1F0]  }
0x14a: {  	v4 =	vadd.f32 v5, v4;
	_ =	sdelay $0x1  }
0x14b: {  	v4 =	vadd.f32 v10, v4;
	_ =	sdelay $0x1  }
0x14c: {  	v4 =	vadd.f32 v6, v4;
	_ =	sdelay $0x1  }
0x14d: {  	v4 =	vadd.f32 v11, v4;
	_ =	sdelay $0x1  }
0x14e: {  	v4 =	vadd.f32 v7, v4;
	_ =	sdelay $0x1  }
0x14f: {  	v4 =	vadd.f32 v12, v4;
	_ =	sdelay $0x1  }
0x150: {  	v4 =	vadd.f32 v8, v4;
	_ =	sdelay $0x1  }
0x151: {  	v4 =	vadd.f32 v13, v4;
	_ =	sdelay $0x1  }
0x152: {  	v4 =	vadd.f32 v9, v4;
	_ =	sdelay $0x1  }
0x153: {  	v4 =	vadd.f32 v14, v4;
	_ =	sdelay $0x1  }
0x154: {  	v4 =	vadd.f32 v4, v3  }
.Ltmp0:
0x155: {  	(pc) =	sbr.rel @p0 .LBB2_3-.Ltmp0, $3  }
0x156: {  	v5 =	vmin.f32 v4, $0.0e+00  }
0x157: {  	v5 =	vmul.f32 $1.442695020e+00, v5;
	_ =	sdelay $0x1  }
0x158: {  	(erf) = vpow2.f32 v5  }
0x159: {  	_ =	sdelay $0x7  }
0x15a: {  	v5 =	vpop (erf)  }
0x15b: {  	v5 =	vadd.f32 $-1.000000000e+00, v5  }
0x15c: {  	vm0 =	vgt.f32 v4, $0.0e+00;
	s20 =	sadd.s32 s7, s20  }
0x15d: {  	s20 =	sshrl.u32 s20, $0x3;
	v4 =	vsel vm0, v4, v5  }
0x15e: {  	s21 =	sshll.u32 s18, $0x1;
	s30 =	simm.s32 $0x0;
	s20 =	sadd.s32 s5, s20;
	[tilespmem:s22+$0xE430] =	vst v4  }
0x15f: {  	[hbm4b:s20+s30] =	stream.linear.scatter [tilespmem:s15], [sflag:$0x3], $0x400, $0x38;
	[tilespmem:$0xE840] =	vst v63  }
0x160: {  	s31 =	smin.u32 s21, $0x61;
	_ =	swait.ge [sflag:s9], $0x400  }
0x161: {  	s20 =	sshll.u32 s31, $0x8;
	[sflag:s9] =	ssyncset.done $0x0  }
0x162: {  	s20 =	sadd.s32 $0x200, s20;
	[sflag:s9] =	ssyncadd.s32 $0xFFFFFC00  }
0x163: {  	[tilespmem:s12], [sflag:$0x1] =	stream.indirect.gather [hbm4b:s4+s11], $0x40, s20, s11, $0xb8;
	[tilespmem:$0xE840] =	vst v63  }
0x164: {  	_ =	swait.ge [sflag:s16], $0x4000  }
0x165: {  	[sflag:s16] =	ssyncset.done $0x0  }
0x166: {  	s20 =	simm.s32 $0xA600;
	[sflag:s16] =	ssyncadd.s32 $0xFFFFC000  }
0x167: {  	v4 =	vld [tilespmem:s20+$0xFFFFFE40]  }
0x168: {  	v5 =	vld [tilespmem:s20+$0xFFFFFE00];
	_ =	sdelay $0x1  }
0x169: {  	v6 =	vld [tilespmem:s20+$0xFFFFFE80];
	_ =	sdelay $0x1  }
0x16a: {  	v7 =	vld [tilespmem:s20+$0xFFFFFEC0]  }
0x16b: {  	v4 =	vadd.f32 v4, v5  }
0x16c: {  	v5 =	vld [tilespmem:s20+$0xFFFFFF00]  }
0x16d: {  	v4 =	vadd.f32 v6, v4  }
0x16e: {  	v6 =	vld [tilespmem:s20+$0xFFFFFF40]  }
0x16f: {  	v4 =	vadd.f32 v7, v4  }
0x170: {  	v7 =	vld [tilespmem:s20+$0xFFFFFF80]  }
0x171: {  	v4 =	vadd.f32 v5, v4  }
0x172: {  	v5 =	vld [tilespmem:s20+$0xFFFFFFC0]  }
0x173: {  	v4 =	vadd.f32 v6, v4  }
0x174: {  	v6 =	vld [tilespmem:s20+$0x0]  }
0x175: {  	v4 =	vadd.f32 v7, v4  }
0x176: {  	v7 =	vld [tilespmem:s20+$0x40]  }
0x177: {  	v4 =	vadd.f32 v5, v4  }
0x178: {  	v5 =	vld [tilespmem:s20+$0x80]  }
0x179: {  	v4 =	vadd.f32 v6, v4  }
0x17a: {  	v6 =	vld [tilespmem:s20+$0xC0]  }
0x17b: {  	v4 =	vadd.f32 v7, v4  }
0x17c: {  	v7 =	vld [tilespmem:s20+$0x100]  }
0x17d: {  	v4 =	vadd.f32 v5, v4  }
0x17e: {  	v5 =	vld [tilespmem:s20+$0x140]  }
0x17f: {  	v4 =	vadd.f32 v6, v4  }
0x180: {  	v6 =	vld [tilespmem:s20+$0x180]  }
0x181: {  	v4 =	vadd.f32 v7, v4  }
0x182: {  	v7 =	vld [tilespmem:s20+$0x1C0]  }
0x183: {  	v4 =	vadd.f32 v5, v4;
	_ =	sdelay $0x1  }
0x184: {  	v4 =	vadd.f32 v6, v4;
	_ =	sdelay $0x1  }
0x185: {  	v4 =	vadd.f32 v7, v4;
	_ =	sdelay $0x1  }
0x186: {  	v4 =	vadd.f32 v4, v0;
	_ =	sdelay $0x1  }
0x187: {  	v5 =	vmin.f32 v4, $0.0e+00  }
0x188: {  	v5 =	vmul.f32 $1.442695020e+00, v5;
	_ =	sdelay $0x1  }
0x189: {  	(erf) = vpow2.f32 v5;
	_ =	sdelay $0x8  }
0x18a: {  	v5 =	vpop (erf)  }
0x18b: {  	v5 =	vadd.f32 $-1.000000000e+00, v5  }
0x18c: {  	vm13 =	vgt.f32 v4, $0.0e+00  }
0x18d: {  	s21 =	simm.s32 $0x0;
	v4 =	vsel vm13, v4, v5  }
0x18e: {  	[tilespmem:s21+$0xE400] =	vst v4  }
0x18f: {  	v4 =	vld [tilespmem:s20+$0xFFFFFE10]  }
0x190: {  	v5 =	vld [tilespmem:s20+$0xFFFFFE50];
	_ =	sdelay $0x1  }
0x191: {  	v6 =	vld [tilespmem:s20+$0xFFFFFE90];
	_ =	sdelay $0x1  }
0x192: {  	v7 =	vld [tilespmem:s20+$0xFFFFFED0]  }
0x193: {  	v4 =	vadd.f32 v5, v4  }
0x194: {  	v5 =	vld [tilespmem:s20+$0xFFFFFF10]  }
0x195: {  	v4 =	vadd.f32 v6, v4  }
0x196: {  	v6 =	vld [tilespmem:s20+$0xFFFFFF50]  }
0x197: {  	v4 =	vadd.f32 v7, v4  }
0x198: {  	v7 =	vld [tilespmem:s20+$0xFFFFFF90]  }
0x199: {  	v4 =	vadd.f32 v5, v4  }
0x19a: {  	v5 =	vld [tilespmem:s20+$0xFFFFFFD0]  }
0x19b: {  	v4 =	vadd.f32 v6, v4  }
0x19c: {  	v6 =	vld [tilespmem:s20+$0x10]  }
0x19d: {  	v4 =	vadd.f32 v7, v4  }
0x19e: {  	v7 =	vld [tilespmem:s20+$0x50]  }
0x19f: {  	v4 =	vadd.f32 v5, v4  }
0x1a0: {  	v5 =	vld [tilespmem:s20+$0x90]  }
0x1a1: {  	v4 =	vadd.f32 v6, v4  }
0x1a2: {  	v6 =	vld [tilespmem:s20+$0xD0]  }
0x1a3: {  	v4 =	vadd.f32 v7, v4  }
0x1a4: {  	v7 =	vld [tilespmem:s20+$0x110]  }
0x1a5: {  	v4 =	vadd.f32 v5, v4  }
0x1a6: {  	v5 =	vld [tilespmem:s20+$0x150]  }
0x1a7: {  	v4 =	vadd.f32 v6, v4  }
0x1a8: {  	v6 =	vld [tilespmem:s20+$0x190]  }
0x1a9: {  	v4 =	vadd.f32 v7, v4  }
0x1aa: {  	v7 =	vld [tilespmem:s20+$0x1D0]  }
0x1ab: {  	v4 =	vadd.f32 v5, v4;
	_ =	sdelay $0x1  }
0x1ac: {  	v4 =	vadd.f32 v6, v4;
	_ =	sdelay $0x1  }
0x1ad: {  	v4 =	vadd.f32 v7, v4;
	_ =	sdelay $0x1  }
0x1ae: {  	v4 =	vadd.f32 v4, v1;
	_ =	sdelay $0x1  }
0x1af: {  	v5 =	vmin.f32 v4, $0.0e+00  }
0x1b0: {  	v5 =	vmul.f32 $1.442695020e+00, v5;
	_ =	sdelay $0x1  }
0x1b1: {  	(erf) = vpow2.f32 v5;
	_ =	sdelay $0x8  }
0x1b2: {  	v5 =	vpop (erf)  }
0x1b3: {  	v5 =	vadd.f32 $-1.000000000e+00, v5  }
0x1b4: {  	vm14 =	vgt.f32 v4, $0.0e+00  }
0x1b5: {  	v4 =	vsel vm14, v4, v5  }
0x1b6: {  	[tilespmem:s21+$0xE410] =	vst v4  }
0x1b7: {  	v4 =	vld [tilespmem:s20+$0xFFFFFE20]  }
0x1b8: {  	v5 =	vld [tilespmem:s20+$0xFFFFFE60];
	_ =	sdelay $0x1  }
0x1b9: {  	v6 =	vld [tilespmem:s20+$0xFFFFFEA0];
	_ =	sdelay $0x1  }
0x1ba: {  	v7 =	vld [tilespmem:s20+$0xFFFFFEE0]  }
0x1bb: {  	v4 =	vadd.f32 v5, v4  }
0x1bc: {  	v5 =	vld [tilespmem:s20+$0xFFFFFF20]  }
0x1bd: {  	v4 =	vadd.f32 v6, v4  }
0x1be: {  	v6 =	vld [tilespmem:s20+$0xFFFFFF60]  }
0x1bf: {  	v4 =	vadd.f32 v7, v4  }
0x1c0: {  	v7 =	vld [tilespmem:s20+$0xFFFFFFA0]  }
0x1c1: {  	v4 =	vadd.f32 v5, v4  }
0x1c2: {  	v5 =	vld [tilespmem:s20+$0xFFFFFFE0]  }
0x1c3: {  	v4 =	vadd.f32 v6, v4  }
0x1c4: {  	v6 =	vld [tilespmem:s20+$0x20]  }
0x1c5: {  	v4 =	vadd.f32 v7, v4  }
0x1c6: {  	v7 =	vld [tilespmem:s20+$0x60]  }
0x1c7: {  	v4 =	vadd.f32 v5, v4  }
0x1c8: {  	v5 =	vld [tilespmem:s20+$0xA0]  }
0x1c9: {  	v4 =	vadd.f32 v6, v4  }
0x1ca: {  	v6 =	vld [tilespmem:s20+$0xE0]  }
0x1cb: {  	v4 =	vadd.f32 v7, v4  }
0x1cc: {  	v7 =	vld [tilespmem:s20+$0x120]  }
0x1cd: {  	v4 =	vadd.f32 v5, v4  }
0x1ce: {  	v5 =	vld [tilespmem:s20+$0x160]  }
0x1cf: {  	v4 =	vadd.f32 v6, v4  }
0x1d0: {  	v6 =	vld [tilespmem:s20+$0x1A0]  }
0x1d1: {  	v4 =	vadd.f32 v7, v4  }
0x1d2: {  	v7 =	vld [tilespmem:s20+$0x1E0]  }
0x1d3: {  	v4 =	vadd.f32 v5, v4;
	_ =	sdelay $0x1  }
0x1d4: {  	v4 =	vadd.f32 v6, v4;
	_ =	sdelay $0x1  }
0x1d5: {  	v4 =	vadd.f32 v7, v4;
	_ =	sdelay $0x1  }
0x1d6: {  	v4 =	vadd.f32 v4, v2;
	_ =	sdelay $0x1  }
0x1d7: {  	v5 =	vmin.f32 v4, $0.0e+00  }
0x1d8: {  	v5 =	vmul.f32 $1.442695020e+00, v5;
	_ =	sdelay $0x1  }
0x1d9: {  	(erf) = vpow2.f32 v5;
	_ =	sdelay $0x8  }
0x1da: {  	v5 =	vpop (erf)  }
0x1db: {  	v5 =	vadd.f32 $-1.000000000e+00, v5  }
0x1dc: {  	vm15 =	vgt.f32 v4, $0.0e+00  }
0x1dd: {  	v4 =	vsel vm15, v4, v5  }
0x1de: {  	[tilespmem:s21+$0xE420] =	vst v4  }
0x1df: {  	v4 =	vld [tilespmem:s20+$0xFFFFFE30]  }
0x1e0: {  	v5 =	vld [tilespmem:s20+$0xFFFFFE70];
	_ =	sdelay $0x1  }
0x1e1: {  	v6 =	vld [tilespmem:s20+$0xFFFFFEB0];
	_ =	sdelay $0x1  }
0x1e2: {  	v7 =	vld [tilespmem:s20+$0xFFFFFEF0]  }
0x1e3: {  	v4 =	vadd.f32 v5, v4  }
0x1e4: {  	v5 =	vld [tilespmem:s20+$0xFFFFFF30]  }
0x1e5: {  	v4 =	vadd.f32 v6, v4  }
0x1e6: {  	v6 =	vld [tilespmem:s20+$0xFFFFFF70]  }
0x1e7: {  	v4 =	vadd.f32 v7, v4  }
0x1e8: {  	v7 =	vld [tilespmem:s20+$0xFFFFFFB0]  }
0x1e9: {  	v4 =	vadd.f32 v5, v4  }
0x1ea: {  	v5 =	vld [tilespmem:s20+$0xFFFFFFF0]  }
0x1eb: {  	v4 =	vadd.f32 v6, v4  }
0x1ec: {  	v6 =	vld [tilespmem:s20+$0x30]  }
0x1ed: {  	v4 =	vadd.f32 v7, v4  }
0x1ee: {  	v7 =	vld [tilespmem:s20+$0x70]  }
0x1ef: {  	v4 =	vadd.f32 v5, v4  }
0x1f0: {  	v5 =	vld [tilespmem:s20+$0xB0]  }
0x1f1: {  	v4 =	vadd.f32 v6, v4  }
0x1f2: {  	v6 =	vld [tilespmem:s20+$0xF0]  }
0x1f3: {  	v4 =	vadd.f32 v7, v4  }
0x1f4: {  	v7 =	vld [tilespmem:s20+$0x130]  }
0x1f5: {  	v4 =	vadd.f32 v5, v4  }
0x1f6: {  	v5 =	vld [tilespmem:s20+$0x170]  }
0x1f7: {  	v4 =	vadd.f32 v6, v4  }
0x1f8: {  	v6 =	vld [tilespmem:s20+$0x1B0]  }
0x1f9: {  	v4 =	vadd.f32 v7, v4  }
0x1fa: {  	v7 =	vld [tilespmem:s20+$0x1F0]  }
0x1fb: {  	v4 =	vadd.f32 v5, v4;
	_ =	sdelay $0x1  }
0x1fc: {  	v4 =	vadd.f32 v6, v4;
	_ =	sdelay $0x1  }
0x1fd: {  	v4 =	vadd.f32 v7, v4;
	_ =	sdelay $0x1  }
0x1fe: {  	v4 =	vadd.f32 v4, v3;
	_ =	sdelay $0x1  }
0x1ff: {  	v5 =	vmin.f32 v4, $0.0e+00  }
0x200: {  	v5 =	vmul.f32 $1.442695020e+00, v5;
	_ =	sdelay $0x1  }
0x201: {  	s22 =	simm.s32 $0x100;
	(erf) = vpow2.f32 v5  }
.LBB2_5:
0x202: {  	_ =	sdelay $0x6  }
0x203: {  	p0 =	sne.s32 s22, $0xF00  }
0x204: {  	s20 =	sadd.s32 $0x400, s20;
	s23 =	smov.u32 s22;
	s22 =	sadd.s32 $0x100, s22;
	v5 =	vpop (erf)  }
0x205: {  	vm0 =	vgt.f32 v4, $0.0e+00;
	v5 =	vadd.f32 $-1.000000000e+00, v5;
	_ =	sdelay $0x1  }
0x206: {  	v4 =	vsel vm0, v4, v5  }
0x207: {  	[tilespmem:s21+$0xE430] =	vst v4  }
0x208: {  	v4 =	vld [tilespmem:s20+$0xFFFFFE40]  }
0x209: {  	v5 =	vld [tilespmem:s20+$0xFFFFFE00];
	_ =	sdelay $0x1  }
0x20a: {  	v6 =	vld [tilespmem:s20+$0xFFFFFE80];
	_ =	sdelay $0x1  }
0x20b: {  	v7 =	vld [tilespmem:s20+$0xFFFFFEC0]  }
0x20c: {  	v4 =	vadd.f32 v4, v5  }
0x20d: {  	v5 =	vld [tilespmem:s20+$0xFFFFFF00]  }
0x20e: {  	v4 =	vadd.f32 v6, v4  }
0x20f: {  	v6 =	vld [tilespmem:s20+$0xFFFFFF40]  }
0x210: {  	v4 =	vadd.f32 v7, v4  }
0x211: {  	v7 =	vld [tilespmem:s20+$0xFFFFFF80]  }
0x212: {  	v4 =	vadd.f32 v5, v4  }
0x213: {  	v5 =	vld [tilespmem:s20+$0xFFFFFFC0]  }
0x214: {  	v4 =	vadd.f32 v6, v4  }
0x215: {  	v6 =	vld [tilespmem:s20+$0x0]  }
0x216: {  	v4 =	vadd.f32 v7, v4  }
0x217: {  	v7 =	vld [tilespmem:s20+$0x40]  }
0x218: {  	v4 =	vadd.f32 v5, v4  }
0x219: {  	v5 =	vld [tilespmem:s20+$0x80]  }
0x21a: {  	v4 =	vadd.f32 v6, v4  }
0x21b: {  	v6 =	vld [tilespmem:s20+$0xC0]  }
0x21c: {  	v4 =	vadd.f32 v7, v4  }
0x21d: {  	v7 =	vld [tilespmem:s20+$0x100]  }
0x21e: {  	v4 =	vadd.f32 v5, v4  }
0x21f: {  	v5 =	vld [tilespmem:s20+$0x140]  }
0x220: {  	v4 =	vadd.f32 v6, v4  }
0x221: {  	v6 =	vld [tilespmem:s20+$0x180]  }
0x222: {  	v4 =	vadd.f32 v7, v4  }
0x223: {  	v7 =	vld [tilespmem:s20+$0x1C0]  }
0x224: {  	v4 =	vadd.f32 v5, v4;
	_ =	sdelay $0x1  }
0x225: {  	v4 =	vadd.f32 v6, v4;
	_ =	sdelay $0x1  }
0x226: {  	v4 =	vadd.f32 v7, v4;
	_ =	sdelay $0x1  }
0x227: {  	v4 =	vadd.f32 v4, v0;
	_ =	sdelay $0x1  }
0x228: {  	v5 =	vmin.f32 v4, $0.0e+00  }
0x229: {  	v5 =	vmul.f32 $1.442695020e+00, v5;
	_ =	sdelay $0x1  }
0x22a: {  	(erf) = vpow2.f32 v5;
	_ =	sdelay $0x8  }
0x22b: {  	v5 =	vpop (erf)  }
0x22c: {  	v5 =	vadd.f32 $-1.000000000e+00, v5  }
0x22d: {  	vm0 =	vgt.f32 v4, $0.0e+00  }
0x22e: {  	s21 =	sshra.s32 s23, $0x2;
	v4 =	vsel vm0, v4, v5  }
0x22f: {  	[tilespmem:s21+$0xE400] =	vst v4  }
0x230: {  	v4 =	vld [tilespmem:s20+$0xFFFFFE10]  }
0x231: {  	v5 =	vld [tilespmem:s20+$0xFFFFFE50];
	_ =	sdelay $0x1  }
0x232: {  	v6 =	vld [tilespmem:s20+$0xFFFFFE90];
	_ =	sdelay $0x1  }
0x233: {  	v7 =	vld [tilespmem:s20+$0xFFFFFED0]  }
0x234: {  	v4 =	vadd.f32 v5, v4  }
0x235: {  	v5 =	vld [tilespmem:s20+$0xFFFFFF10]  }
0x236: {  	v4 =	vadd.f32 v6, v4  }
0x237: {  	v6 =	vld [tilespmem:s20+$0xFFFFFF50]  }
0x238: {  	v4 =	vadd.f32 v7, v4  }
0x239: {  	v7 =	vld [tilespmem:s20+$0xFFFFFF90]  }
0x23a: {  	v4 =	vadd.f32 v5, v4  }
0x23b: {  	v5 =	vld [tilespmem:s20+$0xFFFFFFD0]  }
0x23c: {  	v4 =	vadd.f32 v6, v4  }
0x23d: {  	v6 =	vld [tilespmem:s20+$0x10]  }
0x23e: {  	v4 =	vadd.f32 v7, v4  }
0x23f: {  	v7 =	vld [tilespmem:s20+$0x50]  }
0x240: {  	v4 =	vadd.f32 v5, v4  }
0x241: {  	v5 =	vld [tilespmem:s20+$0x90]  }
0x242: {  	v4 =	vadd.f32 v6, v4  }
0x243: {  	v6 =	vld [tilespmem:s20+$0xD0]  }
0x244: {  	v4 =	vadd.f32 v7, v4  }
0x245: {  	v7 =	vld [tilespmem:s20+$0x110]  }
0x246: {  	v4 =	vadd.f32 v5, v4  }
0x247: {  	v5 =	vld [tilespmem:s20+$0x150]  }
0x248: {  	v4 =	vadd.f32 v6, v4  }
0x249: {  	v6 =	vld [tilespmem:s20+$0x190]  }
0x24a: {  	v4 =	vadd.f32 v7, v4  }
0x24b: {  	v7 =	vld [tilespmem:s20+$0x1D0]  }
0x24c: {  	v4 =	vadd.f32 v5, v4;
	_ =	sdelay $0x1  }
0x24d: {  	v4 =	vadd.f32 v6, v4;
	_ =	sdelay $0x1  }
0x24e: {  	v4 =	vadd.f32 v7, v4;
	_ =	sdelay $0x1  }
0x24f: {  	v4 =	vadd.f32 v4, v1;
	_ =	sdelay $0x1  }
0x250: {  	v5 =	vmin.f32 v4, $0.0e+00  }
0x251: {  	v5 =	vmul.f32 $1.442695020e+00, v5;
	_ =	sdelay $0x1  }
0x252: {  	(erf) = vpow2.f32 v5;
	_ =	sdelay $0x8  }
0x253: {  	v5 =	vpop (erf)  }
0x254: {  	v5 =	vadd.f32 $-1.000000000e+00, v5  }
0x255: {  	vm0 =	vgt.f32 v4, $0.0e+00  }
0x256: {  	v4 =	vsel vm0, v4, v5  }
0x257: {  	[tilespmem:s21+$0xE410] =	vst v4  }
0x258: {  	v4 =	vld [tilespmem:s20+$0xFFFFFE20]  }
0x259: {  	v5 =	vld [tilespmem:s20+$0xFFFFFE60];
	_ =	sdelay $0x1  }
0x25a: {  	v6 =	vld [tilespmem:s20+$0xFFFFFEA0];
	_ =	sdelay $0x1  }
0x25b: {  	v7 =	vld [tilespmem:s20+$0xFFFFFEE0]  }
0x25c: {  	v4 =	vadd.f32 v5, v4  }
0x25d: {  	v5 =	vld [tilespmem:s20+$0xFFFFFF20]  }
0x25e: {  	v4 =	vadd.f32 v6, v4  }
0x25f: {  	v6 =	vld [tilespmem:s20+$0xFFFFFF60]  }
0x260: {  	v4 =	vadd.f32 v7, v4  }
0x261: {  	v7 =	vld [tilespmem:s20+$0xFFFFFFA0]  }
0x262: {  	v4 =	vadd.f32 v5, v4  }
0x263: {  	v5 =	vld [tilespmem:s20+$0xFFFFFFE0]  }
0x264: {  	v4 =	vadd.f32 v6, v4  }
0x265: {  	v6 =	vld [tilespmem:s20+$0x20]  }
0x266: {  	v4 =	vadd.f32 v7, v4  }
0x267: {  	v7 =	vld [tilespmem:s20+$0x60]  }
0x268: {  	v4 =	vadd.f32 v5, v4  }
0x269: {  	v5 =	vld [tilespmem:s20+$0xA0]  }
0x26a: {  	v4 =	vadd.f32 v6, v4  }
0x26b: {  	v6 =	vld [tilespmem:s20+$0xE0]  }
0x26c: {  	v4 =	vadd.f32 v7, v4  }
0x26d: {  	v7 =	vld [tilespmem:s20+$0x120]  }
0x26e: {  	v4 =	vadd.f32 v5, v4  }
0x26f: {  	v5 =	vld [tilespmem:s20+$0x160]  }
0x270: {  	v4 =	vadd.f32 v6, v4  }
0x271: {  	v6 =	vld [tilespmem:s20+$0x1A0]  }
0x272: {  	v4 =	vadd.f32 v7, v4  }
0x273: {  	v7 =	vld [tilespmem:s20+$0x1E0]  }
0x274: {  	v4 =	vadd.f32 v5, v4;
	_ =	sdelay $0x1  }
0x275: {  	v4 =	vadd.f32 v6, v4;
	_ =	sdelay $0x1  }
0x276: {  	v4 =	vadd.f32 v7, v4;
	_ =	sdelay $0x1  }
0x277: {  	v4 =	vadd.f32 v4, v2;
	_ =	sdelay $0x1  }
0x278: {  	v5 =	vmin.f32 v4, $0.0e+00  }
0x279: {  	v5 =	vmul.f32 $1.442695020e+00, v5;
	_ =	sdelay $0x1  }
0x27a: {  	(erf) = vpow2.f32 v5;
	_ =	sdelay $0x8  }
0x27b: {  	v5 =	vpop (erf)  }
0x27c: {  	v5 =	vadd.f32 $-1.000000000e+00, v5  }
0x27d: {  	vm0 =	vgt.f32 v4, $0.0e+00  }
0x27e: {  	v4 =	vsel vm0, v4, v5  }
0x27f: {  	[tilespmem:s21+$0xE420] =	vst v4  }
0x280: {  	v4 =	vld [tilespmem:s20+$0xFFFFFE30]  }
0x281: {  	v5 =	vld [tilespmem:s20+$0xFFFFFE70]  }
0x282: {  	v6 =	vld [tilespmem:s20+$0xFFFFFEB0]  }
0x283: {  	v7 =	vld [tilespmem:s20+$0xFFFFFEF0]  }
0x284: {  	v8 =	vld [tilespmem:s20+$0xFFFFFF30]  }
0x285: {  	v9 =	vld [tilespmem:s20+$0xFFFFFF70]  }
0x286: {  	v4 =	vadd.f32 v5, v4;
	v5 =	vld [tilespmem:s20+$0xFFFFFFB0]  }
0x287: {  	v10 =	vld [tilespmem:s20+$0xFFFFFFF0]  }
0x288: {  	v4 =	vadd.f32 v6, v4;
	v6 =	vld [tilespmem:s20+$0x30]  }
0x289: {  	v11 =	vld [tilespmem:s20+$0x70]  }
0x28a: {  	v4 =	vadd.f32 v7, v4;
	v7 =	vld [tilespmem:s20+$0xB0]  }
0x28b: {  	v12 =	vld [tilespmem:s20+$0xF0]  }
0x28c: {  	v4 =	vadd.f32 v8, v4;
	v8 =	vld [tilespmem:s20+$0x130]  }
0x28d: {  	v13 =	vld [tilespmem:s20+$0x170]  }
0x28e: {  	v4 =	vadd.f32 v9, v4;
	v9 =	vld [tilespmem:s20+$0x1B0]  }
0x28f: {  	v14 =	vld [tilespmem:s20+$0x1F0]  }
0x290: {  	v4 =	vadd.f32 v5, v4;
	_ =	sdelay $0x1  }
0x291: {  	v4 =	vadd.f32 v10, v4;
	_ =	sdelay $0x1  }
0x292: {  	v4 =	vadd.f32 v6, v4;
	_ =	sdelay $0x1  }
0x293: {  	v4 =	vadd.f32 v11, v4;
	_ =	sdelay $0x1  }
0x294: {  	v4 =	vadd.f32 v7, v4;
	_ =	sdelay $0x1  }
0x295: {  	v4 =	vadd.f32 v12, v4;
	_ =	sdelay $0x1  }
0x296: {  	v4 =	vadd.f32 v8, v4;
	_ =	sdelay $0x1  }
0x297: {  	v4 =	vadd.f32 v13, v4;
	_ =	sdelay $0x1  }
0x298: {  	v4 =	vadd.f32 v9, v4;
	_ =	sdelay $0x1  }
0x299: {  	v4 =	vadd.f32 v14, v4;
	_ =	sdelay $0x1  }
0x29a: {  	v4 =	vadd.f32 v4, v3  }
.Ltmp1:
0x29b: {  	(pc) =	sbr.rel @p0 .LBB2_5-.Ltmp1, $3  }
0x29c: {  	v5 =	vmin.f32 v4, $0.0e+00  }
0x29d: {  	v5 =	vmul.f32 $1.442695020e+00, v5;
	_ =	sdelay $0x1  }
0x29e: {  	(erf) = vpow2.f32 v5  }
0x29f: {  	_ =	sdelay $0x7  }
0x2a0: {  	v5 =	vpop (erf)  }
0x2a1: {  	v5 =	vadd.f32 $-1.000000000e+00, v5  }
0x2a2: {  	vm0 =	vgt.f32 v4, $0.0e+00;
	s19 =	sadd.s32 s7, s19;
	s18 =	sadd.s32 $0x1, s18  }
0x2a3: {  	s19 =	sshrl.u32 s19, $0x3;
	p0 =	sne.s32 s18, $0x32;
	v4 =	vsel vm0, v4, v5  }
.Ltmp2:
0x2a4: {  	s19 =	sadd.s32 s5, s19;
	[tilespmem:s21+$0xE430] =	vst v4;
	(pc) =	sbr.rel @p0 .LBB2_2-.Ltmp2, $4  }
0x2a5: {  	[hbm4b:s19+s3] =	stream.linear.scatter [tilespmem:s15], [sflag:$0x3], $0x400, $0x38;
	[tilespmem:$0xE840] =	vst v63  }
0x2a6: {  	_ =	swait.ge [sflag:s9], $0x400  }
0x2a7: {  	[sflag:s9] =	ssyncset.done $0x0  }
0x2a8: {  	[sflag:s9] =	ssyncadd.s32 $0xFFFFFC00  }
0x2a9: {  	s17 =	sadd.s32 $0x1, s17  }
0x2aa: {  	p0 =	sne.s32 s17, s8  }
.Ltmp3:
0x2ab: {  	_ = 	snop;
	(pc) =	sbr.rel @p0 .LBB2_1-.Ltmp3, $4  }
0x2ac: {  	_ = 	snop  }
0x2ad: {  	_ =	swait.ge [sflag:s14], $0x4000  }
0x2ae: {  	[sflag:s14] =	ssyncset.done $0x0  }
0x2af: {  	[sflag:s14] =	ssyncadd.s32 $0xFFFFC000  }
0x2b0: {  	_ =	sfence.sel $0x180000  }
0x2b1: {  	[bflag:$0x0] =	sbarrier.arrive $0xFFFF  }
0x2b2: {  	p0 =	sne.s32 s1, $0x0;
	_ =	strace $0x9000004A  }
0x2b3: {  	s0 =	sadd.s32 @!p0 $0x100000, s0;
	[bflag:$0x2] =	sbarrier.arrive $0xFFFF  }
0x2b4: {  	[sflag:s0] =	ssyncadd.tile.s32 @!p0 $0x1;
	_ =	shalt  }
.Lfunc_end2:
_tile_overlayer_lowered:
.L_overlay_start_2:
0x2b5: {  	(tag) =	ssettag $0x2  }
0x2b6: {  	s0 =	rddreg [dreg:$0x0];
	s2 =	stileid.u32  }
0x2b7: {  	s1 =	rddreg [dreg:$0x1];
	p0 =	sne.s32 s2, $0x0  }
0x2b8: {  	s3 =	rddreg [dreg:$0x2];
	[bflag:$0x3] =	sbarrier.arrive $0xFFFF;
	s2 =	simm.s32 @!p0 $0x1C03  }
0x2b9: {  	[timem:s3], [sflag:s2] =	dma.local @!p0 [hbm:s0], s1  }
0x2ba: {  	s0 =	simm.s32 @!p0 $0x3  }
0x2bb: {  	_ =	swait.ge @!p0 [sflag:s0], s1  }
0x2bc: {  	s1 =	ssub.s32 @!p0 $0x0, s1;
	[sflag:s0] =	ssyncset.done @!p0 $0x0  }
0x2bd: {  	[sflag:s0] =	ssyncadd.s32 @!p0 s1  }
0x2be: {  	[bflag:$0x3] =	sbarrier.arrive $0xFFFF  }
0x2bf: {  	_ =	shalt  }

// kernel: kernel.9.cloned.1.call-start
scs
__scs_entry_jumppad:
0x0: {  	(pc) =	sbr.rel $0x88, $3  }
0x1: {  	(tag) =	ssettag $0x0;
	lr =	simm.s32 $0x1  }
0x2: {  	[smem:$0x3F9B] =	sst lr;
	_ =	strace $0xD0000000  }
0x3: {  	_ = 	snop  }
0x4: {  	_ = 	snop  }
0x5: {  	_ = 	snop  }
0x6: {  	_ = 	snop  }
0x7: {  	_ = 	snop  }
__scs_overlays_trampoline_lowered:
0x8: {  	[smem:$0x3FAA] =	sst s0  }
0x9: {  	[smem:$0x3FAB] =	sst s1  }
0xa: {  	[smem:$0x3FAC] =	sst s2  }
0xb: {  	[smem:$0x3FAD] =	sst s3  }
0xc: {  	[smem:$0x3FAE] =	sst s4  }
0xd: {  	[smem:$0x3FAF] =	sst s5  }
0xe: {  	[smem:$0x3FB0] =	sst s6  }
0xf: {  	[smem:$0x3FB1] =	sst s7  }
0x10: {  	[smem:$0x3FB2] =	sst s8  }
0x11: {  	[smem:$0x3FB3] =	sst s9;
	s0 =	simm.s32 @!p0 $0x0  }
0x12: {  	s1 =	sld [smem:$0x3F99];
	s0 =	simm.s32 @p0 $0x1  }
0x13: {  	[smem:$0x3FB4] =	sst s0;
	s0 =	simm.s32 @!p1 $0x0  }
0x14: {  	s2 =	sld [smem:$0x3F98];
	s0 =	simm.s32 @p1 $0x1  }
0x15: {  	[smem:$0x3FB5] =	sst s0;
	s0 =	simm.s32 @!p2 $0x0  }
0x16: {  	s3 =	sld [smem:$0x3FDB];
	s0 =	simm.s32 @p2 $0x1  }
0x17: {  	s4 =	simm.s32 $0x1BF5;
	[smem:$0x3FB7] =	sst s0  }
0x18: {  	s0 =	sld [smem:$0x3F9A];
	_ =	swait.ge [sflag:s4], $0x0  }
0x19: {  	s7 =	sld [smem:$0x3F9B]  }
0x1a: {  	s8 =	sadd.s32 $0xFFFFE003, lr  }
0x1b: {  	s9 =	sadd.s32 $0xFFFFFEF7, lr;
	s5 =	simm.s32 $0xFFFFFFFF;
	p2 =	slt.u32 s8, $0xFFFFF086  }
0x1c: {  	p1 =	slt.u32 s9, $0xF7A;
	s5 =	simm.s32 @!p2 $0x0  }
0x1d: {  	s5 =	simm.s32 @p1 $0x1;
	p0 =	seq.s32 s7, s2  }
0x1e: {  	s7 =	smul.u32 @!p0 $0xF7A, s2;
	p2 =	seq.s32 @!p0 s5, $0x0  }
0x1f: {  	s9 =	smul.u32 $0xF7A, s1;
	s8 =	simm.s32 @!p0 $0x1BF5;
	p2 =	por !p2, p0  }
0x20: {  	[sflag:s8] =	ssyncset.s32 @!p0 $0xFFFFF086;
	s6 =	sadd.s32 @!p0 s3, s7;
	s7 =	simm.s32 @!p0 $0x108  }
0x21: {  	s3 =	sadd.s32 s3, s9;
	s6 =	sadd.s32 @!p0 $0x88, s6;
	s7 =	simm.s32 @p2 $0x1082  }
0x22: {  	[simem:s7], [sflag:s8] =	dma.local @!p0 [hbm:s6], $0xF7A  }
0x23: {  	s9 =	sor.u32 $0xD0000000, s2;
	s6 =	simm.s32 $0x108;
	_ =	swait.ge @!p0 [sflag:s8], $0x0  }
0x24: {  	s3 =	sadd.s32 $0x88, s3;
	s6 =	simm.s32 @!p1 $0x1082;
	[sflag:s4] =	ssyncset.s32 $0xFFFFF086  }
0x25: {  	[simem:s6], [sflag:s4] =	dma.local [hbm:s3], $0xF7A  }
0x26: {  	[smem:$0x3F9B] =	sst s1;
	(tag) =	ssettag s2;
	_ =	strace s9  }
0x27: {  	s1 =	sld [smem:$0x3FAB]  }
0x28: {  	s2 =	sld [smem:$0x3FAC]  }
0x29: {  	s4 =	sld [smem:$0x3FAE]  }
0x2a: {  	p0 =	seq.s32 s5, $0x0;
	s5 =	sld [smem:$0x3FAF]  }
0x2b: {  	s6 =	sld [smem:$0x3FB0]  }
0x2c: {  	s7 =	sld [smem:$0x3FB1]  }
0x2d: {  	s3 =	simm.s32 $0x108;
	s8 =	sld [smem:$0x3FB2]  }
0x2e: {  	s3 =	simm.s32 @!p0 $0x1082;
	s9 =	sld [smem:$0x3FB3]  }
0x2f: {  	lr =	sadd.s32 s0, s3;
	s0 =	sld [smem:$0x3FAA]  }
0x30: {  	s3 =	sld [smem:$0x3FAD]  }
0x31: {  	[smem:$0x3FB6] =	sst s10  }
0x32: {  	s10 =	sld [smem:$0x3FB4];
	_ =	sdelay $0x3  }
0x33: {  	p0 =	seq.s32 s10, $0x1;
	s10 =	sld [smem:$0x3FB6];
	_ =	sdelay $0x3  }
0x34: {  	[smem:$0x3FB6] =	sst s10  }
0x35: {  	s10 =	sld [smem:$0x3FB5];
	_ =	sdelay $0x3  }
0x36: {  	p1 =	seq.s32 s10, $0x1;
	s10 =	sld [smem:$0x3FB6];
	_ =	sdelay $0x3  }
0x37: {  	[smem:$0x3FB6] =	sst s10  }
0x38: {  	s10 =	sld [smem:$0x3FB7]  }
0x39: {  	_ = 	snop;
	(pc) =	sbr.ind lr, $3  }
0x3a: {  	_ = 	snop  }
0x3b: {  	_ = 	snop  }
0x3c: {  	p2 =	seq.s32 s10, $0x1;
	s10 =	sld [smem:$0x3FB6]  }
0x3d: {  	_ =	shalt  }
0x3e: {  	_ =	shalt  }
0x3f: {  	_ =	shalt  }
0x40: {  	_ =	shalt  }
0x41: {  	_ =	shalt  }
0x42: {  	_ =	shalt  }
0x43: {  	_ =	shalt  }
0x44: {  	_ =	shalt  }
0x45: {  	_ =	shalt  }
0x46: {  	_ =	shalt  }
0x47: {  	_ =	shalt  }
0x48: {  	_ =	shalt  }
0x49: {  	_ =	shalt  }
0x4a: {  	_ =	shalt  }
0x4b: {  	_ =	shalt  }
0x4c: {  	_ =	shalt  }
0x4d: {  	_ =	shalt  }
0x4e: {  	_ =	shalt  }
0x4f: {  	_ =	shalt  }
0x50: {  	_ =	shalt  }
0x51: {  	_ =	shalt  }
0x52: {  	_ =	shalt  }
0x53: {  	_ =	shalt  }
0x54: {  	_ =	shalt  }
0x55: {  	_ =	shalt  }
0x56: {  	_ =	shalt  }
0x57: {  	_ =	shalt  }
0x58: {  	_ =	shalt  }
0x59: {  	_ =	shalt  }
0x5a: {  	_ =	shalt  }
0x5b: {  	_ =	shalt  }
0x5c: {  	_ =	shalt  }
0x5d: {  	_ =	shalt  }
0x5e: {  	_ =	shalt  }
0x5f: {  	_ =	shalt  }
0x60: {  	_ =	shalt  }
0x61: {  	_ =	shalt  }
0x62: {  	_ =	shalt  }
0x63: {  	_ =	shalt  }
0x64: {  	_ =	shalt  }
0x65: {  	_ =	shalt  }
0x66: {  	_ =	shalt  }
0x67: {  	_ =	shalt  }
0x68: {  	_ =	shalt  }
0x69: {  	_ =	shalt  }
0x6a: {  	_ =	shalt  }
0x6b: {  	_ =	shalt  }
0x6c: {  	_ =	shalt  }
0x6d: {  	_ =	shalt  }
0x6e: {  	_ =	shalt  }
0x6f: {  	_ =	shalt  }
0x70: {  	_ =	shalt  }
0x71: {  	_ =	shalt  }
0x72: {  	_ =	shalt  }
0x73: {  	_ =	shalt  }
0x74: {  	_ =	shalt  }
0x75: {  	_ =	shalt  }
0x76: {  	_ =	shalt  }
0x77: {  	_ =	shalt  }
0x78: {  	_ =	shalt  }
0x79: {  	_ =	shalt  }
0x7a: {  	_ =	shalt  }
0x7b: {  	_ =	shalt  }
0x7c: {  	_ =	shalt  }
0x7d: {  	_ =	shalt  }
0x7e: {  	_ =	shalt  }
0x7f: {  	_ =	shalt  }
0x80: {  	_ =	shalt  }
0x81: {  	_ =	shalt  }
0x82: {  	_ =	shalt  }
0x83: {  	_ =	shalt  }
0x84: {  	_ =	shalt  }
0x85: {  	_ =	shalt  }
0x86: {  	_ =	shalt  }
0x87: {  	_ =	shalt  }
.Lfunc_end0:
.L_simem_size_0:
called_computation.3_lowered:
.L_overlay_start_0:
0x88: {  	s2 =	sld [smem:$0x3FD9]  }
0x89: {  	s3 =	sld [smem:$0x3FFE];
	_ =	sdelay $0x1  }
0x8a: {  	s1 =	srdreg.scid  }
0x8b: {  	s0 =	sand.u32 $0x1, s1  }
0x8c: {  	s17 =	sshll.u32 s0, $0xA;
	s2 =	sadd.s32 s3, s2  }
0x8d: {  	s2 =	sadd.s32 s2, s17  }
0x8e: {  	[smem:$0x3FC2] =	sst s2  }
0x8f: {  	_ = 	snop  }
0x90: {  	s2 =	sld [smem:$0x3FC4]  }
0x91: {  	s18 =	sld [smem:$0x3FD0];
	(tm) =	ssettm $0x1  }
0x92: {  	s4 =	sld [smem:$0x3FFB];
	_ =	sdelay $0x3  }
0x93: {  	_ =	strace s4  }
0x94: {  	s4 =	sld [smem:$0x3FFC];
	_ =	sdelay $0x3  }
0x95: {  	_ =	strace s4  }
0x96: {  	s4 =	sld [smem:$0x3FFD];
	_ =	sdelay $0x3  }
0x97: {  	_ =	strace s4  }
0x98: {  	_ =	strace $0x8FFFFFFF  }
0x99: {  	s19 =	sld [smem:$0x3FDB];
	_ =	sdelay $0x1  }
0x9a: {  	s5 =	simm.s32 $_scs_section_size  }
0x9b: {  	s6 =	simm.s32 $_size__tile_overlayer_lowered;
	s7 =	simm.s32 $_tile_overlayer_lowered  }
0x9c: {  	s22 =	simm.s32 $0x1BFF;
	s21 =	sshll.u32 s7, $0x1;
	s4 =	sadd.s32 s5, s19  }
0x9d: {  	s8 =	simm.s32 $0x0;
	s20 =	sshll.u32 s6, $0x1;
	s6 =	sadd.s32 s21, s4  }
0x9e: {  	[timem:s8], [sflag:s22] =	dma.local [hbm:s6], s20  }
0x9f: {  	_ =	swait.ge [sflag:s22], s20  }
0xa0: {  	s5 =	ssub.s32 $0x0, s20;
	[sflag:s22] =	ssyncset.done $0x0  }
0xa1: {  	[sflag:s22] =	ssyncadd.s32 s5;
	_ =	sdelay $0x1  }
0xa2: {  	s23 =	simm.s32 $0x1B8B  }
0xa3: {  	_ =	swait.ge [sflag:s23], $0x1  }
0xa4: {  	[sflag:s23] =	ssyncset.done $0x0  }
0xa5: {  	s25 =	simm.s32 $0x1B8E;
	s24 =	sld [smem:$0x3FFE];
	[sflag:s23] =	ssyncadd.s32 $0xFFFFFFFF  }
0xa6: {  	s26 =	simm.s32 $execute0_lowered;
	[smem:$0x3FD2] =	sst s25  }
0xa7: {  	s6 =	sshll.u32 s26, $0x1;
	_ =	strace $0x8000004F;
	[dreg:$0x1] =	wrdreg $0xFFFFFFFF  }
0xa8: {  	s28 =	simm.s32 $_size_execute0_lowered;
	s4 =	sadd.s32 s4, s6;
	[dreg:$0x0] =	wrdreg $0x0  }
0xa9: {  	s6 =	sshll.u32 s28, $0x1;
	[dreg:$0x2] =	wrdreg s4  }
0xaa: {  	[dreg:$0x3] =	wrdreg s6  }
0xab: {  	[dreg:$0x4] =	wrdreg $0xC0  }
0xac: {  	_ =	task [dreg:s8], $0x5FFFF  }
0xad: {  	[dreg:$0x1] =	wrdreg $0xFFFFFFFF  }
0xae: {  	[dreg:$0x0] =	wrdreg $0x60  }
0xaf: {  	[dreg:$0x2] =	wrdreg s24  }
0xb0: {  	[dreg:$0x3] =	wrdreg s18  }
0xb1: {  	[dreg:$0x4] =	wrdreg s2  }
0xb2: {  	[dreg:$0x5] =	wrdreg $0x9  }
0xb3: {  	_ =	task.clear_ibuf [dreg:s8], $0x6FFFF;
	_ =	strace $0x9000004F  }
0xb4: {  	s29 =	simm.s32 $0x9;
	_ =	strace $0x80000051  }
0xb5: {  	_ =	swait.ge [sflag:s29], $0x1  }
0xb6: {  	[sflag:s29] =	ssyncadd.s32 $0xFFFFFFFF  }
0xb7: {  	_ =	strace $0x90000051  }
0xb8: {  	_ =	sfence  }
0xb9: {  	s30 =	sld [smem:$0x0];
	_ =	sdelay $0x2  }
0xba: {  	s31 =	sshll.u32 s1, $0xD;
	s1 =	sshrl.u32 s1, $0x2  }
0xbb: {  	s3 =	sand.u32 $0x4000, s31;
	s1 =	sadd.s32 s1, s30  }
0xbc: {  	s0 =	sor.u32 s3, s0;
	s1 =	sshll.u32 s1, $0x11  }
0xbd: {  	s0 =	sor.u32 s1, s0  }
0xbe: {  	s0 =	sadd.s32 $0x8F2B, s0  }
0xbf: {  	[sflag:s0] =	ssyncadd.remote.s32 $0x1  }
0xc0: {  	_ =	sfence.sel $0xFFFF  }
0xc1: {  	[dreg:$0x0] =	wrdreg $0xFFFFFFFF;
	(pc) =	sbr.abs _section_cstart, $3  }
0xc2: {  	[dreg:$0x1] =	wrdreg $0xFFFFFFFF  }
0xc3: {  	_ =	task.clear_ibuf [dreg:s8], $0x2FFFF;
	_ =	strace $0x9FFFFFFF  }
0xc4: {  	(tm) =	ssettm $0x7FFFFFFF  }
0xc5: {  	_ =	shalt  }
tec
execute0_lowered:
.L_overlay_start_1:
0x0: {  	(tag) =	ssettag $0x1  }
0x1: {  	s5 =	rddreg [dreg:$0x0]  }
0x2: {  	s6 =	rddreg [dreg:$0x1]  }
0x3: {  	s2 =	rddreg [dreg:$0x2]  }
0x4: {  	s0 =	rddreg [dreg:$0x3]  }
0x5: {  	s4 =	srdreg.scid;
	s1 =	stileid.u32  }
0x6: {  	s3 =	simm.s32 $0x0;
	s11 =	simm.s32 $0x100;
	s12 =	simm.s32 $0x6400  }
0x7: {  	s13 =	simm.s32 $0x8400;
	s14 =	simm.s32 $0x1;
	s15 =	simm.s32 $0xA400  }
0x8: {  	s16 =	simm.s32 $0x2;
	s17 =	simm.s32 $0x0;
	s4 =	sand.u32 $0x1, s4  }
0x9: {  	s7 =	sshll.u32 s1, $0x1;
	[smem:$0x7FF] =	sst s3;
	s8 =	ssub.s32 $0x2, s4  }
0xa: {  	s7 =	sor.u32 s4, s7;
	_ =	strace $0x80000050;
	s4 =	sadd.s32 $0x44D600, s5  }
0xb: {  	s5 =	sadd.s32 $0x1600, s5;
	s9 =	sshrl.u32 s8, $0x1;
	s10 =	smul.u32 $0xC80, s7  }
0xc: {  	s7 =	smul.u32 $0xC800, s7;
	s8 =	ssub.s32 s8, s9;
	s9 =	simm.s32 $0x3  }
0xd: {  	s6 =	sadd.s32 s6, s10;
	s8 =	smax.u32 s8, $0x1;
	s10 =	simm.s32 $0xA600  }
.LBB2_1:
0xe: {  	[tilespmem:s3], [sflag:$0x3] =	stream.linear.gather [hbm4b:s6+s3], $0x6400, $0x38;
	[tilespmem:$0xA620] =	vst v63  }
0xf: {  	_ =	swait.ge [sflag:s9], $0x6400  }
0x10: {  	[sflag:s9] =	ssyncset.done $0x0  }
0x11: {  	[sflag:s9] =	ssyncadd.s32 $0xFFFF9C00  }
0x12: {  	[tilespmem:s10], [sflag:$0x3] =	stream.linear.gather [hbm4b:s2+s3], $0x20, $0x38;
	[tilespmem:$0xA620] =	vst v63  }
0x13: {  	_ =	swait.ge [sflag:s9], $0x20  }
0x14: {  	[sflag:s9] =	ssyncset.done $0x0  }
0x15: {  	[sflag:s9] =	ssyncadd.s32 $0xFFFFFFE0  }
0x16: {  	s18 =	simm.s32 $0x0;
	v0 =	vld [tilespmem:$0xA600]  }
0x17: {  	v1 =	vld [tilespmem:$0xA610];
	[tilespmem:s12], [sflag:$0x1] =	stream.indirect.gather [hbm4b:s4+s11], $0x20, s3, s11, $0xb8  }
.LBB2_2:
0x18: {  	s19 =	sshllo.u32 s18, $0x1  }
0x19: {  	s20 =	sshll.u32 s19, $0x8  }
0x1a: {  	s20 =	sand.u32 $0x3FFFFF00, s20  }
0x1b: {  	[tilespmem:s13], [sflag:$0x2] =	stream.indirect.gather [hbm4b:s4+s11], $0x20, s20, s11, $0xb8;
	[tilespmem:$0xA620] =	vst v63  }
0x1c: {  	_ =	swait.ge [sflag:s14], $0x2000  }
0x1d: {  	[sflag:s14] =	ssyncset.done $0x0  }
0x1e: {  	s20 =	simm.s32 $0x6500;
	[sflag:s14] =	ssyncadd.s32 $0xFFFFE000  }
0x1f: {  	v2 =	vld [tilespmem:s20+$0xFFFFFF00]  }
0x20: {  	v3 =	vld [tilespmem:s20+$0xFFFFFF20];
	_ =	sdelay $0x1  }
0x21: {  	v4 =	vld [tilespmem:s20+$0xFFFFFF40];
	_ =	sdelay $0x1  }
0x22: {  	v5 =	vld [tilespmem:s20+$0xFFFFFF60]  }
0x23: {  	v2 =	vadd.f32 v3, v2  }
0x24: {  	v3 =	vld [tilespmem:s20+$0xFFFFFF80]  }
0x25: {  	v2 =	vadd.f32 v4, v2  }
0x26: {  	v46 =	vld [tilespmem:s20+$0xFFFFFFA0]  }
0x27: {  	v2 =	vadd.f32 v5, v2  }
0x28: {  	v47 =	vld [tilespmem:s20+$0xFFFFFFC0]  }
0x29: {  	v2 =	vadd.f32 v3, v2  }
0x2a: {  	v3 =	vld [tilespmem:s20+$0xFFFFFFE0]  }
0x2b: {  	v2 =	vadd.f32 v46, v2  }
0x2c: {  	v48 =	vld [tilespmem:s20+$0x0]  }
0x2d: {  	v2 =	vadd.f32 v47, v2  }
0x2e: {  	v49 =	vld [tilespmem:s20+$0x20]  }
0x2f: {  	v2 =	vadd.f32 v3, v2  }
0x30: {  	v3 =	vld [tilespmem:s20+$0x40]  }
0x31: {  	v2 =	vadd.f32 v48, v2  }
0x32: {  	v50 =	vld [tilespmem:s20+$0x60]  }
0x33: {  	v2 =	vadd.f32 v49, v2  }
0x34: {  	v51 =	vld [tilespmem:s20+$0x80]  }
0x35: {  	v2 =	vadd.f32 v3, v2  }
0x36: {  	v3 =	vld [tilespmem:s20+$0xA0]  }
0x37: {  	v2 =	vadd.f32 v50, v2  }
0x38: {  	v52 =	vld [tilespmem:s20+$0xC0]  }
0x39: {  	v2 =	vadd.f32 v51, v2  }
0x3a: {  	v53 =	vld [tilespmem:s20+$0xE0]  }
0x3b: {  	v2 =	vadd.f32 v3, v2;
	_ =	sdelay $0x1  }
0x3c: {  	v2 =	vadd.f32 v52, v2;
	_ =	sdelay $0x1  }
0x3d: {  	v2 =	vadd.f32 v53, v2;
	_ =	sdelay $0x1  }
0x3e: {  	v2 =	vadd.f32 v2, v0  }
0x3f: {  	s23 =	simm.s32 $0x0  }
0x40: {  	[tilespmem:s23+$0xA400] =	vst v2  }
0x41: {  	v2 =	vld [tilespmem:s20+$0xFFFFFF10]  }
0x42: {  	v3 =	vld [tilespmem:s20+$0xFFFFFF30];
	_ =	sdelay $0x1  }
0x43: {  	v54 =	vld [tilespmem:s20+$0xFFFFFF50];
	_ =	sdelay $0x1  }
0x44: {  	v55 =	vld [tilespmem:s20+$0xFFFFFF70]  }
0x45: {  	v2 =	vadd.f32 v3, v2  }
0x46: {  	v3 =	vld [tilespmem:s20+$0xFFFFFF90]  }
0x47: {  	v2 =	vadd.f32 v54, v2  }
0x48: {  	v56 =	vld [tilespmem:s20+$0xFFFFFFB0]  }
0x49: {  	v2 =	vadd.f32 v55, v2  }
0x4a: {  	v57 =	vld [tilespmem:s20+$0xFFFFFFD0]  }
0x4b: {  	v2 =	vadd.f32 v3, v2  }
0x4c: {  	v3 =	vld [tilespmem:s20+$0xFFFFFFF0]  }
0x4d: {  	v2 =	vadd.f32 v56, v2  }
0x4e: {  	v58 =	vld [tilespmem:s20+$0x10]  }
0x4f: {  	v2 =	vadd.f32 v57, v2  }
0x50: {  	v59 =	vld [tilespmem:s20+$0x30]  }
0x51: {  	v2 =	vadd.f32 v3, v2  }
0x52: {  	v3 =	vld [tilespmem:s20+$0x50]  }
0x53: {  	v2 =	vadd.f32 v58, v2  }
0x54: {  	v60 =	vld [tilespmem:s20+$0x70]  }
0x55: {  	v2 =	vadd.f32 v59, v2  }
0x56: {  	v61 =	vld [tilespmem:s20+$0x90]  }
0x57: {  	v2 =	vadd.f32 v3, v2  }
0x58: {  	v3 =	vld [tilespmem:s20+$0xB0]  }
0x59: {  	v2 =	vadd.f32 v60, v2  }
0x5a: {  	v62 =	vld [tilespmem:s20+$0xD0]  }
0x5b: {  	v2 =	vadd.f32 v61, v2  }
0x5c: {  	v63 =	vld [tilespmem:s20+$0xF0]  }
0x5d: {  	v2 =	vadd.f32 v3, v2;
	_ =	sdelay $0x1  }
0x5e: {  	v2 =	vadd.f32 v62, v2;
	_ =	sdelay $0x1  }
0x5f: {  	v2 =	vadd.f32 v63, v2;
	_ =	sdelay $0x1  }
0x60: {  	s21 =	sshll.u32 s18, $0x1;
	s22 =	simm.s32 $0x80;
	v2 =	vadd.f32 v2, v1  }
.LBB2_3:
0x61: {  	p0 =	sne.s32 s22, $0x780  }
0x62: {  	s20 =	sadd.s32 $0x200, s20;
	s24 =	smov.u32 s22;
	s22 =	sadd.s32 $0x80, s22  }
0x63: {  	[tilespmem:s23+$0xA410] =	vst v2  }
0x64: {  	v2 =	vld [tilespmem:s20+$0xFFFFFF00]  }
0x65: {  	v3 =	vld [tilespmem:s20+$0xFFFFFF20];
	_ =	sdelay $0x1  }
0x66: {  	v4 =	vld [tilespmem:s20+$0xFFFFFF40];
	_ =	sdelay $0x1  }
0x67: {  	v5 =	vld [tilespmem:s20+$0xFFFFFF60]  }
0x68: {  	v2 =	vadd.f32 v3, v2  }
0x69: {  	v3 =	vld [tilespmem:s20+$0xFFFFFF80]  }
0x6a: {  	v2 =	vadd.f32 v4, v2  }
0x6b: {  	v4 =	vld [tilespmem:s20+$0xFFFFFFA0]  }
0x6c: {  	v2 =	vadd.f32 v5, v2  }
0x6d: {  	v5 =	vld [tilespmem:s20+$0xFFFFFFC0]  }
0x6e: {  	v2 =	vadd.f32 v3, v2  }
0x6f: {  	v3 =	vld [tilespmem:s20+$0xFFFFFFE0]  }
0x70: {  	v2 =	vadd.f32 v4, v2  }
0x71: {  	v4 =	vld [tilespmem:s20+$0x0]  }
0x72: {  	v2 =	vadd.f32 v5, v2  }
0x73: {  	v5 =	vld [tilespmem:s20+$0x20]  }
0x74: {  	v2 =	vadd.f32 v3, v2  }
0x75: {  	v3 =	vld [tilespmem:s20+$0x40]  }
0x76: {  	v2 =	vadd.f32 v4, v2  }
0x77: {  	v4 =	vld [tilespmem:s20+$0x60]  }
0x78: {  	v2 =	vadd.f32 v5, v2  }
0x79: {  	v5 =	vld [tilespmem:s20+$0x80]  }
0x7a: {  	v2 =	vadd.f32 v3, v2  }
0x7b: {  	v3 =	vld [tilespmem:s20+$0xA0]  }
0x7c: {  	v2 =	vadd.f32 v4, v2  }
0x7d: {  	v4 =	vld [tilespmem:s20+$0xC0]  }
0x7e: {  	v2 =	vadd.f32 v5, v2  }
0x7f: {  	v5 =	vld [tilespmem:s20+$0xE0]  }
0x80: {  	v2 =	vadd.f32 v3, v2;
	_ =	sdelay $0x1  }
0x81: {  	v2 =	vadd.f32 v4, v2;
	_ =	sdelay $0x1  }
0x82: {  	v2 =	vadd.f32 v5, v2;
	_ =	sdelay $0x1  }
0x83: {  	v2 =	vadd.f32 v2, v0  }
0x84: {  	s23 =	sshra.s32 s24, $0x2  }
0x85: {  	[tilespmem:s23+$0xA400] =	vst v2  }
0x86: {  	v2 =	vld [tilespmem:s20+$0xFFFFFF10]  }
0x87: {  	v3 =	vld [tilespmem:s20+$0xFFFFFF30]  }
0x88: {  	v4 =	vld [tilespmem:s20+$0xFFFFFF50];
	_ =	sdelay $0x1  }
0x89: {  	v5 =	vld [tilespmem:s20+$0xFFFFFF70];
	_ =	sdelay $0x1  }
0x8a: {  	v2 =	vadd.f32 v3, v2;
	v3 =	vld [tilespmem:s20+$0xFFFFFF90];
	_ =	sdelay $0x1  }
0x8b: {  	v2 =	vadd.f32 v4, v2;
	v4 =	vld [tilespmem:s20+$0xFFFFFFB0];
	_ =	sdelay $0x1  }
0x8c: {  	v2 =	vadd.f32 v5, v2;
	v5 =	vld [tilespmem:s20+$0xFFFFFFD0];
	_ =	sdelay $0x1  }
0x8d: {  	v2 =	vadd.f32 v3, v2;
	v3 =	vld [tilespmem:s20+$0xFFFFFFF0];
	_ =	sdelay $0x1  }
0x8e: {  	v2 =	vadd.f32 v4, v2;
	v4 =	vld [tilespmem:s20+$0x10];
	_ =	sdelay $0x1  }
0x8f: {  	v2 =	vadd.f32 v5, v2;
	v5 =	vld [tilespmem:s20+$0x30];
	_ =	sdelay $0x1  }
0x90: {  	v2 =	vadd.f32 v3, v2;
	v3 =	vld [tilespmem:s20+$0x50];
	_ =	sdelay $0x1  }
0x91: {  	v2 =	vadd.f32 v4, v2;
	v4 =	vld [tilespmem:s20+$0x70];
	_ =	sdelay $0x1  }
0x92: {  	v2 =	vadd.f32 v5, v2;
	v5 =	vld [tilespmem:s20+$0x90];
	_ =	sdelay $0x1  }
0x93: {  	v2 =	vadd.f32 v3, v2;
	v3 =	vld [tilespmem:s20+$0xB0];
	_ =	sdelay $0x1  }
0x94: {  	v2 =	vadd.f32 v4, v2;
	v4 =	vld [tilespmem:s20+$0xD0];
	_ =	sdelay $0x1  }
0x95: {  	v2 =	vadd.f32 v5, v2;
	v5 =	vld [tilespmem:s20+$0xF0];
	_ =	sdelay $0x1  }
0x96: {  	v2 =	vadd.f32 v3, v2;
	_ =	sdelay $0x1  }
.Ltmp0:
0x97: {  	v2 =	vadd.f32 v4, v2;
	(pc) =	sbr.rel @p0 .LBB2_3-.Ltmp0, $3  }
0x98: {  	_ = 	snop  }
0x99: {  	v2 =	vadd.f32 v5, v2;
	_ =	sdelay $0x1  }
0x9a: {  	v2 =	vadd.f32 v2, v1  }
0x9b: {  	s20 =	sshll.u32 s18, $0xA  }
0x9c: {  	s20 =	sadd.s32 s7, s20  }
0x9d: {  	s20 =	sshrl.u32 s20, $0x3  }
0x9e: {  	s22 =	simm.s32 $0x0;
	[tilespmem:s23+$0xA410] =	vst v2;
	s20 =	sadd.s32 s5, s20  }
0x9f: {  	[hbm4b:s20+s22] =	stream.linear.scatter [tilespmem:s15], [sflag:$0x3], $0x200, $0x38;
	[tilespmem:$0xA620] =	vst v63  }
0xa0: {  	s31 =	smin.u32 s21, $0x61;
	_ =	swait.ge [sflag:s9], $0x200  }
0xa1: {  	s20 =	sshll.u32 s31, $0x8;
	[sflag:s9] =	ssyncset.done $0x0  }
0xa2: {  	s20 =	sadd.s32 $0x200, s20;
	[sflag:s9] =	ssyncadd.s32 $0xFFFFFE00  }
0xa3: {  	[tilespmem:s12], [sflag:$0x1] =	stream.indirect.gather [hbm4b:s4+s11], $0x20, s20, s11, $0xb8;
	[tilespmem:$0xA620] =	vst v63  }
0xa4: {  	_ =	swait.ge [sflag:s16], $0x2000  }
0xa5: {  	[sflag:s16] =	ssyncset.done $0x0  }
0xa6: {  	s20 =	simm.s32 $0x8500;
	[sflag:s16] =	ssyncadd.s32 $0xFFFFE000  }
0xa7: {  	v2 =	vld [tilespmem:s20+$0xFFFFFF00]  }
0xa8: {  	v3 =	vld [tilespmem:s20+$0xFFFFFF20];
	_ =	sdelay $0x1  }
0xa9: {  	v4 =	vld [tilespmem:s20+$0xFFFFFF40];
	_ =	sdelay $0x1  }
0xaa: {  	v5 =	vld [tilespmem:s20+$0xFFFFFF60]  }
0xab: {  	v2 =	vadd.f32 v3, v2  }
0xac: {  	v3 =	vld [tilespmem:s20+$0xFFFFFF80]  }
0xad: {  	v2 =	vadd.f32 v4, v2  }
0xae: {  	v46 =	vld [tilespmem:s20+$0xFFFFFFA0]  }
0xaf: {  	v2 =	vadd.f32 v5, v2  }
0xb0: {  	v47 =	vld [tilespmem:s20+$0xFFFFFFC0]  }
0xb1: {  	v2 =	vadd.f32 v3, v2  }
0xb2: {  	v3 =	vld [tilespmem:s20+$0xFFFFFFE0]  }
0xb3: {  	v2 =	vadd.f32 v46, v2  }
0xb4: {  	v48 =	vld [tilespmem:s20+$0x0]  }
0xb5: {  	v2 =	vadd.f32 v47, v2  }
0xb6: {  	v49 =	vld [tilespmem:s20+$0x20]  }
0xb7: {  	v2 =	vadd.f32 v3, v2  }
0xb8: {  	v3 =	vld [tilespmem:s20+$0x40]  }
0xb9: {  	v2 =	vadd.f32 v48, v2  }
0xba: {  	v50 =	vld [tilespmem:s20+$0x60]  }
0xbb: {  	v2 =	vadd.f32 v49, v2  }
0xbc: {  	v51 =	vld [tilespmem:s20+$0x80]  }
0xbd: {  	v2 =	vadd.f32 v3, v2  }
0xbe: {  	v3 =	vld [tilespmem:s20+$0xA0]  }
0xbf: {  	v2 =	vadd.f32 v50, v2  }
0xc0: {  	v52 =	vld [tilespmem:s20+$0xC0]  }
0xc1: {  	v2 =	vadd.f32 v51, v2  }
0xc2: {  	v53 =	vld [tilespmem:s20+$0xE0]  }
0xc3: {  	v2 =	vadd.f32 v3, v2;
	_ =	sdelay $0x1  }
0xc4: {  	v2 =	vadd.f32 v52, v2;
	_ =	sdelay $0x1  }
0xc5: {  	v2 =	vadd.f32 v53, v2;
	_ =	sdelay $0x1  }
0xc6: {  	v2 =	vadd.f32 v2, v0  }
0xc7: {  	s22 =	simm.s32 $0x0  }
0xc8: {  	[tilespmem:s22+$0xA400] =	vst v2  }
0xc9: {  	v2 =	vld [tilespmem:s20+$0xFFFFFF10]  }
0xca: {  	v3 =	vld [tilespmem:s20+$0xFFFFFF30];
	_ =	sdelay $0x1  }
0xcb: {  	v54 =	vld [tilespmem:s20+$0xFFFFFF50];
	_ =	sdelay $0x1  }
0xcc: {  	v55 =	vld [tilespmem:s20+$0xFFFFFF70]  }
0xcd: {  	v2 =	vadd.f32 v3, v2  }
0xce: {  	v3 =	vld [tilespmem:s20+$0xFFFFFF90]  }
0xcf: {  	v2 =	vadd.f32 v54, v2  }
0xd0: {  	v56 =	vld [tilespmem:s20+$0xFFFFFFB0]  }
0xd1: {  	v2 =	vadd.f32 v55, v2  }
0xd2: {  	v57 =	vld [tilespmem:s20+$0xFFFFFFD0]  }
0xd3: {  	v2 =	vadd.f32 v3, v2  }
0xd4: {  	v3 =	vld [tilespmem:s20+$0xFFFFFFF0]  }
0xd5: {  	v2 =	vadd.f32 v56, v2  }
0xd6: {  	v58 =	vld [tilespmem:s20+$0x10]  }
0xd7: {  	v2 =	vadd.f32 v57, v2  }
0xd8: {  	v59 =	vld [tilespmem:s20+$0x30]  }
0xd9: {  	v2 =	vadd.f32 v3, v2  }
0xda: {  	v3 =	vld [tilespmem:s20+$0x50]  }
0xdb: {  	v2 =	vadd.f32 v58, v2  }
0xdc: {  	v60 =	vld [tilespmem:s20+$0x70]  }
0xdd: {  	v2 =	vadd.f32 v59, v2  }
0xde: {  	v61 =	vld [tilespmem:s20+$0x90]  }
0xdf: {  	v2 =	vadd.f32 v3, v2  }
0xe0: {  	v3 =	vld [tilespmem:s20+$0xB0]  }
0xe1: {  	v2 =	vadd.f32 v60, v2  }
0xe2: {  	v62 =	vld [tilespmem:s20+$0xD0]  }
0xe3: {  	v2 =	vadd.f32 v61, v2  }
0xe4: {  	v63 =	vld [tilespmem:s20+$0xF0]  }
0xe5: {  	v2 =	vadd.f32 v3, v2;
	_ =	sdelay $0x1  }
0xe6: {  	v2 =	vadd.f32 v62, v2;
	_ =	sdelay $0x1  }
0xe7: {  	v2 =	vadd.f32 v63, v2;
	_ =	sdelay $0x1  }
0xe8: {  	s21 =	simm.s32 $0x80;
	v2 =	vadd.f32 v2, v1  }
.LBB2_5:
0xe9: {  	p0 =	sne.s32 s21, $0x780  }
0xea: {  	s20 =	sadd.s32 $0x200, s20;
	s23 =	smov.u32 s21;
	s21 =	sadd.s32 $0x80, s21  }
0xeb: {  	[tilespmem:s22+$0xA410] =	vst v2  }
0xec: {  	v2 =	vld [tilespmem:s20+$0xFFFFFF00]  }
0xed: {  	v3 =	vld [tilespmem:s20+$0xFFFFFF20];
	_ =	sdelay $0x1  }
0xee: {  	v4 =	vld [tilespmem:s20+$0xFFFFFF40];
	_ =	sdelay $0x1  }
0xef: {  	v5 =	vld [tilespmem:s20+$0xFFFFFF60]  }
0xf0: {  	v2 =	vadd.f32 v3, v2  }
0xf1: {  	v3 =	vld [tilespmem:s20+$0xFFFFFF80]  }
0xf2: {  	v2 =	vadd.f32 v4, v2  }
0xf3: {  	v4 =	vld [tilespmem:s20+$0xFFFFFFA0]  }
0xf4: {  	v2 =	vadd.f32 v5, v2  }
0xf5: {  	v5 =	vld [tilespmem:s20+$0xFFFFFFC0]  }
0xf6: {  	v2 =	vadd.f32 v3, v2  }
0xf7: {  	v3 =	vld [tilespmem:s20+$0xFFFFFFE0]  }
0xf8: {  	v2 =	vadd.f32 v4, v2  }
0xf9: {  	v4 =	vld [tilespmem:s20+$0x0]  }
0xfa: {  	v2 =	vadd.f32 v5, v2  }
0xfb: {  	v5 =	vld [tilespmem:s20+$0x20]  }
0xfc: {  	v2 =	vadd.f32 v3, v2  }
0xfd: {  	v3 =	vld [tilespmem:s20+$0x40]  }
0xfe: {  	v2 =	vadd.f32 v4, v2  }
0xff: {  	v4 =	vld [tilespmem:s20+$0x60]  }
0x100: {  	v2 =	vadd.f32 v5, v2  }
0x101: {  	v5 =	vld [tilespmem:s20+$0x80]  }
0x102: {  	v2 =	vadd.f32 v3, v2  }
0x103: {  	v3 =	vld [tilespmem:s20+$0xA0]  }
0x104: {  	v2 =	vadd.f32 v4, v2  }
0x105: {  	v4 =	vld [tilespmem:s20+$0xC0]  }
0x106: {  	v2 =	vadd.f32 v5, v2  }
0x107: {  	v5 =	vld [tilespmem:s20+$0xE0]  }
0x108: {  	v2 =	vadd.f32 v3, v2;
	_ =	sdelay $0x1  }
0x109: {  	v2 =	vadd.f32 v4, v2;
	_ =	sdelay $0x1  }
0x10a: {  	v2 =	vadd.f32 v5, v2;
	_ =	sdelay $0x1  }
0x10b: {  	v2 =	vadd.f32 v2, v0  }
0x10c: {  	s22 =	sshra.s32 s23, $0x2  }
0x10d: {  	[tilespmem:s22+$0xA400] =	vst v2  }
0x10e: {  	v2 =	vld [tilespmem:s20+$0xFFFFFF10]  }
0x10f: {  	v3 =	vld [tilespmem:s20+$0xFFFFFF30]  }
0x110: {  	v4 =	vld [tilespmem:s20+$0xFFFFFF50];
	_ =	sdelay $0x1  }
0x111: {  	v5 =	vld [tilespmem:s20+$0xFFFFFF70];
	_ =	sdelay $0x1  }
0x112: {  	v2 =	vadd.f32 v3, v2;
	v3 =	vld [tilespmem:s20+$0xFFFFFF90];
	_ =	sdelay $0x1  }
0x113: {  	v2 =	vadd.f32 v4, v2;
	v4 =	vld [tilespmem:s20+$0xFFFFFFB0];
	_ =	sdelay $0x1  }
0x114: {  	v2 =	vadd.f32 v5, v2;
	v5 =	vld [tilespmem:s20+$0xFFFFFFD0];
	_ =	sdelay $0x1  }
0x115: {  	v2 =	vadd.f32 v3, v2;
	v3 =	vld [tilespmem:s20+$0xFFFFFFF0];
	_ =	sdelay $0x1  }
0x116: {  	v2 =	vadd.f32 v4, v2;
	v4 =	vld [tilespmem:s20+$0x10];
	_ =	sdelay $0x1  }
0x117: {  	v2 =	vadd.f32 v5, v2;
	v5 =	vld [tilespmem:s20+$0x30];
	_ =	sdelay $0x1  }
0x118: {  	v2 =	vadd.f32 v3, v2;
	v3 =	vld [tilespmem:s20+$0x50];
	_ =	sdelay $0x1  }
0x119: {  	v2 =	vadd.f32 v4, v2;
	v4 =	vld [tilespmem:s20+$0x70];
	_ =	sdelay $0x1  }
0x11a: {  	v2 =	vadd.f32 v5, v2;
	v5 =	vld [tilespmem:s20+$0x90];
	_ =	sdelay $0x1  }
0x11b: {  	v2 =	vadd.f32 v3, v2;
	v3 =	vld [tilespmem:s20+$0xB0];
	_ =	sdelay $0x1  }
0x11c: {  	v2 =	vadd.f32 v4, v2;
	v4 =	vld [tilespmem:s20+$0xD0];
	_ =	sdelay $0x1  }
0x11d: {  	v2 =	vadd.f32 v5, v2;
	v5 =	vld [tilespmem:s20+$0xF0];
	_ =	sdelay $0x1  }
0x11e: {  	v2 =	vadd.f32 v3, v2;
	_ =	sdelay $0x1  }
.Ltmp1:
0x11f: {  	v2 =	vadd.f32 v4, v2;
	(pc) =	sbr.rel @p0 .LBB2_5-.Ltmp1, $3  }
0x120: {  	_ = 	snop  }
0x121: {  	v2 =	vadd.f32 v5, v2;
	_ =	sdelay $0x1  }
0x122: {  	v2 =	vadd.f32 v2, v1  }
0x123: {  	s19 =	sshll.u32 s19, $0x9  }
0x124: {  	s18 =	sadd.s32 $0x1, s18;
	s19 =	sadd.s32 s7, s19  }
0x125: {  	p0 =	sne.s32 s18, $0x32;
	s19 =	sshrl.u32 s19, $0x3  }
.Ltmp2:
0x126: {  	[tilespmem:s22+$0xA410] =	vst v2;
	s19 =	sadd.s32 s5, s19;
	(pc) =	sbr.rel @p0 .LBB2_2-.Ltmp2, $4  }
0x127: {  	[hbm4b:s19+s3] =	stream.linear.scatter [tilespmem:s15], [sflag:$0x3], $0x200, $0x38;
	[tilespmem:$0xA620] =	vst v63  }
0x128: {  	_ =	swait.ge [sflag:s9], $0x200  }
0x129: {  	[sflag:s9] =	ssyncset.done $0x0  }
0x12a: {  	[sflag:s9] =	ssyncadd.s32 $0xFFFFFE00  }
0x12b: {  	s17 =	sadd.s32 $0x1, s17  }
0x12c: {  	p0 =	sne.s32 s17, s8  }
.Ltmp3:
0x12d: {  	_ = 	snop;
	(pc) =	sbr.rel @p0 .LBB2_1-.Ltmp3, $4  }
0x12e: {  	_ = 	snop  }
0x12f: {  	_ =	swait.ge [sflag:s14], $0x2000  }
0x130: {  	[sflag:s14] =	ssyncset.done $0x0  }
0x131: {  	[sflag:s14] =	ssyncadd.s32 $0xFFFFE000  }
0x132: {  	_ =	sfence.sel $0x180000  }
0x133: {  	[bflag:$0x0] =	sbarrier.arrive $0xFFFF  }
0x134: {  	p0 =	sne.s32 s1, $0x0;
	_ =	strace $0x90000050  }
0x135: {  	s0 =	sadd.s32 @!p0 $0x100000, s0;
	[bflag:$0x2] =	sbarrier.arrive $0xFFFF  }
0x136: {  	[sflag:s0] =	ssyncadd.tile.s32 @!p0 $0x1;
	_ =	shalt  }
.Lfunc_end2:
_tile_overlayer_lowered:
.L_overlay_start_2:
0x137: {  	(tag) =	ssettag $0x2  }
0x138: {  	s0 =	rddreg [dreg:$0x0];
	s2 =	stileid.u32  }
0x139: {  	s1 =	rddreg [dreg:$0x1];
	p0 =	sne.s32 s2, $0x0  }
0x13a: {  	s3 =	rddreg [dreg:$0x2];
	[bflag:$0x3] =	sbarrier.arrive $0xFFFF;
	s2 =	simm.s32 @!p0 $0x1C03  }
0x13b: {  	[timem:s3], [sflag:s2] =	dma.local @!p0 [hbm:s0], s1  }
0x13c: {  	s0 =	simm.s32 @!p0 $0x3  }
0x13d: {  	_ =	swait.ge @!p0 [sflag:s0], s1  }
0x13e: {  	s1 =	ssub.s32 @!p0 $0x0, s1;
	[sflag:s0] =	ssyncset.done @!p0 $0x0  }
0x13f: {  	[sflag:s0] =	ssyncadd.s32 @!p0 s1  }
0x140: {  	[bflag:$0x3] =	sbarrier.arrive $0xFFFF  }
0x141: {  	_ =	shalt  }

// kernel: sparse-core-data-format-call.1.cloned.1.call-start
scs
called_computation.1_lowered:
.L_overlay_start_0:
0x0: {  	s1 =	sld [smem:$0x3FD9]  }
0x1: {  	s2 =	sld [smem:$0x3FFE];
	_ =	sdelay $0x1  }
0x2: {  	s3 =	srdreg.scid  }
0x3: {  	s0 =	sand.u32 $0x1, s3  }
0x4: {  	s17 =	sshll.u32 s0, $0xA;
	s1 =	sadd.s32 s2, s1  }
0x5: {  	s1 =	sadd.s32 s1, s17  }
0x6: {  	[smem:$0x3FC2] =	sst s1  }
0x7: {  	_ = 	snop  }
0x8: {  	(tm) =	ssettm $0x1  }
0x9: {  	s18 =	sld [smem:$0x3FFB];
	_ =	sdelay $0x3  }
0xa: {  	_ =	strace s18  }
0xb: {  	s1 =	sld [smem:$0x3FFC];
	_ =	sdelay $0x3  }
0xc: {  	_ =	strace s1  }
0xd: {  	s1 =	sld [smem:$0x3FFD];
	_ =	sdelay $0x3  }
0xe: {  	_ =	strace s1  }
0xf: {  	_ =	strace $0x8FFFFFFF  }
0x10: {  	s19 =	sld [smem:$0x3FDB];
	_ =	sdelay $0x1  }
0x11: {  	s20 =	simm.s32 $_scs_section_size  }
0x12: {  	s4 =	simm.s32 $_size__tile_overlayer_lowered;
	s5 =	simm.s32 $_tile_overlayer_lowered  }
0x13: {  	s23 =	simm.s32 $0x1BFF;
	s22 =	sshll.u32 s5, $0x1;
	s1 =	sadd.s32 s20, s19  }
0x14: {  	s6 =	simm.s32 $0x0;
	s21 =	sshll.u32 s4, $0x1;
	s4 =	sadd.s32 s22, s1  }
0x15: {  	[timem:s6], [sflag:s23] =	dma.local [hbm:s4], s21  }
0x16: {  	_ =	swait.ge [sflag:s23], s21  }
0x17: {  	s2 =	ssub.s32 $0x0, s21;
	[sflag:s23] =	ssyncset.done $0x0  }
0x18: {  	[sflag:s23] =	ssyncadd.s32 s2;
	_ =	sdelay $0x1  }
0x19: {  	s24 =	simm.s32 $0x1B8B  }
0x1a: {  	_ =	swait.ge [sflag:s24], $0x1  }
0x1b: {  	[sflag:s24] =	ssyncset.done $0x0  }
0x1c: {  	s26 =	simm.s32 $0x1B8E;
	s25 =	sld [smem:$0x3FFE];
	[sflag:s24] =	ssyncadd.s32 $0xFFFFFFFF  }
0x1d: {  	s27 =	simm.s32 $execute0_lowered;
	[smem:$0x3FD2] =	sst s26  }
0x1e: {  	s4 =	sshll.u32 s27, $0x1;
	_ =	strace $0x80000046;
	[dreg:$0x1] =	wrdreg $0xFFFFFFFF  }
0x1f: {  	s28 =	simm.s32 $_size_execute0_lowered;
	s1 =	sadd.s32 s1, s4;
	[dreg:$0x0] =	wrdreg $0x0  }
0x20: {  	s4 =	sshll.u32 s28, $0x1;
	[dreg:$0x2] =	wrdreg s1  }
0x21: {  	[dreg:$0x3] =	wrdreg s4  }
0x22: {  	[dreg:$0x4] =	wrdreg $0xC0  }
0x23: {  	_ =	task [dreg:s6], $0x5FFFF  }
0x24: {  	[dreg:$0x1] =	wrdreg $0xFFFFFFFF  }
0x25: {  	[dreg:$0x0] =	wrdreg $0x60  }
0x26: {  	[dreg:$0x2] =	wrdreg s25  }
0x27: {  	[dreg:$0x3] =	wrdreg $0x9  }
0x28: {  	_ =	task.clear_ibuf [dreg:s6], $0x4FFFF;
	_ =	strace $0x90000046  }
0x29: {  	s29 =	simm.s32 $0x9;
	_ =	strace $0x80000048  }
0x2a: {  	_ =	swait.ge [sflag:s29], $0x1  }
0x2b: {  	[sflag:s29] =	ssyncadd.s32 $0xFFFFFFFF  }
0x2c: {  	_ =	strace $0x90000048  }
0x2d: {  	_ =	sfence  }
0x2e: {  	s30 =	sld [smem:$0x0];
	_ =	sdelay $0x2  }
0x2f: {  	s31 =	sshll.u32 s3, $0xD;
	s3 =	sshrl.u32 s3, $0x2  }
0x30: {  	s2 =	sand.u32 $0x4000, s31;
	s1 =	sadd.s32 s3, s30  }
0x31: {  	s0 =	sor.u32 s2, s0;
	s1 =	sshll.u32 s1, $0x11  }
0x32: {  	s0 =	sor.u32 s1, s0  }
0x33: {  	s0 =	sadd.s32 $0x8F2B, s0  }
0x34: {  	[sflag:s0] =	ssyncadd.remote.s32 $0x1  }
0x35: {  	_ =	sfence.sel $0xFFFF  }
0x36: {  	[dreg:$0x0] =	wrdreg $0xFFFFFFFF;
	(pc) =	sbr.abs _section_cstart, $3  }
0x37: {  	[dreg:$0x1] =	wrdreg $0xFFFFFFFF  }
0x38: {  	_ =	task.clear_ibuf [dreg:s6], $0x2FFFF;
	_ =	strace $0x9FFFFFFF  }
0x39: {  	(tm) =	ssettm $0x7FFFFFFF  }
tec
execute0_lowered:
.L_overlay_start_1:
0x0: {  	(tag) =	ssettag $0x1  }
0x1: {  	s0 =	srdreg.scid  }
0x2: {  	s1 =	sshll.u32 s0, $0x4  }
0x3: {  	s4 =	rddreg [dreg:$0x0];
	s0 =	stileid.u32;
	s1 =	sand.u32 $0x10, s1  }
0x4: {  	s7 =	simm.s32 $0x1;
	s8 =	simm.s32 $0x2;
	s1 =	sor.u32 s0, s1  }
0x5: {  	s9 =	simm.s32 $0x0;
	s12 =	simm.s32 $0x0;
	s2 =	sshll.u32 s1, $0x1  }
0x6: {  	s11 =	simm.s32 $0x0;
	s3 =	sadd.s32 $0xC9600, s4;
	s6 =	ssub.s32 $0x1900, s2  }
.Ltmp0:
0x7: {  	s4 =	sadd.s32 $0x709600, s4;
	s5 =	sand.u32 $0x3E, s6;
	(pc) =	sbr.rel .LBB1_1-.Ltmp0, $4  }
0x8: {  	s1 =	rddreg [dreg:$0x1];
	_ =	strace $0x80000047;
	p0 =	sne.s32 s5, $0x0  }
0x9: {  	s6 =	sshrl.u32 s6, $0x6;
	s5 =	simm.s32 $0x1;
	s7 =	simm.s32 @!p0 $0x0  }
0xa: {  	s10 =	smov.u32 s2;
	[sflag:s5] =	ssyncpa.u1 $0x0;
	s6 =	sadd.s32 s7, s6  }
0xb: {  	[sflag:s8] =	ssyncpa.u1 $0x0;
	s8 =	simm.s32 $0x0;
	s7 =	sadd.s32 $0x1, s6  }
.LBB1_9:
0xc: {  	s14 =	sadd.s32 $0x40, s10  }
0xd: {  	p1 =	sgt.s32 s14, $0x18FF  }
0xe: {  	s14 =	smov.u32 @p1 s2;
	p1 =	sne.s32 s11, s7  }
.Ltmp1:
0xf: {  	p0 =	slt.u32 s11, $0x2;
	(pc) =	sbr.rel @!p1 .LBB1_10-.Ltmp1, $4  }
0x10: {  	s13 =	simm.s32 @!p0 $0x2  }
0x11: {  	s15 =	sadd.s32 $0x1, s11;
	_ =	swait.ge @!p0 [sflag:s13], $0x4000  }
0x12: {  	s12 =	smov.u32 s10;
	s9 =	sadd.s32 $0x4000, s9;
	[sflag:s13] =	ssyncset.done @!p0 $0x0  }
0x13: {  	s11 =	smov.u32 s15;
	s10 =	smov.u32 s14;
	[sflag:s13] =	ssyncadd.s32 @!p0 $0xFFFFC000  }
.LBB1_1:
0x14: {  	p0 =	sge.u32 s11, s6  }
0x15: {  	s13 =	sxor.u32 @!p0 $0xFFFFFFFF, s11  }
0x16: {  	s31 =	sadd.s32 $0xFFFFFFFF, s11;
	s14 =	sshll.u32 @!p0 s10, $0xA;
	s13 =	sshll.u32 @!p0 s13, $0xE  }
0x17: {  	s15 =	simm.s32 @!p0 $0x0;
	s14 =	sadd.s32 @!p0 s3, s14;
	s13 =	sand.u32 @!p0 $0x4000, s13  }
0x18: {  	[tilespmem:s13], [sflag:$0x1] =	stream.linear.gather @!p0 [hbm4b:s14+s15], $0x4000, $0x38;
	[tilespmem:$0x10000] =	vst v63  }
0x19: {  	p0 =	sge.u32 s31, s6  }
.Ltmp2:
0x1a: {  	_ = 	snop;
	(pc) =	sbr.rel @p0 .LBB1_9-.Ltmp2, $1  }
0x1b: {  	_ =	sdelay $0x3  }
0x1c: {  	s13 =	sshll.u32 s9, $0x2  }
0x1d: {  	_ =	swait.ge [sflag:s5], $0x4000;
	s14 =	sshll.u32 s11, $0xE;
	s16 =	simm.s32 $0x0  }
0x1e: {  	p1 =	por $0x1, $0x1;
	s13 =	sand.u32 $0x10000, s13;
	[sflag:s5] =	ssyncset.done $0x0  }
0x1f: {  	s14 =	sand.u32 $0x4000, s14;
	s15 =	sshrl.u32 s13, $0x2;
	[sflag:s5] =	ssyncadd.s32 $0xFFFFC000  }
0x20: {  	s13 =	sor.u32 $0x8000, s14;
	s14 =	sadd.s32 $0x8040, s15;
	s15 =	sadd.s32 $0x40, s15  }
.LBB1_3:
0x21: {  	s16 =	sshll.u32 s16, $0x2  }
0x22: {  	p0 =	por p1, p1;
	s17 =	sshra.s32 s16, $0x2  }
0x23: {  	s18 =	simm.s32 $0x0;
	s16 =	sadd.s32 s17, s14;
	s17 =	sadd.s32 s17, s15  }
.LBB1_4:
0x24: {  	v0 =	vmov s17;
	_ =	sdelay $0x3  }
0x25: {  	s20 =	simm.s32 $0x0  }
0x26: {  	v6 =	vld.idx.msk [tilespmem:v0+s20+$0x30 ss:$0x1], $0xffff  }
0x27: {  	v7 =	vld.idx.msk [tilespmem:v0+s20+$0xFFFFFFC0 ss:$0x1], $0xffff  }
0x28: {  	v5 =	vld.idx.msk [tilespmem:v0+s20+$0xFFFFFFD0 ss:$0x1], $0xffff  }
0x29: {  	v4 =	vld.idx.msk [tilespmem:v0+s20+$0xFFFFFFE0 ss:$0x1], $0xffff  }
0x2a: {  	v3 =	vld.idx.msk [tilespmem:v0+s20+$0xFFFFFFF0 ss:$0x1], $0xffff  }
0x2b: {  	v1 =	vld.idx.msk [tilespmem:v0+s20+$0x0 ss:$0x1], $0xffff  }
0x2c: {  	v2 =	vld.idx.msk [tilespmem:v0+s20+$0x10 ss:$0x1], $0xffff;
	[tilespmem:s16+$0x30] =	vst v6  }
0x2d: {  	s19 =	simm.s32 $0x80;
	s21 =	simm.s32 $0x400;
	[tilespmem:s16+$0xFFFFFFC0] =	vst v7;
	v6 =	vld.idx.msk [tilespmem:v0+s20+$0x20 ss:$0x1], $0xffff;
	s20 =	smov.u32 s16  }
.LBB1_5:
0x2e: {  	p1 =	sne.s32 s21, $0xE00;
	v7 =	vld.idx.msk [tilespmem:v0+s19+$0x30 ss:$0x1], $0xffff;
	[tilespmem:s20+$0xFFFFFFD0] =	vst v5  }
0x2f: {  	v8 =	vld.idx.msk [tilespmem:v0+s19+$0xFFFFFFC0 ss:$0x1], $0xffff;
	[tilespmem:s20+$0xFFFFFFE0] =	vst v4  }
0x30: {  	v5 =	vld.idx.msk [tilespmem:v0+s19+$0xFFFFFFD0 ss:$0x1], $0xffff;
	[tilespmem:s20+$0xFFFFFFF0] =	vst v3  }
.Ltmp3:
0x31: {  	v4 =	vld.idx.msk [tilespmem:v0+s19+$0xFFFFFFE0 ss:$0x1], $0xffff;
	[tilespmem:s20+$0x0] =	vst v1;
	(pc) =	sbr.rel @p1 .LBB1_5-.Ltmp3, $4  }
0x32: {  	v3 =	vld.idx.msk [tilespmem:v0+s19+$0xFFFFFFF0 ss:$0x1], $0xffff;
	[tilespmem:s20+$0x10] =	vst v2  }
0x33: {  	v1 =	vld.idx.msk [tilespmem:v0+s19+$0x0 ss:$0x1], $0xffff;
	[tilespmem:s20+$0x20] =	vst v6;
	s20 =	sadd.s32 $0x400, s20  }
0x34: {  	v2 =	vld.idx.msk [tilespmem:v0+s19+$0x10 ss:$0x1], $0xffff;
	[tilespmem:s20+$0x30] =	vst v7  }
0x35: {  	[tilespmem:s20+$0xFFFFFFC0] =	vst v8;
	v6 =	vld.idx.msk [tilespmem:v0+s19+$0x20 ss:$0x1], $0xffff;
	s19 =	sshra.s32 s21, $0x2;
	s21 =	sadd.s32 $0x200, s21  }
0x36: {  	_ =	sdelay $0x2  }
0x37: {  	[tilespmem:s20+$0xFFFFFFD0] =	vst v5  }
0x38: {  	v56 =	vld.idx.msk [tilespmem:v0+s19+$0x30 ss:$0x1], $0xffff;
	[tilespmem:s20+$0xFFFFFFE0] =	vst v4  }
0x39: {  	v57 =	vld.idx.msk [tilespmem:v0+s19+$0xFFFFFFC0 ss:$0x1], $0xffff;
	[tilespmem:s20+$0xFFFFFFF0] =	vst v3  }
0x3a: {  	v58 =	vld.idx.msk [tilespmem:v0+s19+$0xFFFFFFD0 ss:$0x1], $0xffff;
	[tilespmem:s20+$0x0] =	vst v1  }
0x3b: {  	v59 =	vld.idx.msk [tilespmem:v0+s19+$0xFFFFFFE0 ss:$0x1], $0xffff;
	[tilespmem:s20+$0x10] =	vst v2  }
0x3c: {  	v60 =	vld.idx.msk [tilespmem:v0+s19+$0xFFFFFFF0 ss:$0x1], $0xffff;
	s31 =	sadd.s32 $0x400, s20;
	[tilespmem:s20+$0x20] =	vst v6  }
0x3d: {  	v61 =	vld.idx.msk [tilespmem:v0+s19+$0x0 ss:$0x1], $0xffff;
	[tilespmem:s31+$0x30] =	vst v56  }
0x3e: {  	v62 =	vld.idx.msk [tilespmem:v0+s19+$0x10 ss:$0x1], $0xffff;
	s18 =	sadd.s32 $0x1, s18;
	[tilespmem:s31+$0xFFFFFFC0] =	vst v57  }
0x3f: {  	v63 =	vld.idx.msk [tilespmem:v0+s19+$0x20 ss:$0x1], $0xffff;
	p1 =	sne.s32 s18, $0x8;
	[tilespmem:s31+$0xFFFFFFD0] =	vst v58  }
.Ltmp4:
0x40: {  	[tilespmem:s31+$0xFFFFFFE0] =	vst v59;
	(pc) =	sbr.rel @p1 .LBB1_4-.Ltmp4, $4  }
0x41: {  	[tilespmem:s31+$0xFFFFFFF0] =	vst v60  }
0x42: {  	[tilespmem:s31+$0x0] =	vst v61  }
0x43: {  	[tilespmem:s31+$0x10] =	vst v62  }
0x44: {  	s16 =	sadd.s32 $0x80, s16;
	s17 =	sadd.s32 $0x400, s17;
	[tilespmem:s31+$0x20] =	vst v63  }
.Ltmp5:
0x45: {  	(pc) =	sbr.rel @p0 .LBB1_3-.Ltmp5, $2  }
0x46: {  	_ =	sdelay $0x2  }
0x47: {  	s16 =	simm.s32 $0x2000;
	p1 =	por $0x0, $0x0  }
.Ltmp6:
0x48: {  	(pc) =	sbr.rel .LBB1_9-.Ltmp6, $4  }
0x49: {  	_ = 	snop  }
0x4a: {  	s12 =	sshll.u32 s12, $0xA  }
0x4b: {  	s12 =	sadd.s32 s4, s12  }
0x4c: {  	[hbm4b:s12+s8] =	stream.linear.scatter [tilespmem:s13], [sflag:$0x2], $0x4000, $0x38;
	[tilespmem:$0x10000] =	vst v63  }
.LBB1_10:
0x4d: {  	_ =	sfence.sel $0x180000  }
0x4e: {  	s2 =	simm.s32 $0x1;
	[bflag:$0x0] =	sbarrier.arrive $0xFFFF  }
0x4f: {  	s31 =	simm.s32 $0x2;
	[sflag:s2] =	ssyncpa.u1 $0x1  }
0x50: {  	[sflag:s31] =	ssyncpa.u1 $0x1  }
0x51: {  	p0 =	sne.s32 s0, $0x0;
	_ =	strace $0x90000047  }
0x52: {  	s0 =	sadd.s32 @!p0 $0x100000, s1;
	[bflag:$0x2] =	sbarrier.arrive $0xFFFF  }
0x53: {  	[sflag:s0] =	ssyncadd.tile.s32 @!p0 $0x1;
	_ =	shalt  }
.Lfunc_end1:
_tile_overlayer_lowered:
.L_overlay_start_2:
0x54: {  	(tag) =	ssettag $0x2  }
0x55: {  	s0 =	rddreg [dreg:$0x0];
	s2 =	stileid.u32  }
0x56: {  	s1 =	rddreg [dreg:$0x1];
	p0 =	sne.s32 s2, $0x0  }
0x57: {  	s3 =	rddreg [dreg:$0x2];
	[bflag:$0x3] =	sbarrier.arrive $0xFFFF;
	s2 =	simm.s32 @!p0 $0x1C01  }
0x58: {  	[timem:s3], [sflag:s2] =	dma.local @!p0 [hbm:s0], s1  }
0x59: {  	s0 =	simm.s32 @!p0 $0x1  }
0x5a: {  	_ =	swait.ge @!p0 [sflag:s0], s1  }
0x5b: {  	s1 =	ssub.s32 @!p0 $0x0, s1;
	[sflag:s0] =	ssyncset.done @!p0 $0x0  }
0x5c: {  	[sflag:s0] =	ssyncadd.s32 @!p0 s1  }
0x5d: {  	[bflag:$0x3] =	sbarrier.arrive $0xFFFF  }
0x5e: {  	_ =	shalt  }

// kernel: sparse-core-data-format-call.cloned.1.call-start
scs
called_computation_lowered:
.L_overlay_start_0:
0x0: {  	s1 =	sld [smem:$0x3FD9]  }
0x1: {  	s2 =	sld [smem:$0x3FFE];
	_ =	sdelay $0x1  }
0x2: {  	s3 =	srdreg.scid  }
0x3: {  	s0 =	sand.u32 $0x1, s3  }
0x4: {  	s17 =	sshll.u32 s0, $0xA;
	s1 =	sadd.s32 s2, s1  }
0x5: {  	s1 =	sadd.s32 s1, s17  }
0x6: {  	[smem:$0x3FC2] =	sst s1  }
0x7: {  	_ = 	snop  }
0x8: {  	(tm) =	ssettm $0x1  }
0x9: {  	s18 =	sld [smem:$0x3FFB];
	_ =	sdelay $0x3  }
0xa: {  	_ =	strace s18  }
0xb: {  	s1 =	sld [smem:$0x3FFC];
	_ =	sdelay $0x3  }
0xc: {  	_ =	strace s1  }
0xd: {  	s1 =	sld [smem:$0x3FFD];
	_ =	sdelay $0x3  }
0xe: {  	_ =	strace s1  }
0xf: {  	_ =	strace $0x8FFFFFFF  }
0x10: {  	s19 =	sld [smem:$0x3FDB];
	_ =	sdelay $0x1  }
0x11: {  	s20 =	simm.s32 $_scs_section_size  }
0x12: {  	s4 =	simm.s32 $_size__tile_overlayer_lowered;
	s5 =	simm.s32 $_tile_overlayer_lowered  }
0x13: {  	s23 =	simm.s32 $0x1BFF;
	s22 =	sshll.u32 s5, $0x1;
	s1 =	sadd.s32 s20, s19  }
0x14: {  	s6 =	simm.s32 $0x0;
	s21 =	sshll.u32 s4, $0x1;
	s4 =	sadd.s32 s22, s1  }
0x15: {  	[timem:s6], [sflag:s23] =	dma.local [hbm:s4], s21  }
0x16: {  	_ =	swait.ge [sflag:s23], s21  }
0x17: {  	s2 =	ssub.s32 $0x0, s21;
	[sflag:s23] =	ssyncset.done $0x0  }
0x18: {  	[sflag:s23] =	ssyncadd.s32 s2;
	_ =	sdelay $0x1  }
0x19: {  	s24 =	simm.s32 $0x1B8B  }
0x1a: {  	_ =	swait.ge [sflag:s24], $0x1  }
0x1b: {  	[sflag:s24] =	ssyncset.done $0x0  }
0x1c: {  	s26 =	simm.s32 $0x1B8E;
	s25 =	sld [smem:$0x3FFE];
	[sflag:s24] =	ssyncadd.s32 $0xFFFFFFFF  }
0x1d: {  	s27 =	simm.s32 $execute0_lowered;
	[smem:$0x3FD2] =	sst s26  }
0x1e: {  	s4 =	sshll.u32 s27, $0x1;
	_ =	strace $0x8000004C;
	[dreg:$0x1] =	wrdreg $0xFFFFFFFF  }
0x1f: {  	s28 =	simm.s32 $_size_execute0_lowered;
	s1 =	sadd.s32 s1, s4;
	[dreg:$0x0] =	wrdreg $0x0  }
0x20: {  	s4 =	sshll.u32 s28, $0x1;
	[dreg:$0x2] =	wrdreg s1  }
0x21: {  	[dreg:$0x3] =	wrdreg s4  }
0x22: {  	[dreg:$0x4] =	wrdreg $0xC0  }
0x23: {  	_ =	task [dreg:s6], $0x5FFFF  }
0x24: {  	[dreg:$0x1] =	wrdreg $0xFFFFFFFF  }
0x25: {  	[dreg:$0x0] =	wrdreg $0x60  }
0x26: {  	[dreg:$0x2] =	wrdreg s25  }
0x27: {  	[dreg:$0x3] =	wrdreg $0x9  }
0x28: {  	_ =	task.clear_ibuf [dreg:s6], $0x4FFFF;
	_ =	strace $0x9000004C  }
0x29: {  	s29 =	simm.s32 $0x9;
	_ =	strace $0x8000004E  }
0x2a: {  	_ =	swait.ge [sflag:s29], $0x1  }
0x2b: {  	[sflag:s29] =	ssyncadd.s32 $0xFFFFFFFF  }
0x2c: {  	_ =	strace $0x9000004E  }
0x2d: {  	_ =	sfence  }
0x2e: {  	s30 =	sld [smem:$0x0];
	_ =	sdelay $0x2  }
0x2f: {  	s31 =	sshll.u32 s3, $0xD;
	s3 =	sshrl.u32 s3, $0x2  }
0x30: {  	s2 =	sand.u32 $0x4000, s31;
	s1 =	sadd.s32 s3, s30  }
0x31: {  	s0 =	sor.u32 s2, s0;
	s1 =	sshll.u32 s1, $0x11  }
0x32: {  	s0 =	sor.u32 s1, s0  }
0x33: {  	s0 =	sadd.s32 $0x8F2B, s0  }
0x34: {  	[sflag:s0] =	ssyncadd.remote.s32 $0x1  }
0x35: {  	_ =	sfence.sel $0xFFFF  }
0x36: {  	[dreg:$0x0] =	wrdreg $0xFFFFFFFF;
	(pc) =	sbr.abs _section_cstart, $3  }
0x37: {  	[dreg:$0x1] =	wrdreg $0xFFFFFFFF  }
0x38: {  	_ =	task.clear_ibuf [dreg:s6], $0x2FFFF;
	_ =	strace $0x9FFFFFFF  }
0x39: {  	(tm) =	ssettm $0x7FFFFFFF  }
tec
execute0_lowered:
.L_overlay_start_1:
0x0: {  	(tag) =	ssettag $0x1  }
0x1: {  	s0 =	srdreg.scid  }
0x2: {  	s1 =	sshll.u32 s0, $0x4  }
0x3: {  	s4 =	rddreg [dreg:$0x0];
	s0 =	stileid.u32;
	s1 =	sand.u32 $0x10, s1  }
0x4: {  	s7 =	simm.s32 $0x1;
	s8 =	simm.s32 $0x2;
	s2 =	sor.u32 s0, s1  }
0x5: {  	s9 =	simm.s32 $0x0;
	s12 =	simm.s32 $0x0;
	s2 =	sshll.u32 s2, $0x2  }
0x6: {  	s11 =	simm.s32 $0x0;
	s3 =	sadd.s32 $0x12D600, s4;
	s6 =	ssub.s32 $0x1900, s2  }
.Ltmp0:
0x7: {  	s4 =	sadd.s32 $0x44D600, s4;
	s5 =	sand.u32 $0x7C, s6;
	(pc) =	sbr.rel .LBB1_1-.Ltmp0, $4  }
0x8: {  	s1 =	rddreg [dreg:$0x1];
	_ =	strace $0x8000004D;
	p0 =	sne.s32 s5, $0x0  }
0x9: {  	s6 =	sshrl.u32 s6, $0x7;
	s5 =	simm.s32 $0x1;
	s7 =	simm.s32 @!p0 $0x0  }
0xa: {  	s10 =	smov.u32 s2;
	[sflag:s5] =	ssyncpa.u1 $0x0;
	s6 =	sadd.s32 s7, s6  }
0xb: {  	[sflag:s8] =	ssyncpa.u1 $0x0;
	s8 =	simm.s32 $0x0;
	s7 =	sadd.s32 $0x1, s6  }
.LBB1_9:
0xc: {  	s14 =	sadd.s32 $0x80, s10  }
0xd: {  	p1 =	sgt.s32 s14, $0x18FF  }
0xe: {  	s14 =	smov.u32 @p1 s2;
	p1 =	sne.s32 s11, s7  }
.Ltmp1:
0xf: {  	p0 =	slt.u32 s11, $0x2;
	(pc) =	sbr.rel @!p1 .LBB1_10-.Ltmp1, $4  }
0x10: {  	s13 =	simm.s32 @!p0 $0x2  }
0x11: {  	s15 =	sadd.s32 $0x1, s11;
	_ =	swait.ge @!p0 [sflag:s13], $0x4000  }
0x12: {  	s12 =	smov.u32 s10;
	s9 =	sadd.s32 $0x4000, s9;
	[sflag:s13] =	ssyncset.done @!p0 $0x0  }
0x13: {  	s11 =	smov.u32 s15;
	s10 =	smov.u32 s14;
	[sflag:s13] =	ssyncadd.s32 @!p0 $0xFFFFC000  }
.LBB1_1:
0x14: {  	p0 =	sge.u32 s11, s6  }
0x15: {  	s13 =	sxor.u32 @!p0 $0xFFFFFFFF, s11  }
0x16: {  	s31 =	sadd.s32 $0xFFFFFFFF, s11;
	s14 =	sshll.u32 @!p0 s10, $0x9;
	s13 =	sshll.u32 @!p0 s13, $0xE  }
0x17: {  	s15 =	simm.s32 @!p0 $0x0;
	s14 =	sadd.s32 @!p0 s3, s14;
	s13 =	sand.u32 @!p0 $0x4000, s13  }
0x18: {  	[tilespmem:s13], [sflag:$0x1] =	stream.linear.gather @!p0 [hbm4b:s14+s15], $0x4000, $0x38;
	[tilespmem:$0x10000] =	vst v63  }
0x19: {  	p0 =	sge.u32 s31, s6  }
.Ltmp2:
0x1a: {  	_ = 	snop;
	(pc) =	sbr.rel @p0 .LBB1_9-.Ltmp2, $1  }
0x1b: {  	_ =	sdelay $0x3  }
0x1c: {  	s14 =	sand.u32 $0x4000, s9  }
0x1d: {  	_ =	swait.ge [sflag:s5], $0x4000;
	s15 =	sshll.u32 s11, $0xE;
	s16 =	simm.s32 $0x0  }
0x1e: {  	s13 =	sor.u32 $0x40, s14;
	[sflag:s5] =	ssyncset.done $0x0;
	s15 =	sand.u32 $0x4000, s15  }
0x1f: {  	s14 =	sor.u32 $0x8040, s14;
	[sflag:s5] =	ssyncadd.s32 $0xFFFFC000;
	s15 =	sor.u32 $0x8000, s15  }
.LBB1_3:
0x20: {  	s17 =	smov.u32 s14;
	s18 =	smov.u32 s13;
	s19 =	simm.s32 $0x0  }
.LBB1_4:
0x21: {  	v0 =	vmov s17;
	v2 =	vld [tilespmem:s18+$0x30]  }
0x22: {  	v4 =	vld [tilespmem:s18+$0xFFFFFFD0]  }
0x23: {  	v6 =	vld [tilespmem:s18+$0xFFFFFFE0]  }
0x24: {  	v7 =	vld [tilespmem:s18+$0xFFFFFFF0]  }
0x25: {  	s20 =	simm.s32 $0x0;
	v1 =	vld [tilespmem:s18+$0x0]  }
0x26: {  	v3 =	vld [tilespmem:s18+$0x10];
	[tilespmem:v0+s20+$0x30 ss:$0x1] =	vst.idx.msk $0xffff, v2  }
0x27: {  	v5 =	vld [tilespmem:s18+$0x20];
	[tilespmem:v0+s20+$0xFFFFFFD0 ss:$0x1] =	vst.idx.msk $0xffff, v4  }
0x28: {  	s21 =	sadd.s32 $0x80, s18;
	v2 =	vld [tilespmem:s18+$0xFFFFFFC0];
	[tilespmem:v0+s20+$0xFFFFFFE0 ss:$0x1] =	vst.idx.msk $0xffff, v6  }
0x29: {  	s22 =	simm.s32 $0x800;
	s23 =	simm.s32 $0x1000;
	v4 =	vld [tilespmem:s21+$0x30];
	[tilespmem:v0+s20+$0xFFFFFFF0 ss:$0x1] =	vst.idx.msk $0xffff, v7  }
.LBB1_5:
0x2a: {  	p0 =	sne.s32 s23, $0x3800;
	v6 =	vld [tilespmem:s21+$0xFFFFFFD0];
	[tilespmem:v0+s20+$0x0 ss:$0x1] =	vst.idx.msk $0xffff, v1  }
0x2b: {  	v7 =	vld [tilespmem:s21+$0xFFFFFFE0];
	[tilespmem:v0+s20+$0x10 ss:$0x1] =	vst.idx.msk $0xffff, v3  }
0x2c: {  	v8 =	vld [tilespmem:s21+$0xFFFFFFF0];
	[tilespmem:v0+s20+$0x20 ss:$0x1] =	vst.idx.msk $0xffff, v5  }
.Ltmp3:
0x2d: {  	v1 =	vld [tilespmem:s21+$0x0];
	[tilespmem:v0+s20+$0xFFFFFFC0 ss:$0x1] =	vst.idx.msk $0xffff, v2;
	s20 =	sshra.s32 s22, $0x2;
	s22 =	smov.u32 s23;
	(pc) =	sbr.rel @p0 .LBB1_5-.Ltmp3, $4  }
0x2e: {  	v3 =	vld [tilespmem:s21+$0x10];
	[tilespmem:v0+s20+$0x30 ss:$0x1] =	vst.idx.msk $0xffff, v4  }
0x2f: {  	[tilespmem:v0+s20+$0xFFFFFFD0 ss:$0x1] =	vst.idx.msk $0xffff, v6;
	v5 =	vld [tilespmem:s21+$0x20]  }
0x30: {  	v2 =	vld [tilespmem:s21+$0xFFFFFFC0];
	[tilespmem:v0+s20+$0xFFFFFFE0 ss:$0x1] =	vst.idx.msk $0xffff, v7;
	s21 =	sadd.s32 $0x80, s21  }
0x31: {  	s23 =	sadd.s32 $0x800, s23;
	v4 =	vld [tilespmem:s21+$0x30];
	[tilespmem:v0+s20+$0xFFFFFFF0 ss:$0x1] =	vst.idx.msk $0xffff, v8  }
0x32: {  	_ =	sdelay $0x3  }
0x33: {  	v6 =	vld [tilespmem:s21+$0xFFFFFFD0];
	[tilespmem:v0+s20+$0x0 ss:$0x1] =	vst.idx.msk $0xffff, v1  }
0x34: {  	v58 =	vld [tilespmem:s21+$0xFFFFFFE0];
	[tilespmem:v0+s20+$0x10 ss:$0x1] =	vst.idx.msk $0xffff, v3  }
0x35: {  	v59 =	vld [tilespmem:s21+$0xFFFFFFF0];
	[tilespmem:v0+s20+$0x20 ss:$0x1] =	vst.idx.msk $0xffff, v5  }
0x36: {  	s22 =	sshra.s32 s22, $0x2;
	v60 =	vld [tilespmem:s21+$0x0];
	[tilespmem:v0+s20+$0xFFFFFFC0 ss:$0x1] =	vst.idx.msk $0xffff, v2  }
0x37: {  	v61 =	vld [tilespmem:s21+$0x10];
	[tilespmem:v0+s22+$0x30 ss:$0x1] =	vst.idx.msk $0xffff, v4  }
0x38: {  	v62 =	vld [tilespmem:s21+$0x20];
	s19 =	sadd.s32 $0x1, s19;
	[tilespmem:v0+s22+$0xFFFFFFD0 ss:$0x1] =	vst.idx.msk $0xffff, v6  }
0x39: {  	v63 =	vld [tilespmem:s21+$0xFFFFFFC0];
	p0 =	sne.s32 s19, $0x4;
	[tilespmem:v0+s22+$0xFFFFFFE0 ss:$0x1] =	vst.idx.msk $0xffff, v58  }
.Ltmp4:
0x3a: {  	[tilespmem:v0+s22+$0xFFFFFFF0 ss:$0x1] =	vst.idx.msk $0xffff, v59;
	(pc) =	sbr.rel @p0 .LBB1_4-.Ltmp4, $4  }
0x3b: {  	[tilespmem:v0+s22+$0x0 ss:$0x1] =	vst.idx.msk $0xffff, v60  }
0x3c: {  	[tilespmem:v0+s22+$0x10 ss:$0x1] =	vst.idx.msk $0xffff, v61  }
0x3d: {  	[tilespmem:v0+s22+$0x20 ss:$0x1] =	vst.idx.msk $0xffff, v62  }
0x3e: {  	s18 =	sadd.s32 $0x400, s18;
	s17 =	sadd.s32 $0x80, s17;
	[tilespmem:v0+s22+$0xFFFFFFC0 ss:$0x1] =	vst.idx.msk $0xffff, v63  }
0x3f: {  	s16 =	sadd.s32 $0x1, s16  }
0x40: {  	p0 =	sne.s32 s16, $0x4  }
.Ltmp5:
0x41: {  	_ = 	snop;
	(pc) =	sbr.rel @p0 .LBB1_3-.Ltmp5, $2  }
0x42: {  	_ =	sdelay $0x2  }
0x43: {  	s13 =	sadd.s32 $0x1000, s13;
	s14 =	sadd.s32 $0x1000, s14  }
.Ltmp6:
0x44: {  	(pc) =	sbr.rel .LBB1_9-.Ltmp6, $4  }
0x45: {  	_ = 	snop  }
0x46: {  	s12 =	sshll.u32 s12, $0x9  }
0x47: {  	s12 =	sadd.s32 s4, s12  }
0x48: {  	[hbm4b:s12+s8] =	stream.linear.scatter [tilespmem:s15], [sflag:$0x2], $0x4000, $0x38;
	[tilespmem:$0x10000] =	vst v63  }
.LBB1_10:
0x49: {  	_ =	sfence.sel $0x180000  }
0x4a: {  	s2 =	simm.s32 $0x1;
	[bflag:$0x0] =	sbarrier.arrive $0xFFFF  }
0x4b: {  	s31 =	simm.s32 $0x2;
	[sflag:s2] =	ssyncpa.u1 $0x1  }
0x4c: {  	[sflag:s31] =	ssyncpa.u1 $0x1  }
0x4d: {  	p0 =	sne.s32 s0, $0x0;
	_ =	strace $0x9000004D  }
0x4e: {  	s0 =	sadd.s32 @!p0 $0x100000, s1;
	[bflag:$0x2] =	sbarrier.arrive $0xFFFF  }
0x4f: {  	[sflag:s0] =	ssyncadd.tile.s32 @!p0 $0x1;
	_ =	shalt  }
.Lfunc_end1:
_tile_overlayer_lowered:
.L_overlay_start_2:
0x50: {  	(tag) =	ssettag $0x2  }
0x51: {  	s0 =	rddreg [dreg:$0x0];
	s2 =	stileid.u32  }
0x52: {  	s1 =	rddreg [dreg:$0x1];
	p0 =	sne.s32 s2, $0x0  }
0x53: {  	s3 =	rddreg [dreg:$0x2];
	[bflag:$0x3] =	sbarrier.arrive $0xFFFF;
	s2 =	simm.s32 @!p0 $0x1C01  }
0x54: {  	[timem:s3], [sflag:s2] =	dma.local @!p0 [hbm:s0], s1  }
0x55: {  	s0 =	simm.s32 @!p0 $0x1  }
0x56: {  	_ =	swait.ge @!p0 [sflag:s0], s1  }
0x57: {  	s1 =	ssub.s32 @!p0 $0x0, s1;
	[sflag:s0] =	ssyncset.done @!p0 $0x0  }
0x58: {  	[sflag:s0] =	ssyncadd.s32 @!p0 s1  }
0x59: {  	[bflag:$0x3] =	sbarrier.arrive $0xFFFF  }
0x5a: {  	_ =	shalt  }

</sc_bundles>
